<compile_context>
chip_gen: v7x
topology: tpu7x:2x2x1
jax: 0.10.2.dev20260603
libtpu: 0.0.44.dev20260713+nightly
codegen_flags: <defaults>
</compile_context>

<pallas_src>
import functools

import jax
import jax.numpy as jnp
from jax import lax
from jax.experimental import pallas as pl
from jax.experimental.pallas import tpu as pltpu
from jax.experimental.pallas import tpu_sc as plsc

DIM = 768
HID = 2304
E = 8
EPS = 1e-06
TM = 512
NC, NS = 2, 16
NW = NC * NS


def _router_body(x_ref, rms_ref, rw_ref, alpha_ref, normed_ref, pos_ref,
                 wts_ref, counts_ref):
    xb = x_ref[...]
    T = xb.shape[0]
    ms = jnp.mean(xb * xb, axis=1, keepdims=True)
    normed = xb * lax.rsqrt(ms + EPS) * rms_ref[...]
    normed_ref[...] = normed
    logits = lax.dot_general(normed, rw_ref[...], (((1,), (1,)), ((), ())),
                             preferred_element_type=jnp.float32)
    m1 = jnp.max(logits, axis=1, keepdims=True)
    eq1 = logits == m1
    cols, acc = [], jnp.zeros((T, 1), jnp.float32)
    for i in range(E):
        cols.append(acc)
        acc = acc + eq1[:, i:i + 1].astype(jnp.float32)
    mask1 = eq1 & (jnp.concatenate(cols, axis=1) == 0.0)
    l2 = jnp.where(mask1, -1e30, logits)
    m2 = jnp.max(l2, axis=1, keepdims=True)
    eq2 = l2 == m2
    cols, acc = [], jnp.zeros((T, 1), jnp.float32)
    for i in range(E):
        cols.append(acc)
        acc = acc + eq2[:, i:i + 1].astype(jnp.float32)
    mask2 = eq2 & (jnp.concatenate(cols, axis=1) == 0.0)
    z = jnp.exp(m2 - m1)
    alpha = alpha_ref[0, 0]
    w0 = alpha / (1.0 + z)
    w1 = alpha * z / (1.0 + z)
    wts_ref[...] = jnp.concatenate(
        [jnp.broadcast_to(w0, w0.shape[:1] + (16,)),
         jnp.broadcast_to(w1, w1.shape[:1] + (16,))], axis=1)

    sel = mask1.astype(jnp.float32) + mask2.astype(jnp.float32)
    csum = sel
    sh = 1
    while sh < T:
        csum = csum + jnp.concatenate(
            [jnp.zeros((sh, E), jnp.float32), csum[:T - sh]], axis=0)
        sh *= 2
    cexcl = csum - sel
    counts = csum[T - 1:T, :]
    counts_ref[...] = counts.astype(jnp.int32)
    cols, acc = [], jnp.zeros((1, 1), jnp.float32)
    for i in range(E):
        cols.append(acc)
        acc = acc + counts[:, i:i + 1]
    offb = jnp.concatenate(cols, axis=1)
    posmat = offb + cexcl
    pos0 = jnp.sum(jnp.where(mask1, posmat, 0.0), axis=1)[None, :]
    pos1 = jnp.sum(jnp.where(mask2, posmat, 0.0), axis=1)[None, :]
    pos_ref[...] = jnp.concatenate([pos0, pos1], axis=0).astype(jnp.int32)


def _router_call(flat, rms_w, router_w, alpha):
    T, D = flat.shape
    return pl.pallas_call(
        _router_body,
        out_shape=(
            jax.ShapeDtypeStruct((T, D), jnp.float32),
            jax.ShapeDtypeStruct((2, T), jnp.int32),
            jax.ShapeDtypeStruct((T, 32), jnp.float32),
            jax.ShapeDtypeStruct((1, E), jnp.int32),
        ),
    )(flat, rms_w.reshape(1, D), router_w, alpha)


def _dispatch_call(normed, pos0, pos1):
    T, D = normed.shape
    CH = T // NW
    mesh = plsc.VectorSubcoreMesh(core_axis_name="c", subcore_axis_name="s")

    def body(normed_hbm, p0_hbm, p1_hbm, xs_hbm, i0_v, i1_v, rows_v, sem):
        wid = lax.axis_index("s") * NC + lax.axis_index("c")
        base = wid * CH
        pltpu.sync_copy(p0_hbm.at[pl.ds(base, CH)], i0_v)
        pltpu.sync_copy(p1_hbm.at[pl.ds(base, CH)], i1_v)
        pltpu.sync_copy(normed_hbm.at[pl.ds(base, CH)], rows_v)
        pltpu.async_copy(rows_v, xs_hbm.at[i0_v], sem).wait()
        pltpu.async_copy(rows_v, xs_hbm.at[i1_v], sem).wait()

    return pl.kernel(
        body,
        out_type=jax.ShapeDtypeStruct((2 * T, D), jnp.float32),
        mesh=mesh,
        scratch_types=[
            pltpu.VMEM((CH,), jnp.int32),
            pltpu.VMEM((CH,), jnp.int32),
            pltpu.VMEM((CH, D), jnp.float32),
            pltpu.SemaphoreType.DMA,
        ],
    )(normed, pos0, pos1)


def _combine_call(flat, ys, pos0, pos1, wts):
    M, D = ys.shape
    T = M // 2
    CH = T // NW
    NK = D // 16
    mesh = plsc.VectorSubcoreMesh(core_axis_name="c", subcore_axis_name="s")

    def body(x_hbm, ys_hbm, p0_hbm, p1_hbm, w_hbm, out_hbm,
             i_v, g_v, acc_v, w_v, sem):
        wid = lax.axis_index("s") * NC + lax.axis_index("c")
        base = wid * CH
        pltpu.sync_copy(w_hbm.at[pl.ds(32 * base, 32 * CH)], w_v)
        pltpu.sync_copy(x_hbm.at[pl.ds(base, CH)], acc_v)

        def accum(col):
            def row(j, carry):
                w = w_v[pl.ds(j * 32 + col * 16, 16)]
                for k in range(NK):
                    sl = pl.ds(k * 16, 16)
                    acc_v[j, sl] = acc_v[j, sl] + w * g_v[j, sl]
                return carry
            lax.fori_loop(0, CH, row, 0)

        pltpu.sync_copy(p0_hbm.at[pl.ds(base, CH)], i_v)
        pltpu.async_copy(ys_hbm.at[i_v], g_v, sem).wait()
        accum(0)
        pltpu.sync_copy(p1_hbm.at[pl.ds(base, CH)], i_v)
        pltpu.async_copy(ys_hbm.at[i_v], g_v, sem).wait()
        accum(1)
        pltpu.sync_copy(acc_v, out_hbm.at[pl.ds(base, CH)])

    return pl.kernel(
        body,
        out_type=jax.ShapeDtypeStruct((T, D), jnp.float32),
        mesh=mesh,
        scratch_types=[
            pltpu.VMEM((CH,), jnp.int32),
            pltpu.VMEM((CH, D), jnp.float32),
            pltpu.VMEM((CH, D), jnp.float32),
            pltpu.VMEM((32 * CH,), jnp.float32),
            pltpu.SemaphoreType.DMA,
        ],
    )(flat, ys, pos0, pos1, wts.reshape(32 * T))


def _schedule(counts, M):
    ntiles = M // TM
    nstep = ntiles + E - 1
    offs = jnp.concatenate(
        [jnp.zeros((1,), jnp.int32), jnp.cumsum(counts, dtype=jnp.int32)])
    lo = jnp.minimum(offs[:E] // TM, ntiles - 1)
    hi_ne = jnp.maximum(offs[1:] - 1, 0) // TM
    hi = jnp.maximum(jnp.where(counts > 0, hi_ne, lo), lo)
    span = hi - lo + 1
    sg = jnp.concatenate(
        [jnp.zeros((1,), jnp.int32), jnp.cumsum(span, dtype=jnp.int32)])
    i_arr = jnp.arange(nstep, dtype=jnp.int32)
    gidx = jnp.clip(
        jnp.sum((sg[None, :E] <= i_arr[:, None]).astype(jnp.int32), axis=1)
        - 1, 0, E - 1)
    j_arr = jnp.clip(lo[gidx] + (i_arr - sg[gidx]), 0, ntiles - 1)
    valid = i_arr < sg[E]
    rs = jnp.where(valid, jnp.maximum(offs[gidx], j_arr * TM), 0)
    re = jnp.where(valid, jnp.minimum(offs[gidx + 1], (j_arr + 1) * TM), 0)
    fv = jnp.concatenate(
        [jnp.ones((1,), jnp.int32),
         (j_arr[1:] != j_arr[:-1]).astype(jnp.int32)])
    return jnp.stack([j_arr, gidx, rs, re, fv])


HC = HID // 2


def _gmm_body(s_ref, xs_ref, gw_ref, uw_ref, dw_ref, ys_ref):
    i = pl.program_id(0)
    c = pl.program_id(1)
    j = s_ref[0, i]
    rs = s_ref[2, i]
    re = s_ref[3, i]
    fv = s_ref[4, i]
    lhs = xs_ref[...].astype(jnp.bfloat16)
    gate = lax.dot_general(lhs, gw_ref[0, 0].astype(jnp.bfloat16),
                           (((1,), (1,)), ((), ())),
                           preferred_element_type=jnp.float32)
    up = lax.dot_general(lhs, uw_ref[0, 0].astype(jnp.bfloat16),
                         (((1,), (1,)), ((), ())),
                         preferred_element_type=jnp.float32)
    hidden = (gate * jax.nn.sigmoid(gate) * up).astype(jnp.bfloat16)
    y = lax.dot_general(hidden, dw_ref[0].astype(jnp.bfloat16),
                        (((1,), (1,)), ((), ())),
                        preferred_element_type=jnp.float32)
    rows = j * TM + lax.broadcasted_iota(jnp.int32, (TM, 1), 0)
    contrib = jnp.where((rows >= rs) & (rows < re), y, 0.0)

    @pl.when((fv == 1) & (c == 0))
    def _():
        ys_ref[...] = contrib

    @pl.when((fv == 0) | (c != 0))
    def _():
        ys_ref[...] += contrib


def _gmm_call(xs, gate_up_w, down_w, sched):
    M, D = xs.shape
    nstep = sched.shape[1]
    guw4 = gate_up_w.reshape(E, 4, HC, D)
    grid_spec = pltpu.PrefetchScalarGridSpec(
        num_scalar_prefetch=1,
        grid=(nstep, 2),
        in_specs=[
            pl.BlockSpec((TM, D), lambda i, c, s: (s[0, i], 0)),
            pl.BlockSpec((1, 1, HC, D), lambda i, c, s: (s[1, i], c, 0, 0)),
            pl.BlockSpec((1, 1, HC, D),
                         lambda i, c, s: (s[1, i], c + 2, 0, 0)),
            pl.BlockSpec((1, D, HC), lambda i, c, s: (s[1, i], 0, c)),
        ],
        out_specs=pl.BlockSpec((TM, D), lambda i, c, s: (s[0, i], 0)),
    )
    return pl.pallas_call(
        _gmm_body,
        grid_spec=grid_spec,
        out_shape=jax.ShapeDtypeStruct((M, D), jnp.float32),
        compiler_params=pltpu.CompilerParams(
            dimension_semantics=("arbitrary", "arbitrary")),
    )(sched, xs, guw4, guw4, down_w)


def kernel(x, rms_w, router_w, gate_up_w, down_w, residual_alpha):
    B, S, D = x.shape
    T = B * S
    M = 2 * T
    flat = x.reshape(T, D)
    alpha = jnp.clip(residual_alpha, -0.5, 2.0).reshape(1, 1)

    normed, pos, wts, counts = _router_call(flat, rms_w, router_w, alpha)
    pos0 = pos[0]
    pos1 = pos[1]
    sched = _schedule(counts[0], M)
    xs = _dispatch_call(normed, pos0, pos1)
    ys = _gmm_call(xs, gate_up_w, down_w, sched)
    out = _combine_call(flat, ys, pos0, pos1, wts)
    return out.reshape(B, S, D)

# --- scband reference (transcript-rebuilt; emitter-appended) ---
"""Pipeline reference for scband-mo-effnblock-24395414241304 (READ-ONLY COPY).

The authoritative reference and input builder live on the scoring server;
editing this copy changes nothing except your own understanding.
"""

import jax, jax.numpy as jnp
import numpy as np

DIM = 768
HID = 2304
E = 8
K = 2
EPS = 1e-06


def setup_inputs(seed: int = 0) -> dict:
    key = jax.random.key(seed)
    ks = jax.random.split(key, 4)
    x = jax.random.normal(ks[0], (1, 2048, DIM), dtype=jnp.float32)
    rms_w = jnp.ones((DIM,), dtype=jnp.float32)
    router_w = jax.random.normal(ks[1], (E, DIM), dtype=jnp.float32) * 0.02
    s = 0.02 / np.sqrt(E)
    gate_up_w = jax.random.normal(ks[2], (E, 2 * HID, DIM), dtype=jnp.float32) * s
    down_w = jax.random.normal(ks[3], (E, DIM, HID), dtype=jnp.float32) * s
    residual_alpha = jnp.asarray(1.0, dtype=jnp.float32)
    return {
        'x': x,
        'rms_w': rms_w,
        'router_w': router_w,
        'gate_up_w': gate_up_w,
        'down_w': down_w,
        'residual_alpha': residual_alpha,
    }


def reference(x, rms_w, router_w, gate_up_w, down_w, residual_alpha):
    B, S, D = x.shape
    # RMSNorm
    ms = jnp.mean(x * x, axis=-1, keepdims=True)
    normed = x * jax.lax.rsqrt(ms + EPS) * rms_w
    flat = normed.reshape(-1, D)  # [T, D]
    # Router: linear -> top-k -> softmax over selected logits
    logits = flat @ router_w.T  # [T, E]
    top_vals, top_idx = jax.lax.top_k(logits, K)
    weights = jax.nn.softmax(top_vals, axis=-1)  # [T, K]
    # Dispatch (capacity_factor = inf -> no token dropping): dense per-expert
    # compute with routing-weight masking, mathematically identical to
    # gather/scatter dispatch without dropping.
    moe = jnp.zeros_like(flat)
    for e in range(E):
        w_e = jnp.sum(jnp.where(top_idx == e, weights, 0.0), axis=-1)  # [T]
        gu = flat @ gate_up_w[e].T  # [T, 2H]
        gate, up = jnp.split(gu, 2, axis=-1)
        hidden = jax.nn.silu(gate) * up
        y_e = hidden @ down_w[e].T  # [T, D]
        moe = moe + w_e[:, None] * y_e
    # identity_init=False -> warmup_scale == 1.0
    alpha = jnp.clip(residual_alpha, -0.5, 2.0)
    return x + alpha * moe.reshape(B, S, D)

if __name__ == "__main__":
    import jax
    _d = setup_inputs()
    print(jax.jit(kernel)(*tuple(_d.values())))

</pallas_src>

<mosaic_0001>
#map = affine_map<(d0, d1) -> (0, 0)>
#map1 = affine_map<(d0, d1) -> (0)>
module attributes {stable_mosaic.version = 14 : i64} {
  func.func @body(%arg0: i32, %arg1: i32, %arg2: memref<2048x768xf32, #tpu.memory_space<hbm>>, %arg3: memref<4096x768xf32, #tpu.memory_space<hbm>>, %arg4: memref<2048xi32, #tpu.memory_space<hbm>>, %arg5: memref<2048xi32, #tpu.memory_space<hbm>>, %arg6: memref<65536xf32, #tpu.memory_space<hbm>>, %arg7: memref<2048x768xf32, #tpu.memory_space<hbm>>, %arg8: memref<64xi32, #tpu.memory_space<vmem>>, %arg9: memref<64x768xf32, #tpu.memory_space<vmem>>, %arg10: memref<64x768xf32, #tpu.memory_space<vmem>>, %arg11: memref<2048xf32, #tpu.memory_space<vmem>>, %arg12: memref<!tpu.dma_semaphore, #tpu.memory_space<semaphore_mem>>) attributes {dimension_semantics = [#tpu.dimension_semantics<core_parallel>, #tpu.dimension_semantics<subcore_parallel>], iteration_bounds = array<i64: 2, 16>, scalar_prefetch = 0 : i64, scratch_operands = 5 : i64, tpu.core_type = #tpu.core_type<sc_vector_subcore>, window_params = [{transform_indices = #map}, {transform_indices = #map}, {transform_indices = #map1}, {transform_indices = #map1}, {transform_indices = #map1}, {transform_indices = #map}]} {
    %mul3A = arith.constant 2 : i32
    %mul3A_0 = arith.muli %arg1, %mul3A : i32
    %add3A = arith.addi %mul3A_0, %arg0 : i32
    %mul3A_1 = arith.constant 64 : i32
    %mul3A_2 = arith.muli %add3A, %mul3A_1 : i32
    %mul3A_3 = arith.constant 32 : i32
    %mul3A_4 = arith.muli %mul3A_3, %mul3A_2 : i32
    "tpu.region"() ({
      %run_scoped3A = tpu.sem_alloc : memref<!tpu.dma_semaphore, #tpu.memory_space<semaphore_mem>>
      %dma_start3A_26 = tpu.memref_slice %arg6[%mul3A_4] : memref<65536xf32, #tpu.memory_space<hbm>> -> memref<2048xf32, #tpu.memory_space<hbm>>
      %dma_start3A_27 = tpu.memref_slice %arg6[%mul3A_4] : memref<65536xf32, #tpu.memory_space<hbm>> -> memref<2048xf32, #tpu.memory_space<hbm>>
      tpu.enqueue_dma source(%dma_start3A_27 : memref<2048xf32, #tpu.memory_space<hbm>>) target(%arg11 : memref<2048xf32, #tpu.memory_space<vmem>>) target_semaphore(%run_scoped3A : memref<!tpu.dma_semaphore, #tpu.memory_space<semaphore_mem>>)
      %dma_wait3A_28 = tpu.memref_slice %arg6[%mul3A_4] : memref<65536xf32, #tpu.memory_space<hbm>> -> memref<2048xf32, #tpu.memory_space<hbm>>
      %dma_wait3A_29 = tpu.memref_slice %arg6[%mul3A_4] : memref<65536xf32, #tpu.memory_space<hbm>> -> memref<2048xf32, #tpu.memory_space<hbm>>
      tpu.wait_dma2 semaphore(%run_scoped3A : memref<!tpu.dma_semaphore, #tpu.memory_space<semaphore_mem>>) src(%dma_wait3A_29 : memref<2048xf32, #tpu.memory_space<hbm>>) dst(%arg11 : memref<2048xf32, #tpu.memory_space<vmem>>)
      tpu.yield
    }) : () -> ()
    "tpu.region"() ({
      %run_scoped3A = tpu.sem_alloc : memref<!tpu.dma_semaphore, #tpu.memory_space<semaphore_mem>>
      %dma_start3A_26 = arith.constant 0 : i32
      %dma_start3A_27 = tpu.memref_slice %arg2[%mul3A_2, %dma_start3A_26] : memref<2048x768xf32, #tpu.memory_space<hbm>> -> memref<64x768xf32, #tpu.memory_space<hbm>>
      %dma_start3A_28 = arith.constant 0 : i32
      %dma_start3A_29 = tpu.memref_slice %arg2[%mul3A_2, %dma_start3A_28] : memref<2048x768xf32, #tpu.memory_space<hbm>> -> memref<64x768xf32, #tpu.memory_space<hbm>>
      tpu.enqueue_dma source(%dma_start3A_29 : memref<64x768xf32, #tpu.memory_space<hbm>>) target(%arg10 : memref<64x768xf32, #tpu.memory_space<vmem>>) target_semaphore(%run_scoped3A : memref<!tpu.dma_semaphore, #tpu.memory_space<semaphore_mem>>)
      %dma_wait3A_30 = arith.constant 0 : i32
      %dma_wait3A_31 = tpu.memref_slice %arg2[%mul3A_2, %dma_wait3A_30] : memref<2048x768xf32, #tpu.memory_space<hbm>> -> memref<64x768xf32, #tpu.memory_space<hbm>>
      %dma_wait3A_32 = arith.constant 0 : i32
      %dma_wait3A_33 = tpu.memref_slice %arg2[%mul3A_2, %dma_wait3A_32] : memref<2048x768xf32, #tpu.memory_space<hbm>> -> memref<64x768xf32, #tpu.memory_space<hbm>>
      tpu.wait_dma2 semaphore(%run_scoped3A : memref<!tpu.dma_semaphore, #tpu.memory_space<semaphore_mem>>) src(%dma_wait3A_33 : memref<64x768xf32, #tpu.memory_space<hbm>>) dst(%arg10 : memref<64x768xf32, #tpu.memory_space<vmem>>)
      tpu.yield
    }) : () -> ()
    "tpu.region"() ({
      %run_scoped3A = tpu.sem_alloc : memref<!tpu.dma_semaphore, #tpu.memory_space<semaphore_mem>>
      %dma_start3A_26 = tpu.memref_slice %arg4[%mul3A_2] : memref<2048xi32, #tpu.memory_space<hbm>> -> memref<64xi32, #tpu.memory_space<hbm>>
      %dma_start3A_27 = tpu.memref_slice %arg4[%mul3A_2] : memref<2048xi32, #tpu.memory_space<hbm>> -> memref<64xi32, #tpu.memory_space<hbm>>
      tpu.enqueue_dma source(%dma_start3A_27 : memref<64xi32, #tpu.memory_space<hbm>>) target(%arg8 : memref<64xi32, #tpu.memory_space<vmem>>) target_semaphore(%run_scoped3A : memref<!tpu.dma_semaphore, #tpu.memory_space<semaphore_mem>>)
      %dma_wait3A_28 = tpu.memref_slice %arg4[%mul3A_2] : memref<2048xi32, #tpu.memory_space<hbm>> -> memref<64xi32, #tpu.memory_space<hbm>>
      %dma_wait3A_29 = tpu.memref_slice %arg4[%mul3A_2] : memref<2048xi32, #tpu.memory_space<hbm>> -> memref<64xi32, #tpu.memory_space<hbm>>
      tpu.wait_dma2 semaphore(%run_scoped3A : memref<!tpu.dma_semaphore, #tpu.memory_space<semaphore_mem>>) src(%dma_wait3A_29 : memref<64xi32, #tpu.memory_space<hbm>>) dst(%arg8 : memref<64xi32, #tpu.memory_space<vmem>>)
      tpu.yield
    }) : () -> ()
    %dma_start3A = arith.constant 0 : i32
    %dma_start3A_5 = arith.constant 0 : i32
    %dma_start3A_6 = tpu.memref_slice %arg3[%dma_start3A, %dma_start3A_5] : memref<4096x768xf32, #tpu.memory_space<hbm>> -> memref<4096x768xf32, #tpu.memory_space<hbm>>
    tpu.enqueue_indirect_dma source(%dma_start3A_6 : memref<4096x768xf32, #tpu.memory_space<hbm>>) target(%arg9 : memref<64x768xf32, #tpu.memory_space<vmem>>) offsets(%arg8 : memref<64xi32, #tpu.memory_space<vmem>>) semaphore(%arg12 : memref<!tpu.dma_semaphore, #tpu.memory_space<semaphore_mem>>)
    %dma_wait3A = arith.constant 0 : i32
    %dma_wait3A_7 = arith.constant 0 : i32
    %dma_wait3A_8 = tpu.memref_slice %arg3[%dma_wait3A, %dma_wait3A_7] : memref<4096x768xf32, #tpu.memory_space<hbm>> -> memref<4096x768xf32, #tpu.memory_space<hbm>>
    tpu.wait_indirect_dma semaphore(%arg12 : memref<!tpu.dma_semaphore, #tpu.memory_space<semaphore_mem>>) src(%dma_wait3A_8 : memref<4096x768xf32, #tpu.memory_space<hbm>>) dst(%arg9 : memref<64x768xf32, #tpu.memory_space<vmem>>)
    %scan3A = arith.constant 0 : i32
    %scan3A_9 = arith.constant 0 : i32
    %scan3A_10 = arith.constant 64 : i32
    %scan3A_11 = arith.addi %scan3A_9, %scan3A_10 : i32
    %scan3A_12 = arith.constant 1 : i32
    scf.for %scan3A_26 = %scan3A_9 to %scan3A_11 step %scan3A_12  : i32 {
      %mul3A_27 = arith.constant 32 : i32
      %mul3A_28 = arith.muli %scan3A_26, %mul3A_27 : i32
      %add3A_29 = arith.constant 0 : i32
      %add3A_30 = arith.addi %mul3A_28, %add3A_29 : i32
      %get3A = arith.index_cast %add3A_30 : i32 to index
      %get3A_31 = tpu.vector_load %arg11[%get3A] {strides = array<i32>} : memref<2048xf32, #tpu.memory_space<vmem>>, vector<16xf32>,
      %get3A_32 = vector.shape_cast %get3A_31 : vector<16xf32> to vector<16xf32>
      %get3A_33 = arith.index_cast %scan3A_26 : i32 to index
      %get3A_34 = arith.constant 0 : index
      %get3A_35 = tpu.vector_load %arg10[%get3A_33, %get3A_34] {strides = array<i32>} : memref<64x768xf32, #tpu.memory_space<vmem>>, vector<1x16xf32>,
      %get3A_36 = vector.shape_cast %get3A_35 : vector<1x16xf32> to vector<16xf32>
      %get3A_37 = arith.index_cast %scan3A_26 : i32 to index
      %get3A_38 = arith.constant 0 : index
      %get3A_39 = tpu.vector_load %arg9[%get3A_37, %get3A_38] {strides = array<i32>} : memref<64x768xf32, #tpu.memory_space<vmem>>, vector<1x16xf32>,
      %get3A_40 = vector.shape_cast %get3A_39 : vector<1x16xf32> to vector<16xf32>
      %mul3A_41 = arith.mulf %get3A_32, %get3A_40 : vector<16xf32>
      %add3A_42 = arith.addf %get3A_36, %mul3A_41 : vector<16xf32>
      %swap3A = arith.index_cast %scan3A_26 : i32 to index
      %swap3A_43 = arith.constant 0 : index
      %swap3A_44 = tpu.vector_load %arg10[%swap3A, %swap3A_43] {strides = array<i32>} : memref<64x768xf32, #tpu.memory_space<vmem>>, vector<1x16xf32>,
      %swap3A_45 = vector.shape_cast %swap3A_44 : vector<1x16xf32> to vector<16xf32>
      %swap3A_46 = vector.shape_cast %add3A_42 : vector<16xf32> to vector<1x16xf32>
      tpu.vector_store %arg10[%swap3A, %swap3A_43], %swap3A_46 {strides = array<i32>} : memref<64x768xf32, #tpu.memory_space<vmem>>, vector<1x16xf32>,
      %get3A_47 = arith.index_cast %scan3A_26 : i32 to index
      %get3A_48 = arith.constant 16 : index
      %get3A_49 = tpu.vector_load %arg10[%get3A_47, %get3A_48] {strides = array<i32>} : memref<64x768xf32, #tpu.memory_space<vmem>>, vector<1x16xf32>,
      %get3A_50 = vector.shape_cast %get3A_49 : vector<1x16xf32> to vector<16xf32>
      %get3A_51 = arith.index_cast %scan3A_26 : i32 to index
      %get3A_52 = arith.constant 16 : index
      %get3A_53 = tpu.vector_load %arg9[%get3A_51, %get3A_52] {strides = array<i32>} : memref<64x768xf32, #tpu.memory_space<vmem>>, vector<1x16xf32>,
      %get3A_54 = vector.shape_cast %get3A_53 : vector<1x16xf32> to vector<16xf32>
      %mul3A_55 = arith.mulf %get3A_32, %get3A_54 : vector<16xf32>
      %add3A_56 = arith.addf %get3A_50, %mul3A_55 : vector<16xf32>
      %swap3A_57 = arith.index_cast %scan3A_26 : i32 to index
      %swap3A_58 = arith.constant 16 : index
      %swap3A_59 = tpu.vector_load %arg10[%swap3A_57, %swap3A_58] {strides = array<i32>} : memref<64x768xf32, #tpu.memory_space<vmem>>, vector<1x16xf32>,
      %swap3A_60 = vector.shape_cast %swap3A_59 : vector<1x16xf32> to vector<16xf32>
      %swap3A_61 = vector.shape_cast %add3A_56 : vector<16xf32> to vector<1x16xf32>
      tpu.vector_store %arg10[%swap3A_57, %swap3A_58], %swap3A_61 {strides = array<i32>} : memref<64x768xf32, #tpu.memory_space<vmem>>, vector<1x16xf32>,
      %get3A_62 = arith.index_cast %scan3A_26 : i32 to index
      %get3A_63 = arith.constant 32 : index
      %get3A_64 = tpu.vector_load %arg10[%get3A_62, %get3A_63] {strides = array<i32>} : memref<64x768xf32, #tpu.memory_space<vmem>>, vector<1x16xf32>,
      %get3A_65 = vector.shape_cast %get3A_64 : vector<1x16xf32> to vector<16xf32>
      %get3A_66 = arith.index_cast %scan3A_26 : i32 to index
      %get3A_67 = arith.constant 32 : index
      %get3A_68 = tpu.vector_load %arg9[%get3A_66, %get3A_67] {strides = array<i32>} : memref<64x768xf32, #tpu.memory_space<vmem>>, vector<1x16xf32>,
      %get3A_69 = vector.shape_cast %get3A_68 : vector<1x16xf32> to vector<16xf32>
      %mul3A_70 = arith.mulf %get3A_32, %get3A_69 : vector<16xf32>
      %add3A_71 = arith.addf %get3A_65, %mul3A_70 : vector<16xf32>
      %swap3A_72 = arith.index_cast %scan3A_26 : i32 to index
      %swap3A_73 = arith.constant 32 : index
      %swap3A_74 = tpu.vector_load %arg10[%swap3A_72, %swap3A_73] {strides = array<i32>} : memref<64x768xf32, #tpu.memory_space<vmem>>, vector<1x16xf32>,
      %swap3A_75 = vector.shape_cast %swap3A_74 : vector<1x16xf32> to vector<16xf32>
      %swap3A_76 = vector.shape_cast %add3A_71 : vector<16xf32> to vector<1x16xf32>
      tpu.vector_store %arg10[%swap3A_72, %swap3A_73], %swap3A_76 {strides = array<i32>} : memref<64x768xf32, #tpu.memory_space<vmem>>, vector<1x16xf32>,
      %get3A_77 = arith.index_cast %scan3A_26 : i32 to index
      %get3A_78 = arith.constant 48 : index
      %get3A_79 = tpu.vector_load %arg10[%get3A_77, %get3A_78] {strides = array<i32>} : memref<64x768xf32, #tpu.memory_space<vmem>>, vector<1x16xf32>,
      %get3A_80 = vector.shape_cast %get3A_79 : vector<1x16xf32> to vector<16xf32>
      %get3A_81 = arith.index_cast %scan3A_26 : i32 to index
      %get3A_82 = arith.constant 48 : index
      %get3A_83 = tpu.vector_load %arg9[%get3A_81, %get3A_82] {strides = array<i32>} : memref<64x768xf32, #tpu.memory_space<vmem>>, vector<1x16xf32>,
      %get3A_84 = vector.shape_cast %get3A_83 : vector<1x16xf32> to vector<16xf32>
      %mul3A_85 = arith.mulf %get3A_32, %get3A_84 : vector<16xf32>
      %add3A_86 = arith.addf %get3A_80, %mul3A_85 : vector<16xf32>
      %swap3A_87 = arith.index_cast %scan3A_26 : i32 to index
      %swap3A_88 = arith.constant 48 : index
      %swap3A_89 = tpu.vector_load %arg10[%swap3A_87, %swap3A_88] {strides = array<i32>} : memref<64x768xf32, #tpu.memory_space<vmem>>, vector<1x16xf32>,
      %swap3A_90 = vector.shape_cast %swap3A_89 : vector<1x16xf32> to vector<16xf32>
      %swap3A_91 = vector.shape_cast %add3A_86 : vector<16xf32> to vector<1x16xf32>
      tpu.vector_store %arg10[%swap3A_87, %swap3A_88], %swap3A_91 {strides = array<i32>} : memref<64x768xf32, #tpu.memory_space<vmem>>, vector<1x16xf32>,
      %get3A_92 = arith.index_cast %scan3A_26 : i32 to index
      %get3A_93 = arith.constant 64 : index
      %get3A_94 = tpu.vector_load %arg10[%get3A_92, %get3A_93] {strides = array<i32>} : memref<64x768xf32, #tpu.memory_space<vmem>>, vector<1x16xf32>,
      %get3A_95 = vector.shape_cast %get3A_94 : vector<1x16xf32> to vector<16xf32>
      %get3A_96 = arith.index_cast %scan3A_26 : i32 to index
      %get3A_97 = arith.constant 64 : index
      %get3A_98 = tpu.vector_load %arg9[%get3A_96, %get3A_97] {strides = array<i32>} : memref<64x768xf32, #tpu.memory_space<vmem>>, vector<1x16xf32>,
      %get3A_99 = vector.shape_cast %get3A_98 : vector<1x16xf32> to vector<16xf32>
      %mul3A_100 = arith.mulf %get3A_32, %get3A_99 : vector<16xf32>
      %add3A_101 = arith.addf %get3A_95, %mul3A_100 : vector<16xf32>
      %swap3A_102 = arith.index_cast %scan3A_26 : i32 to index
      %swap3A_103 = arith.constant 64 : index
      %swap3A_104 = tpu.vector_load %arg10[%swap3A_102, %swap3A_103] {strides = array<i32>} : memref<64x768xf32, #tpu.memory_space<vmem>>, vector<1x16xf32>,
      %swap3A_105 = vector.shape_cast %swap3A_104 : vector<1x16xf32> to vector<16xf32>
      %swap3A_106 = vector.shape_cast %add3A_101 : vector<16xf32> to vector<1x16xf32>
      tpu.vector_store %arg10[%swap3A_102, %swap3A_103], %swap3A_106 {strides = array<i32>} : memref<64x768xf32, #tpu.memory_space<vmem>>, vector<1x16xf32>,
      %get3A_107 = arith.index_cast %scan3A_26 : i32 to index
      %get3A_108 = arith.constant 80 : index
      %get3A_109 = tpu.vector_load %arg10[%get3A_107, %get3A_108] {strides = array<i32>} : memref<64x768xf32, #tpu.memory_space<vmem>>, vector<1x16xf32>,
      %get3A_110 = vector.shape_cast %get3A_109 : vector<1x16xf32> to vector<16xf32>
      %get3A_111 = arith.index_cast %scan3A_26 : i32 to index
      %get3A_112 = arith.constant 80 : index
      %get3A_113 = tpu.vector_load %arg9[%get3A_111, %get3A_112] {strides = array<i32>} : memref<64x768xf32, #tpu.memory_space<vmem>>, vector<1x16xf32>,
      %get3A_114 = vector.shape_cast %get3A_113 : vector<1x16xf32> to vector<16xf32>
      %mul3A_115 = arith.mulf %get3A_32, %get3A_114 : vector<16xf32>
      %add3A_116 = arith.addf %get3A_110, %mul3A_115 : vector<16xf32>
      %swap3A_117 = arith.index_cast %scan3A_26 : i32 to index
      %swap3A_118 = arith.constant 80 : index
      %swap3A_119 = tpu.vector_load %arg10[%swap3A_117, %swap3A_118] {strides = array<i32>} : memref<64x768xf32, #tpu.memory_space<vmem>>, vector<1x16xf32>,
      %swap3A_120 = vector.shape_cast %swap3A_119 : vector<1x16xf32> to vector<16xf32>
      %swap3A_121 = vector.shape_cast %add3A_116 : vector<16xf32> to vector<1x16xf32>
      tpu.vector_store %arg10[%swap3A_117, %swap3A_118], %swap3A_121 {strides = array<i32>} : memref<64x768xf32, #tpu.memory_space<vmem>>, vector<1x16xf32>,
      %get3A_122 = arith.index_cast %scan3A_26 : i32 to index
      %get3A_123 = arith.constant 96 : index
      %get3A_124 = tpu.vector_load %arg10[%get3A_122, %get3A_123] {strides = array<i32>} : memref<64x768xf32, #tpu.memory_space<vmem>>, vector<1x16xf32>,
      %get3A_125 = vector.shape_cast %get3A_124 : vector<1x16xf32> to vector<16xf32>
      %get3A_126 = arith.index_cast %scan3A_26 : i32 to index
      %get3A_127 = arith.constant 96 : index
      %get3A_128 = tpu.vector_load %arg9[%get3A_126, %get3A_127] {strides = array<i32>} : memref<64x768xf32, #tpu.memory_space<vmem>>, vector<1x16xf32>,
      %get3A_129 = vector.shape_cast %get3A_128 : vector<1x16xf32> to vector<16xf32>
      %mul3A_130 = arith.mulf %get3A_32, %get3A_129 : vector<16xf32>
      %add3A_131 = arith.addf %get3A_125, %mul3A_130 : vector<16xf32>
      %swap3A_132 = arith.index_cast %scan3A_26 : i32 to index
      %swap3A_133 = arith.constant 96 : index
      %swap3A_134 = tpu.vector_load %arg10[%swap3A_132, %swap3A_133] {strides = array<i32>} : memref<64x768xf32, #tpu.memory_space<vmem>>, vector<1x16xf32>,
      %swap3A_135 = vector.shape_cast %swap3A_134 : vector<1x16xf32> to vector<16xf32>
      %swap3A_136 = vector.shape_cast %add3A_131 : vector<16xf32> to vector<1x16xf32>
      tpu.vector_store %arg10[%swap3A_132, %swap3A_133], %swap3A_136 {strides = array<i32>} : memref<64x768xf32, #tpu.memory_space<vmem>>, vector<1x16xf32>,
      %get3A_137 = arith.index_cast %scan3A_26 : i32 to index
      %get3A_138 = arith.constant 112 : index
      %get3A_139 = tpu.vector_load %arg10[%get3A_137, %get3A_138] {strides = array<i32>} : memref<64x768xf32, #tpu.memory_space<vmem>>, vector<1x16xf32>,
      %get3A_140 = vector.shape_cast %get3A_139 : vector<1x16xf32> to vector<16xf32>
      %get3A_141 = arith.index_cast %scan3A_26 : i32 to index
      %get3A_142 = arith.constant 112 : index
      %get3A_143 = tpu.vector_load %arg9[%get3A_141, %get3A_142] {strides = array<i32>} : memref<64x768xf32, #tpu.memory_space<vmem>>, vector<1x16xf32>,
      %get3A_144 = vector.shape_cast %get3A_143 : vector<1x16xf32> to vector<16xf32>
      %mul3A_145 = arith.mulf %get3A_32, %get3A_144 : vector<16xf32>
      %add3A_146 = arith.addf %get3A_140, %mul3A_145 : vector<16xf32>
      %swap3A_147 = arith.index_cast %scan3A_26 : i32 to index
      %swap3A_148 = arith.constant 112 : index
      %swap3A_149 = tpu.vector_load %arg10[%swap3A_147, %swap3A_148] {strides = array<i32>} : memref<64x768xf32, #tpu.memory_space<vmem>>, vector<1x16xf32>,
      %swap3A_150 = vector.shape_cast %swap3A_149 : vector<1x16xf32> to vector<16xf32>
      %swap3A_151 = vector.shape_cast %add3A_146 : vector<16xf32> to vector<1x16xf32>
      tpu.vector_store %arg10[%swap3A_147, %swap3A_148], %swap3A_151 {strides = array<i32>} : memref<64x768xf32, #tpu.memory_space<vmem>>, vector<1x16xf32>,
      %get3A_152 = arith.index_cast %scan3A_26 : i32 to index
      %get3A_153 = arith.constant 128 : index
      %get3A_154 = tpu.vector_load %arg10[%get3A_152, %get3A_153] {strides = array<i32>} : memref<64x768xf32, #tpu.memory_space<vmem>>, vector<1x16xf32>,
      %get3A_155 = vector.shape_cast %get3A_154 : vector<1x16xf32> to vector<16xf32>
      %get3A_156 = arith.index_cast %scan3A_26 : i32 to index
      %get3A_157 = arith.constant 128 : index
      %get3A_158 = tpu.vector_load %arg9[%get3A_156, %get3A_157] {strides = array<i32>} : memref<64x768xf32, #tpu.memory_space<vmem>>, vector<1x16xf32>,
      %get3A_159 = vector.shape_cast %get3A_158 : vector<1x16xf32> to vector<16xf32>
      %mul3A_160 = arith.mulf %get3A_32, %get3A_159 : vector<16xf32>
      %add3A_161 = arith.addf %get3A_155, %mul3A_160 : vector<16xf32>
      %swap3A_162 = arith.index_cast %scan3A_26 : i32 to index
      %swap3A_163 = arith.constant 128 : index
      %swap3A_164 = tpu.vector_load %arg10[%swap3A_162, %swap3A_163] {strides = array<i32>} : memref<64x768xf32, #tpu.memory_space<vmem>>, vector<1x16xf32>,
      %swap3A_165 = vector.shape_cast %swap3A_164 : vector<1x16xf32> to vector<16xf32>
      %swap3A_166 = vector.shape_cast %add3A_161 : vector<16xf32> to vector<1x16xf32>
      tpu.vector_store %arg10[%swap3A_162, %swap3A_163], %swap3A_166 {strides = array<i32>} : memref<64x768xf32, #tpu.memory_space<vmem>>, vector<1x16xf32>,
      %get3A_167 = arith.index_cast %scan3A_26 : i32 to index
      %get3A_168 = arith.constant 144 : index
      %get3A_169 = tpu.vector_load %arg10[%get3A_167, %get3A_168] {strides = array<i32>} : memref<64x768xf32, #tpu.memory_space<vmem>>, vector<1x16xf32>,
      %get3A_170 = vector.shape_cast %get3A_169 : vector<1x16xf32> to vector<16xf32>
      %get3A_171 = arith.index_cast %scan3A_26 : i32 to index
      %get3A_172 = arith.constant 144 : index
      %get3A_173 = tpu.vector_load %arg9[%get3A_171, %get3A_172] {strides = array<i32>} : memref<64x768xf32, #tpu.memory_space<vmem>>, vector<1x16xf32>,
      %get3A_174 = vector.shape_cast %get3A_173 : vector<1x16xf32> to vector<16xf32>
      %mul3A_175 = arith.mulf %get3A_32, %get3A_174 : vector<16xf32>
      %add3A_176 = arith.addf %get3A_170, %mul3A_175 : vector<16xf32>
      %swap3A_177 = arith.index_cast %scan3A_26 : i32 to index
      %swap3A_178 = arith.constant 144 : index
      %swap3A_179 = tpu.vector_load %arg10[%swap3A_177, %swap3A_178] {strides = array<i32>} : memref<64x768xf32, #tpu.memory_space<vmem>>, vector<1x16xf32>,
      %swap3A_180 = vector.shape_cast %swap3A_179 : vector<1x16xf32> to vector<16xf32>
      %swap3A_181 = vector.shape_cast %add3A_176 : vector<16xf32> to vector<1x16xf32>
      tpu.vector_store %arg10[%swap3A_177, %swap3A_178], %swap3A_181 {strides = array<i32>} : memref<64x768xf32, #tpu.memory_space<vmem>>, vector<1x16xf32>,
      %get3A_182 = arith.index_cast %scan3A_26 : i32 to index
      %get3A_183 = arith.constant 160 : index
      %get3A_184 = tpu.vector_load %arg10[%get3A_182, %get3A_183] {strides = array<i32>} : memref<64x768xf32, #tpu.memory_space<vmem>>, vector<1x16xf32>,
      %get3A_185 = vector.shape_cast %get3A_184 : vector<1x16xf32> to vector<16xf32>
      %get3A_186 = arith.index_cast %scan3A_26 : i32 to index
      %get3A_187 = arith.constant 160 : index
      %get3A_188 = tpu.vector_load %arg9[%get3A_186, %get3A_187] {strides = array<i32>} : memref<64x768xf32, #tpu.memory_space<vmem>>, vector<1x16xf32>,
      %get3A_189 = vector.shape_cast %get3A_188 : vector<1x16xf32> to vector<16xf32>
      %mul3A_190 = arith.mulf %get3A_32, %get3A_189 : vector<16xf32>
      %add3A_191 = arith.addf %get3A_185, %mul3A_190 : vector<16xf32>
      %swap3A_192 = arith.index_cast %scan3A_26 : i32 to index
      %swap3A_193 = arith.constant 160 : index
      %swap3A_194 = tpu.vector_load %arg10[%swap3A_192, %swap3A_193] {strides = array<i32>} : memref<64x768xf32, #tpu.memory_space<vmem>>, vector<1x16xf32>,
      %swap3A_195 = vector.shape_cast %swap3A_194 : vector<1x16xf32> to vector<16xf32>
      %swap3A_196 = vector.shape_cast %add3A_191 : vector<16xf32> to vector<1x16xf32>
      tpu.vector_store %arg10[%swap3A_192, %swap3A_193], %swap3A_196 {strides = array<i32>} : memref<64x768xf32, #tpu.memory_space<vmem>>, vector<1x16xf32>,
      %get3A_197 = arith.index_cast %scan3A_26 : i32 to index
      %get3A_198 = arith.constant 176 : index
      %get3A_199 = tpu.vector_load %arg10[%get3A_197, %get3A_198] {strides = array<i32>} : memref<64x768xf32, #tpu.memory_space<vmem>>, vector<1x16xf32>,
      %get3A_200 = vector.shape_cast %get3A_199 : vector<1x16xf32> to vector<16xf32>
      %get3A_201 = arith.index_cast %scan3A_26 : i32 to index
      %get3A_202 = arith.constant 176 : index
      %get3A_203 = tpu.vector_load %arg9[%get3A_201, %get3A_202] {strides = array<i32>} : memref<64x768xf32, #tpu.memory_space<vmem>>, vector<1x16xf32>,
      %get3A_204 = vector.shape_cast %get3A_203 : vector<1x16xf32> to vector<16xf32>
      %mul3A_205 = arith.mulf %get3A_32, %get3A_204 : vector<16xf32>
      %add3A_206 = arith.addf %get3A_200, %mul3A_205 : vector<16xf32>
      %swap3A_207 = arith.index_cast %scan3A_26 : i32 to index
      %swap3A_208 = arith.constant 176 : index
      %swap3A_209 = tpu.vector_load %arg10[%swap3A_207, %swap3A_208] {strides = array<i32>} : memref<64x768xf32, #tpu.memory_space<vmem>>, vector<1x16xf32>,
      %swap3A_210 = vector.shape_cast %swap3A_209 : vector<1x16xf32> to vector<16xf32>
      %swap3A_211 = vector.shape_cast %add3A_206 : vector<16xf32> to vector<1x16xf32>
      tpu.vector_store %arg10[%swap3A_207, %swap3A_208], %swap3A_211 {strides = array<i32>} : memref<64x768xf32, #tpu.memory_space<vmem>>, vector<1x16xf32>,
      %get3A_212 = arith.index_cast %scan3A_26 : i32 to index
      %get3A_213 = arith.constant 192 : index
      %get3A_214 = tpu.vector_load %arg10[%get3A_212, %get3A_213] {strides = array<i32>} : memref<64x768xf32, #tpu.memory_space<vmem>>, vector<1x16xf32>,
      %get3A_215 = vector.shape_cast %get3A_214 : vector<1x16xf32> to vector<16xf32>
      %get3A_216 = arith.index_cast %scan3A_26 : i32 to index
      %get3A_217 = arith.constant 192 : index
      %get3A_218 = tpu.vector_load %arg9[%get3A_216, %get3A_217] {strides = array<i32>} : memref<64x768xf32, #tpu.memory_space<vmem>>, vector<1x16xf32>,
      %get3A_219 = vector.shape_cast %get3A_218 : vector<1x16xf32> to vector<16xf32>
      %mul3A_220 = arith.mulf %get3A_32, %get3A_219 : vector<16xf32>
      %add3A_221 = arith.addf %get3A_215, %mul3A_220 : vector<16xf32>
      %swap3A_222 = arith.index_cast %scan3A_26 : i32 to index
      %swap3A_223 = arith.constant 192 : index
      %swap3A_224 = tpu.vector_load %arg10[%swap3A_222, %swap3A_223] {strides = array<i32>} : memref<64x768xf32, #tpu.memory_space<vmem>>, vector<1x16xf32>,
      %swap3A_225 = vector.shape_cast %swap3A_224 : vector<1x16xf32> to vector<16xf32>
      %swap3A_226 = vector.shape_cast %add3A_221 : vector<16xf32> to vector<1x16xf32>
      tpu.vector_store %arg10[%swap3A_222, %swap3A_223], %swap3A_226 {strides = array<i32>} : memref<64x768xf32, #tpu.memory_space<vmem>>, vector<1x16xf32>,
      %get3A_227 = arith.index_cast %scan3A_26 : i32 to index
      %get3A_228 = arith.constant 208 : index
      %get3A_229 = tpu.vector_load %arg10[%get3A_227, %get3A_228] {strides = array<i32>} : memref<64x768xf32, #tpu.memory_space<vmem>>, vector<1x16xf32>,
      %get3A_230 = vector.shape_cast %get3A_229 : vector<1x16xf32> to vector<16xf32>
      %get3A_231 = arith.index_cast %scan3A_26 : i32 to index
      %get3A_232 = arith.constant 208 : index
      %get3A_233 = tpu.vector_load %arg9[%get3A_231, %get3A_232] {strides = array<i32>} : memref<64x768xf32, #tpu.memory_space<vmem>>, vector<1x16xf32>,
      %get3A_234 = vector.shape_cast %get3A_233 : vector<1x16xf32> to vector<16xf32>
      %mul3A_235 = arith.mulf %get3A_32, %get3A_234 : vector<16xf32>
      %add3A_236 = arith.addf %get3A_230, %mul3A_235 : vector<16xf32>
      %swap3A_237 = arith.index_cast %scan3A_26 : i32 to index
      %swap3A_238 = arith.constant 208 : index
      %swap3A_239 = tpu.vector_load %arg10[%swap3A_237, %swap3A_238] {strides = array<i32>} : memref<64x768xf32, #tpu.memory_space<vmem>>, vector<1x16xf32>,
      %swap3A_240 = vector.shape_cast %swap3A_239 : vector<1x16xf32> to vector<16xf32>
      %swap3A_241 = vector.shape_cast %add3A_236 : vector<16xf32> to vector<1x16xf32>
      tpu.vector_store %arg10[%swap3A_237, %swap3A_238], %swap3A_241 {strides = array<i32>} : memref<64x768xf32, #tpu.memory_space<vmem>>, vector<1x16xf32>,
      %get3A_242 = arith.index_cast %scan3A_26 : i32 to index
      %get3A_243 = arith.constant 224 : index
      %get3A_244 = tpu.vector_load %arg10[%get3A_242, %get3A_243] {strides = array<i32>} : memref<64x768xf32, #tpu.memory_space<vmem>>, vector<1x16xf32>,
      %get3A_245 = vector.shape_cast %get3A_244 : vector<1x16xf32> to vector<16xf32>
      %get3A_246 = arith.index_cast %scan3A_26 : i32 to index
      %get3A_247 = arith.constant 224 : index
      %get3A_248 = tpu.vector_load %arg9[%get3A_246, %get3A_247] {strides = array<i32>} : memref<64x768xf32, #tpu.memory_space<vmem>>, vector<1x16xf32>,
      %get3A_249 = vector.shape_cast %get3A_248 : vector<1x16xf32> to vector<16xf32>
      %mul3A_250 = arith.mulf %get3A_32, %get3A_249 : vector<16xf32>
      %add3A_251 = arith.addf %get3A_245, %mul3A_250 : vector<16xf32>
      %swap3A_252 = arith.index_cast %scan3A_26 : i32 to index
      %swap3A_253 = arith.constant 224 : index
      %swap3A_254 = tpu.vector_load %arg10[%swap3A_252, %swap3A_253] {strides = array<i32>} : memref<64x768xf32, #tpu.memory_space<vmem>>, vector<1x16xf32>,
      %swap3A_255 = vector.shape_cast %swap3A_254 : vector<1x16xf32> to vector<16xf32>
      %swap3A_256 = vector.shape_cast %add3A_251 : vector<16xf32> to vector<1x16xf32>
      tpu.vector_store %arg10[%swap3A_252, %swap3A_253], %swap3A_256 {strides = array<i32>} : memref<64x768xf32, #tpu.memory_space<vmem>>, vector<1x16xf32>,
      %get3A_257 = arith.index_cast %scan3A_26 : i32 to index
      %get3A_258 = arith.constant 240 : index
      %get3A_259 = tpu.vector_load %arg10[%get3A_257, %get3A_258] {strides = array<i32>} : memref<64x768xf32, #tpu.memory_space<vmem>>, vector<1x16xf32>,
      %get3A_260 = vector.shape_cast %get3A_259 : vector<1x16xf32> to vector<16xf32>
      %get3A_261 = arith.index_cast %scan3A_26 : i32 to index
      %get3A_262 = arith.constant 240 : index
      %get3A_263 = tpu.vector_load %arg9[%get3A_261, %get3A_262] {strides = array<i32>} : memref<64x768xf32, #tpu.memory_space<vmem>>, vector<1x16xf32>,
      %get3A_264 = vector.shape_cast %get3A_263 : vector<1x16xf32> to vector<16xf32>
      %mul3A_265 = arith.mulf %get3A_32, %get3A_264 : vector<16xf32>
      %add3A_266 = arith.addf %get3A_260, %mul3A_265 : vector<16xf32>
      %swap3A_267 = arith.index_cast %scan3A_26 : i32 to index
      %swap3A_268 = arith.constant 240 : index
      %swap3A_269 = tpu.vector_load %arg10[%swap3A_267, %swap3A_268] {strides = array<i32>} : memref<64x768xf32, #tpu.memory_space<vmem>>, vector<1x16xf32>,
      %swap3A_270 = vector.shape_cast %swap3A_269 : vector<1x16xf32> to vector<16xf32>
      %swap3A_271 = vector.shape_cast %add3A_266 : vector<16xf32> to vector<1x16xf32>
      tpu.vector_store %arg10[%swap3A_267, %swap3A_268], %swap3A_271 {strides = array<i32>} : memref<64x768xf32, #tpu.memory_space<vmem>>, vector<1x16xf32>,
      %get3A_272 = arith.index_cast %scan3A_26 : i32 to index
      %get3A_273 = arith.constant 256 : index
      %get3A_274 = tpu.vector_load %arg10[%get3A_272, %get3A_273] {strides = array<i32>} : memref<64x768xf32, #tpu.memory_space<vmem>>, vector<1x16xf32>,
      %get3A_275 = vector.shape_cast %get3A_274 : vector<1x16xf32> to vector<16xf32>
      %get3A_276 = arith.index_cast %scan3A_26 : i32 to index
      %get3A_277 = arith.constant 256 : index
      %get3A_278 = tpu.vector_load %arg9[%get3A_276, %get3A_277] {strides = array<i32>} : memref<64x768xf32, #tpu.memory_space<vmem>>, vector<1x16xf32>,
      %get3A_279 = vector.shape_cast %get3A_278 : vector<1x16xf32> to vector<16xf32>
      %mul3A_280 = arith.mulf %get3A_32, %get3A_279 : vector<16xf32>
      %add3A_281 = arith.addf %get3A_275, %mul3A_280 : vector<16xf32>
      %swap3A_282 = arith.index_cast %scan3A_26 : i32 to index
      %swap3A_283 = arith.constant 256 : index
      %swap3A_284 = tpu.vector_load %arg10[%swap3A_282, %swap3A_283] {strides = array<i32>} : memref<64x768xf32, #tpu.memory_space<vmem>>, vector<1x16xf32>,
      %swap3A_285 = vector.shape_cast %swap3A_284 : vector<1x16xf32> to vector<16xf32>
      %swap3A_286 = vector.shape_cast %add3A_281 : vector<16xf32> to vector<1x16xf32>
      tpu.vector_store %arg10[%swap3A_282, %swap3A_283], %swap3A_286 {strides = array<i32>} : memref<64x768xf32, #tpu.memory_space<vmem>>, vector<1x16xf32>,
      %get3A_287 = arith.index_cast %scan3A_26 : i32 to index
      %get3A_288 = arith.constant 272 : index
      %get3A_289 = tpu.vector_load %arg10[%get3A_287, %get3A_288] {strides = array<i32>} : memref<64x768xf32, #tpu.memory_space<vmem>>, vector<1x16xf32>,
      %get3A_290 = vector.shape_cast %get3A_289 : vector<1x16xf32> to vector<16xf32>
      %get3A_291 = arith.index_cast %scan3A_26 : i32 to index
      %get3A_292 = arith.constant 272 : index
      %get3A_293 = tpu.vector_load %arg9[%get3A_291, %get3A_292] {strides = array<i32>} : memref<64x768xf32, #tpu.memory_space<vmem>>, vector<1x16xf32>,
      %get3A_294 = vector.shape_cast %get3A_293 : vector<1x16xf32> to vector<16xf32>
      %mul3A_295 = arith.mulf %get3A_32, %get3A_294 : vector<16xf32>
      %add3A_296 = arith.addf %get3A_290, %mul3A_295 : vector<16xf32>
      %swap3A_297 = arith.index_cast %scan3A_26 : i32 to index
      %swap3A_298 = arith.constant 272 : index
      %swap3A_299 = tpu.vector_load %arg10[%swap3A_297, %swap3A_298] {strides = array<i32>} : memref<64x768xf32, #tpu.memory_space<vmem>>, vector<1x16xf32>,
      %swap3A_300 = vector.shape_cast %swap3A_299 : vector<1x16xf32> to vector<16xf32>
      %swap3A_301 = vector.shape_cast %add3A_296 : vector<16xf32> to vector<1x16xf32>
      tpu.vector_store %arg10[%swap3A_297, %swap3A_298], %swap3A_301 {strides = array<i32>} : memref<64x768xf32, #tpu.memory_space<vmem>>, vector<1x16xf32>,
      %get3A_302 = arith.index_cast %scan3A_26 : i32 to index
      %get3A_303 = arith.constant 288 : index
      %get3A_304 = tpu.vector_load %arg10[%get3A_302, %get3A_303] {strides = array<i32>} : memref<64x768xf32, #tpu.memory_space<vmem>>, vector<1x16xf32>,
      %get3A_305 = vector.shape_cast %get3A_304 : vector<1x16xf32> to vector<16xf32>
      %get3A_306 = arith.index_cast %scan3A_26 : i32 to index
      %get3A_307 = arith.constant 288 : index
      %get3A_308 = tpu.vector_load %arg9[%get3A_306, %get3A_307] {strides = array<i32>} : memref<64x768xf32, #tpu.memory_space<vmem>>, vector<1x16xf32>,
      %get3A_309 = vector.shape_cast %get3A_308 : vector<1x16xf32> to vector<16xf32>
      %mul3A_310 = arith.mulf %get3A_32, %get3A_309 : vector<16xf32>
      %add3A_311 = arith.addf %get3A_305, %mul3A_310 : vector<16xf32>
      %swap3A_312 = arith.index_cast %scan3A_26 : i32 to index
      %swap3A_313 = arith.constant 288 : index
      %swap3A_314 = tpu.vector_load %arg10[%swap3A_312, %swap3A_313] {strides = array<i32>} : memref<64x768xf32, #tpu.memory_space<vmem>>, vector<1x16xf32>,
      %swap3A_315 = vector.shape_cast %swap3A_314 : vector<1x16xf32> to vector<16xf32>
      %swap3A_316 = vector.shape_cast %add3A_311 : vector<16xf32> to vector<1x16xf32>
      tpu.vector_store %arg10[%swap3A_312, %swap3A_313], %swap3A_316 {strides = array<i32>} : memref<64x768xf32, #tpu.memory_space<vmem>>, vector<1x16xf32>,
      %get3A_317 = arith.index_cast %scan3A_26 : i32 to index
      %get3A_318 = arith.constant 304 : index
      %get3A_319 = tpu.vector_load %arg10[%get3A_317, %get3A_318] {strides = array<i32>} : memref<64x768xf32, #tpu.memory_space<vmem>>, vector<1x16xf32>,
      %get3A_320 = vector.shape_cast %get3A_319 : vector<1x16xf32> to vector<16xf32>
      %get3A_321 = arith.index_cast %scan3A_26 : i32 to index
      %get3A_322 = arith.constant 304 : index
      %get3A_323 = tpu.vector_load %arg9[%get3A_321, %get3A_322] {strides = array<i32>} : memref<64x768xf32, #tpu.memory_space<vmem>>, vector<1x16xf32>,
      %get3A_324 = vector.shape_cast %get3A_323 : vector<1x16xf32> to vector<16xf32>
      %mul3A_325 = arith.mulf %get3A_32, %get3A_324 : vector<16xf32>
      %add3A_326 = arith.addf %get3A_320, %mul3A_325 : vector<16xf32>
      %swap3A_327 = arith.index_cast %scan3A_26 : i32 to index
      %swap3A_328 = arith.constant 304 : index
      %swap3A_329 = tpu.vector_load %arg10[%swap3A_327, %swap3A_328] {strides = array<i32>} : memref<64x768xf32, #tpu.memory_space<vmem>>, vector<1x16xf32>,
      %swap3A_330 = vector.shape_cast %swap3A_329 : vector<1x16xf32> to vector<16xf32>
      %swap3A_331 = vector.shape_cast %add3A_326 : vector<16xf32> to vector<1x16xf32>
      tpu.vector_store %arg10[%swap3A_327, %swap3A_328], %swap3A_331 {strides = array<i32>} : memref<64x768xf32, #tpu.memory_space<vmem>>, vector<1x16xf32>,
      %get3A_332 = arith.index_cast %scan3A_26 : i32 to index
      %get3A_333 = arith.constant 320 : index
      %get3A_334 = tpu.vector_load %arg10[%get3A_332, %get3A_333] {strides = array<i32>} : memref<64x768xf32, #tpu.memory_space<vmem>>, vector<1x16xf32>,
      %get3A_335 = vector.shape_cast %get3A_334 : vector<1x16xf32> to vector<16xf32>
      %get3A_336 = arith.index_cast %scan3A_26 : i32 to index
      %get3A_337 = arith.constant 320 : index
      %get3A_338 = tpu.vector_load %arg9[%get3A_336, %get3A_337] {strides = array<i32>} : memref<64x768xf32, #tpu.memory_space<vmem>>, vector<1x16xf32>,
      %get3A_339 = vector.shape_cast %get3A_338 : vector<1x16xf32> to vector<16xf32>
      %mul3A_340 = arith.mulf %get3A_32, %get3A_339 : vector<16xf32>
      %add3A_341 = arith.addf %get3A_335, %mul3A_340 : vector<16xf32>
      %swap3A_342 = arith.index_cast %scan3A_26 : i32 to index
      %swap3A_343 = arith.constant 320 : index
      %swap3A_344 = tpu.vector_load %arg10[%swap3A_342, %swap3A_343] {strides = array<i32>} : memref<64x768xf32, #tpu.memory_space<vmem>>, vector<1x16xf32>,
      %swap3A_345 = vector.shape_cast %swap3A_344 : vector<1x16xf32> to vector<16xf32>
      %swap3A_346 = vector.shape_cast %add3A_341 : vector<16xf32> to vector<1x16xf32>
      tpu.vector_store %arg10[%swap3A_342, %swap3A_343], %swap3A_346 {strides = array<i32>} : memref<64x768xf32, #tpu.memory_space<vmem>>, vector<1x16xf32>,
      %get3A_347 = arith.index_cast %scan3A_26 : i32 to index
      %get3A_348 = arith.constant 336 : index
      %get3A_349 = tpu.vector_load %arg10[%get3A_347, %get3A_348] {strides = array<i32>} : memref<64x768xf32, #tpu.memory_space<vmem>>, vector<1x16xf32>,
      %get3A_350 = vector.shape_cast %get3A_349 : vector<1x16xf32> to vector<16xf32>
      %get3A_351 = arith.index_cast %scan3A_26 : i32 to index
      %get3A_352 = arith.constant 336 : index
      %get3A_353 = tpu.vector_load %arg9[%get3A_351, %get3A_352] {strides = array<i32>} : memref<64x768xf32, #tpu.memory_space<vmem>>, vector<1x16xf32>,
      %get3A_354 = vector.shape_cast %get3A_353 : vector<1x16xf32> to vector<16xf32>
      %mul3A_355 = arith.mulf %get3A_32, %get3A_354 : vector<16xf32>
      %add3A_356 = arith.addf %get3A_350, %mul3A_355 : vector<16xf32>
      %swap3A_357 = arith.index_cast %scan3A_26 : i32 to index
      %swap3A_358 = arith.constant 336 : index
      %swap3A_359 = tpu.vector_load %arg10[%swap3A_357, %swap3A_358] {strides = array<i32>} : memref<64x768xf32, #tpu.memory_space<vmem>>, vector<1x16xf32>,
      %swap3A_360 = vector.shape_cast %swap3A_359 : vector<1x16xf32> to vector<16xf32>
      %swap3A_361 = vector.shape_cast %add3A_356 : vector<16xf32> to vector<1x16xf32>
      tpu.vector_store %arg10[%swap3A_357, %swap3A_358], %swap3A_361 {strides = array<i32>} : memref<64x768xf32, #tpu.memory_space<vmem>>, vector<1x16xf32>,
      %get3A_362 = arith.index_cast %scan3A_26 : i32 to index
      %get3A_363 = arith.constant 352 : index
      %get3A_364 = tpu.vector_load %arg10[%get3A_362, %get3A_363] {strides = array<i32>} : memref<64x768xf32, #tpu.memory_space<vmem>>, vector<1x16xf32>,
      %get3A_365 = vector.shape_cast %get3A_364 : vector<1x16xf32> to vector<16xf32>
      %get3A_366 = arith.index_cast %scan3A_26 : i32 to index
      %get3A_367 = arith.constant 352 : index
      %get3A_368 = tpu.vector_load %arg9[%get3A_366, %get3A_367] {strides = array<i32>} : memref<64x768xf32, #tpu.memory_space<vmem>>, vector<1x16xf32>,
      %get3A_369 = vector.shape_cast %get3A_368 : vector<1x16xf32> to vector<16xf32>
      %mul3A_370 = arith.mulf %get3A_32, %get3A_369 : vector<16xf32>
      %add3A_371 = arith.addf %get3A_365, %mul3A_370 : vector<16xf32>
      %swap3A_372 = arith.index_cast %scan3A_26 : i32 to index
      %swap3A_373 = arith.constant 352 : index
      %swap3A_374 = tpu.vector_load %arg10[%swap3A_372, %swap3A_373] {strides = array<i32>} : memref<64x768xf32, #tpu.memory_space<vmem>>, vector<1x16xf32>,
      %swap3A_375 = vector.shape_cast %swap3A_374 : vector<1x16xf32> to vector<16xf32>
      %swap3A_376 = vector.shape_cast %add3A_371 : vector<16xf32> to vector<1x16xf32>
      tpu.vector_store %arg10[%swap3A_372, %swap3A_373], %swap3A_376 {strides = array<i32>} : memref<64x768xf32, #tpu.memory_space<vmem>>, vector<1x16xf32>,
      %get3A_377 = arith.index_cast %scan3A_26 : i32 to index
      %get3A_378 = arith.constant 368 : index
      %get3A_379 = tpu.vector_load %arg10[%get3A_377, %get3A_378] {strides = array<i32>} : memref<64x768xf32, #tpu.memory_space<vmem>>, vector<1x16xf32>,
      %get3A_380 = vector.shape_cast %get3A_379 : vector<1x16xf32> to vector<16xf32>
      %get3A_381 = arith.index_cast %scan3A_26 : i32 to index
      %get3A_382 = arith.constant 368 : index
      %get3A_383 = tpu.vector_load %arg9[%get3A_381, %get3A_382] {strides = array<i32>} : memref<64x768xf32, #tpu.memory_space<vmem>>, vector<1x16xf32>,
      %get3A_384 = vector.shape_cast %get3A_383 : vector<1x16xf32> to vector<16xf32>
      %mul3A_385 = arith.mulf %get3A_32, %get3A_384 : vector<16xf32>
      %add3A_386 = arith.addf %get3A_380, %mul3A_385 : vector<16xf32>
      %swap3A_387 = arith.index_cast %scan3A_26 : i32 to index
      %swap3A_388 = arith.constant 368 : index
      %swap3A_389 = tpu.vector_load %arg10[%swap3A_387, %swap3A_388] {strides = array<i32>} : memref<64x768xf32, #tpu.memory_space<vmem>>, vector<1x16xf32>,
      %swap3A_390 = vector.shape_cast %swap3A_389 : vector<1x16xf32> to vector<16xf32>
      %swap3A_391 = vector.shape_cast %add3A_386 : vector<16xf32> to vector<1x16xf32>
      tpu.vector_store %arg10[%swap3A_387, %swap3A_388], %swap3A_391 {strides = array<i32>} : memref<64x768xf32, #tpu.memory_space<vmem>>, vector<1x16xf32>,
      %get3A_392 = arith.index_cast %scan3A_26 : i32 to index
      %get3A_393 = arith.constant 384 : index
      %get3A_394 = tpu.vector_load %arg10[%get3A_392, %get3A_393] {strides = array<i32>} : memref<64x768xf32, #tpu.memory_space<vmem>>, vector<1x16xf32>,
      %get3A_395 = vector.shape_cast %get3A_394 : vector<1x16xf32> to vector<16xf32>
      %get3A_396 = arith.index_cast %scan3A_26 : i32 to index
      %get3A_397 = arith.constant 384 : index
      %get3A_398 = tpu.vector_load %arg9[%get3A_396, %get3A_397] {strides = array<i32>} : memref<64x768xf32, #tpu.memory_space<vmem>>, vector<1x16xf32>,
      %get3A_399 = vector.shape_cast %get3A_398 : vector<1x16xf32> to vector<16xf32>
      %mul3A_400 = arith.mulf %get3A_32, %get3A_399 : vector<16xf32>
      %add3A_401 = arith.addf %get3A_395, %mul3A_400 : vector<16xf32>
      %swap3A_402 = arith.index_cast %scan3A_26 : i32 to index
      %swap3A_403 = arith.constant 384 : index
      %swap3A_404 = tpu.vector_load %arg10[%swap3A_402, %swap3A_403] {strides = array<i32>} : memref<64x768xf32, #tpu.memory_space<vmem>>, vector<1x16xf32>,
      %swap3A_405 = vector.shape_cast %swap3A_404 : vector<1x16xf32> to vector<16xf32>
      %swap3A_406 = vector.shape_cast %add3A_401 : vector<16xf32> to vector<1x16xf32>
      tpu.vector_store %arg10[%swap3A_402, %swap3A_403], %swap3A_406 {strides = array<i32>} : memref<64x768xf32, #tpu.memory_space<vmem>>, vector<1x16xf32>,
      %get3A_407 = arith.index_cast %scan3A_26 : i32 to index
      %get3A_408 = arith.constant 400 : index
      %get3A_409 = tpu.vector_load %arg10[%get3A_407, %get3A_408] {strides = array<i32>} : memref<64x768xf32, #tpu.memory_space<vmem>>, vector<1x16xf32>,
      %get3A_410 = vector.shape_cast %get3A_409 : vector<1x16xf32> to vector<16xf32>
      %get3A_411 = arith.index_cast %scan3A_26 : i32 to index
      %get3A_412 = arith.constant 400 : index
      %get3A_413 = tpu.vector_load %arg9[%get3A_411, %get3A_412] {strides = array<i32>} : memref<64x768xf32, #tpu.memory_space<vmem>>, vector<1x16xf32>,
      %get3A_414 = vector.shape_cast %get3A_413 : vector<1x16xf32> to vector<16xf32>
      %mul3A_415 = arith.mulf %get3A_32, %get3A_414 : vector<16xf32>
      %add3A_416 = arith.addf %get3A_410, %mul3A_415 : vector<16xf32>
      %swap3A_417 = arith.index_cast %scan3A_26 : i32 to index
      %swap3A_418 = arith.constant 400 : index
      %swap3A_419 = tpu.vector_load %arg10[%swap3A_417, %swap3A_418] {strides = array<i32>} : memref<64x768xf32, #tpu.memory_space<vmem>>, vector<1x16xf32>,
      %swap3A_420 = vector.shape_cast %swap3A_419 : vector<1x16xf32> to vector<16xf32>
      %swap3A_421 = vector.shape_cast %add3A_416 : vector<16xf32> to vector<1x16xf32>
      tpu.vector_store %arg10[%swap3A_417, %swap3A_418], %swap3A_421 {strides = array<i32>} : memref<64x768xf32, #tpu.memory_space<vmem>>, vector<1x16xf32>,
      %get3A_422 = arith.index_cast %scan3A_26 : i32 to index
      %get3A_423 = arith.constant 416 : index
      %get3A_424 = tpu.vector_load %arg10[%get3A_422, %get3A_423] {strides = array<i32>} : memref<64x768xf32, #tpu.memory_space<vmem>>, vector<1x16xf32>,
      %get3A_425 = vector.shape_cast %get3A_424 : vector<1x16xf32> to vector<16xf32>
      %get3A_426 = arith.index_cast %scan3A_26 : i32 to index
      %get3A_427 = arith.constant 416 : index
      %get3A_428 = tpu.vector_load %arg9[%get3A_426, %get3A_427] {strides = array<i32>} : memref<64x768xf32, #tpu.memory_space<vmem>>, vector<1x16xf32>,
      %get3A_429 = vector.shape_cast %get3A_428 : vector<1x16xf32> to vector<16xf32>
      %mul3A_430 = arith.mulf %get3A_32, %get3A_429 : vector<16xf32>
      %add3A_431 = arith.addf %get3A_425, %mul3A_430 : vector<16xf32>
      %swap3A_432 = arith.index_cast %scan3A_26 : i32 to index
      %swap3A_433 = arith.constant 416 : index
      %swap3A_434 = tpu.vector_load %arg10[%swap3A_432, %swap3A_433] {strides = array<i32>} : memref<64x768xf32, #tpu.memory_space<vmem>>, vector<1x16xf32>,
      %swap3A_435 = vector.shape_cast %swap3A_434 : vector<1x16xf32> to vector<16xf32>
      %swap3A_436 = vector.shape_cast %add3A_431 : vector<16xf32> to vector<1x16xf32>
      tpu.vector_store %arg10[%swap3A_432, %swap3A_433], %swap3A_436 {strides = array<i32>} : memref<64x768xf32, #tpu.memory_space<vmem>>, vector<1x16xf32>,
      %get3A_437 = arith.index_cast %scan3A_26 : i32 to index
      %get3A_438 = arith.constant 432 : index
      %get3A_439 = tpu.vector_load %arg10[%get3A_437, %get3A_438] {strides = array<i32>} : memref<64x768xf32, #tpu.memory_space<vmem>>, vector<1x16xf32>,
      %get3A_440 = vector.shape_cast %get3A_439 : vector<1x16xf32> to vector<16xf32>
      %get3A_441 = arith.index_cast %scan3A_26 : i32 to index
      %get3A_442 = arith.constant 432 : index
      %get3A_443 = tpu.vector_load %arg9[%get3A_441, %get3A_442] {strides = array<i32>} : memref<64x768xf32, #tpu.memory_space<vmem>>, vector<1x16xf32>,
      %get3A_444 = vector.shape_cast %get3A_443 : vector<1x16xf32> to vector<16xf32>
      %mul3A_445 = arith.mulf %get3A_32, %get3A_444 : vector<16xf32>
      %add3A_446 = arith.addf %get3A_440, %mul3A_445 : vector<16xf32>
      %swap3A_447 = arith.index_cast %scan3A_26 : i32 to index
      %swap3A_448 = arith.constant 432 : index
      %swap3A_449 = tpu.vector_load %arg10[%swap3A_447, %swap3A_448] {strides = array<i32>} : memref<64x768xf32, #tpu.memory_space<vmem>>, vector<1x16xf32>,
      %swap3A_450 = vector.shape_cast %swap3A_449 : vector<1x16xf32> to vector<16xf32>
      %swap3A_451 = vector.shape_cast %add3A_446 : vector<16xf32> to vector<1x16xf32>
      tpu.vector_store %arg10[%swap3A_447, %swap3A_448], %swap3A_451 {strides = array<i32>} : memref<64x768xf32, #tpu.memory_space<vmem>>, vector<1x16xf32>,
      %get3A_452 = arith.index_cast %scan3A_26 : i32 to index
      %get3A_453 = arith.constant 448 : index
      %get3A_454 = tpu.vector_load %arg10[%get3A_452, %get3A_453] {strides = array<i32>} : memref<64x768xf32, #tpu.memory_space<vmem>>, vector<1x16xf32>,
      %get3A_455 = vector.shape_cast %get3A_454 : vector<1x16xf32> to vector<16xf32>
      %get3A_456 = arith.index_cast %scan3A_26 : i32 to index
      %get3A_457 = arith.constant 448 : index
      %get3A_458 = tpu.vector_load %arg9[%get3A_456, %get3A_457] {strides = array<i32>} : memref<64x768xf32, #tpu.memory_space<vmem>>, vector<1x16xf32>,
      %get3A_459 = vector.shape_cast %get3A_458 : vector<1x16xf32> to vector<16xf32>
      %mul3A_460 = arith.mulf %get3A_32, %get3A_459 : vector<16xf32>
      %add3A_461 = arith.addf %get3A_455, %mul3A_460 : vector<16xf32>
      %swap3A_462 = arith.index_cast %scan3A_26 : i32 to index
      %swap3A_463 = arith.constant 448 : index
      %swap3A_464 = tpu.vector_load %arg10[%swap3A_462, %swap3A_463] {strides = array<i32>} : memref<64x768xf32, #tpu.memory_space<vmem>>, vector<1x16xf32>,
      %swap3A_465 = vector.shape_cast %swap3A_464 : vector<1x16xf32> to vector<16xf32>
      %swap3A_466 = vector.shape_cast %add3A_461 : vector<16xf32> to vector<1x16xf32>
      tpu.vector_store %arg10[%swap3A_462, %swap3A_463], %swap3A_466 {strides = array<i32>} : memref<64x768xf32, #tpu.memory_space<vmem>>, vector<1x16xf32>,
      %get3A_467 = arith.index_cast %scan3A_26 : i32 to index
      %get3A_468 = arith.constant 464 : index
      %get3A_469 = tpu.vector_load %arg10[%get3A_467, %get3A_468] {strides = array<i32>} : memref<64x768xf32, #tpu.memory_space<vmem>>, vector<1x16xf32>,
      %get3A_470 = vector.shape_cast %get3A_469 : vector<1x16xf32> to vector<16xf32>
      %get3A_471 = arith.index_cast %scan3A_26 : i32 to index
      %get3A_472 = arith.constant 464 : index
      %get3A_473 = tpu.vector_load %arg9[%get3A_471, %get3A_472] {strides = array<i32>} : memref<64x768xf32, #tpu.memory_space<vmem>>, vector<1x16xf32>,
      %get3A_474 = vector.shape_cast %get3A_473 : vector<1x16xf32> to vector<16xf32>
      %mul3A_475 = arith.mulf %get3A_32, %get3A_474 : vector<16xf32>
      %add3A_476 = arith.addf %get3A_470, %mul3A_475 : vector<16xf32>
      %swap3A_477 = arith.index_cast %scan3A_26 : i32 to index
      %swap3A_478 = arith.constant 464 : index
      %swap3A_479 = tpu.vector_load %arg10[%swap3A_477, %swap3A_478] {strides = array<i32>} : memref<64x768xf32, #tpu.memory_space<vmem>>, vector<1x16xf32>,
      %swap3A_480 = vector.shape_cast %swap3A_479 : vector<1x16xf32> to vector<16xf32>
      %swap3A_481 = vector.shape_cast %add3A_476 : vector<16xf32> to vector<1x16xf32>
      tpu.vector_store %arg10[%swap3A_477, %swap3A_478], %swap3A_481 {strides = array<i32>} : memref<64x768xf32, #tpu.memory_space<vmem>>, vector<1x16xf32>,
      %get3A_482 = arith.index_cast %scan3A_26 : i32 to index
      %get3A_483 = arith.constant 480 : index
      %get3A_484 = tpu.vector_load %arg10[%get3A_482, %get3A_483] {strides = array<i32>} : memref<64x768xf32, #tpu.memory_space<vmem>>, vector<1x16xf32>,
      %get3A_485 = vector.shape_cast %get3A_484 : vector<1x16xf32> to vector<16xf32>
      %get3A_486 = arith.index_cast %scan3A_26 : i32 to index
      %get3A_487 = arith.constant 480 : index
      %get3A_488 = tpu.vector_load %arg9[%get3A_486, %get3A_487] {strides = array<i32>} : memref<64x768xf32, #tpu.memory_space<vmem>>, vector<1x16xf32>,
      %get3A_489 = vector.shape_cast %get3A_488 : vector<1x16xf32> to vector<16xf32>
      %mul3A_490 = arith.mulf %get3A_32, %get3A_489 : vector<16xf32>
      %add3A_491 = arith.addf %get3A_485, %mul3A_490 : vector<16xf32>
      %swap3A_492 = arith.index_cast %scan3A_26 : i32 to index
      %swap3A_493 = arith.constant 480 : index
      %swap3A_494 = tpu.vector_load %arg10[%swap3A_492, %swap3A_493] {strides = array<i32>} : memref<64x768xf32, #tpu.memory_space<vmem>>, vector<1x16xf32>,
      %swap3A_495 = vector.shape_cast %swap3A_494 : vector<1x16xf32> to vector<16xf32>
      %swap3A_496 = vector.shape_cast %add3A_491 : vector<16xf32> to vector<1x16xf32>
      tpu.vector_store %arg10[%swap3A_492, %swap3A_493], %swap3A_496 {strides = array<i32>} : memref<64x768xf32, #tpu.memory_space<vmem>>, vector<1x16xf32>,
      %get3A_497 = arith.index_cast %scan3A_26 : i32 to index
      %get3A_498 = arith.constant 496 : index
      %get3A_499 = tpu.vector_load %arg10[%get3A_497, %get3A_498] {strides = array<i32>} : memref<64x768xf32, #tpu.memory_space<vmem>>, vector<1x16xf32>,
      %get3A_500 = vector.shape_cast %get3A_499 : vector<1x16xf32> to vector<16xf32>
      %get3A_501 = arith.index_cast %scan3A_26 : i32 to index
      %get3A_502 = arith.constant 496 : index
      %get3A_503 = tpu.vector_load %arg9[%get3A_501, %get3A_502] {strides = array<i32>} : memref<64x768xf32, #tpu.memory_space<vmem>>, vector<1x16xf32>,
      %get3A_504 = vector.shape_cast %get3A_503 : vector<1x16xf32> to vector<16xf32>
      %mul3A_505 = arith.mulf %get3A_32, %get3A_504 : vector<16xf32>
      %add3A_506 = arith.addf %get3A_500, %mul3A_505 : vector<16xf32>
      %swap3A_507 = arith.index_cast %scan3A_26 : i32 to index
      %swap3A_508 = arith.constant 496 : index
      %swap3A_509 = tpu.vector_load %arg10[%swap3A_507, %swap3A_508] {strides = array<i32>} : memref<64x768xf32, #tpu.memory_space<vmem>>, vector<1x16xf32>,
      %swap3A_510 = vector.shape_cast %swap3A_509 : vector<1x16xf32> to vector<16xf32>
      %swap3A_511 = vector.shape_cast %add3A_506 : vector<16xf32> to vector<1x16xf32>
      tpu.vector_store %arg10[%swap3A_507, %swap3A_508], %swap3A_511 {strides = array<i32>} : memref<64x768xf32, #tpu.memory_space<vmem>>, vector<1x16xf32>,
      %get3A_512 = arith.index_cast %scan3A_26 : i32 to index
      %get3A_513 = arith.constant 512 : index
      %get3A_514 = tpu.vector_load %arg10[%get3A_512, %get3A_513] {strides = array<i32>} : memref<64x768xf32, #tpu.memory_space<vmem>>, vector<1x16xf32>,
      %get3A_515 = vector.shape_cast %get3A_514 : vector<1x16xf32> to vector<16xf32>
      %get3A_516 = arith.index_cast %scan3A_26 : i32 to index
      %get3A_517 = arith.constant 512 : index
      %get3A_518 = tpu.vector_load %arg9[%get3A_516, %get3A_517] {strides = array<i32>} : memref<64x768xf32, #tpu.memory_space<vmem>>, vector<1x16xf32>,
      %get3A_519 = vector.shape_cast %get3A_518 : vector<1x16xf32> to vector<16xf32>
      %mul3A_520 = arith.mulf %get3A_32, %get3A_519 : vector<16xf32>
      %add3A_521 = arith.addf %get3A_515, %mul3A_520 : vector<16xf32>
      %swap3A_522 = arith.index_cast %scan3A_26 : i32 to index
      %swap3A_523 = arith.constant 512 : index
      %swap3A_524 = tpu.vector_load %arg10[%swap3A_522, %swap3A_523] {strides = array<i32>} : memref<64x768xf32, #tpu.memory_space<vmem>>, vector<1x16xf32>,
      %swap3A_525 = vector.shape_cast %swap3A_524 : vector<1x16xf32> to vector<16xf32>
      %swap3A_526 = vector.shape_cast %add3A_521 : vector<16xf32> to vector<1x16xf32>
      tpu.vector_store %arg10[%swap3A_522, %swap3A_523], %swap3A_526 {strides = array<i32>} : memref<64x768xf32, #tpu.memory_space<vmem>>, vector<1x16xf32>,
      %get3A_527 = arith.index_cast %scan3A_26 : i32 to index
      %get3A_528 = arith.constant 528 : index
      %get3A_529 = tpu.vector_load %arg10[%get3A_527, %get3A_528] {strides = array<i32>} : memref<64x768xf32, #tpu.memory_space<vmem>>, vector<1x16xf32>,
      %get3A_530 = vector.shape_cast %get3A_529 : vector<1x16xf32> to vector<16xf32>
      %get3A_531 = arith.index_cast %scan3A_26 : i32 to index
      %get3A_532 = arith.constant 528 : index
      %get3A_533 = tpu.vector_load %arg9[%get3A_531, %get3A_532] {strides = array<i32>} : memref<64x768xf32, #tpu.memory_space<vmem>>, vector<1x16xf32>,
      %get3A_534 = vector.shape_cast %get3A_533 : vector<1x16xf32> to vector<16xf32>
      %mul3A_535 = arith.mulf %get3A_32, %get3A_534 : vector<16xf32>
      %add3A_536 = arith.addf %get3A_530, %mul3A_535 : vector<16xf32>
      %swap3A_537 = arith.index_cast %scan3A_26 : i32 to index
      %swap3A_538 = arith.constant 528 : index
      %swap3A_539 = tpu.vector_load %arg10[%swap3A_537, %swap3A_538] {strides = array<i32>} : memref<64x768xf32, #tpu.memory_space<vmem>>, vector<1x16xf32>,
      %swap3A_540 = vector.shape_cast %swap3A_539 : vector<1x16xf32> to vector<16xf32>
      %swap3A_541 = vector.shape_cast %add3A_536 : vector<16xf32> to vector<1x16xf32>
      tpu.vector_store %arg10[%swap3A_537, %swap3A_538], %swap3A_541 {strides = array<i32>} : memref<64x768xf32, #tpu.memory_space<vmem>>, vector<1x16xf32>,
      %get3A_542 = arith.index_cast %scan3A_26 : i32 to index
      %get3A_543 = arith.constant 544 : index
      %get3A_544 = tpu.vector_load %arg10[%get3A_542, %get3A_543] {strides = array<i32>} : memref<64x768xf32, #tpu.memory_space<vmem>>, vector<1x16xf32>,
      %get3A_545 = vector.shape_cast %get3A_544 : vector<1x16xf32> to vector<16xf32>
      %get3A_546 = arith.index_cast %scan3A_26 : i32 to index
      %get3A_547 = arith.constant 544 : index
      %get3A_548 = tpu.vector_load %arg9[%get3A_546, %get3A_547] {strides = array<i32>} : memref<64x768xf32, #tpu.memory_space<vmem>>, vector<1x16xf32>,
      %get3A_549 = vector.shape_cast %get3A_548 : vector<1x16xf32> to vector<16xf32>
      %mul3A_550 = arith.mulf %get3A_32, %get3A_549 : vector<16xf32>
      %add3A_551 = arith.addf %get3A_545, %mul3A_550 : vector<16xf32>
      %swap3A_552 = arith.index_cast %scan3A_26 : i32 to index
      %swap3A_553 = arith.constant 544 : index
      %swap3A_554 = tpu.vector_load %arg10[%swap3A_552, %swap3A_553] {strides = array<i32>} : memref<64x768xf32, #tpu.memory_space<vmem>>, vector<1x16xf32>,
      %swap3A_555 = vector.shape_cast %swap3A_554 : vector<1x16xf32> to vector<16xf32>
      %swap3A_556 = vector.shape_cast %add3A_551 : vector<16xf32> to vector<1x16xf32>
      tpu.vector_store %arg10[%swap3A_552, %swap3A_553], %swap3A_556 {strides = array<i32>} : memref<64x768xf32, #tpu.memory_space<vmem>>, vector<1x16xf32>,
      %get3A_557 = arith.index_cast %scan3A_26 : i32 to index
      %get3A_558 = arith.constant 560 : index
      %get3A_559 = tpu.vector_load %arg10[%get3A_557, %get3A_558] {strides = array<i32>} : memref<64x768xf32, #tpu.memory_space<vmem>>, vector<1x16xf32>,
      %get3A_560 = vector.shape_cast %get3A_559 : vector<1x16xf32> to vector<16xf32>
      %get3A_561 = arith.index_cast %scan3A_26 : i32 to index
      %get3A_562 = arith.constant 560 : index
      %get3A_563 = tpu.vector_load %arg9[%get3A_561, %get3A_562] {strides = array<i32>} : memref<64x768xf32, #tpu.memory_space<vmem>>, vector<1x16xf32>,
      %get3A_564 = vector.shape_cast %get3A_563 : vector<1x16xf32> to vector<16xf32>
      %mul3A_565 = arith.mulf %get3A_32, %get3A_564 : vector<16xf32>
      %add3A_566 = arith.addf %get3A_560, %mul3A_565 : vector<16xf32>
      %swap3A_567 = arith.index_cast %scan3A_26 : i32 to index
      %swap3A_568 = arith.constant 560 : index
      %swap3A_569 = tpu.vector_load %arg10[%swap3A_567, %swap3A_568] {strides = array<i32>} : memref<64x768xf32, #tpu.memory_space<vmem>>, vector<1x16xf32>,
      %swap3A_570 = vector.shape_cast %swap3A_569 : vector<1x16xf32> to vector<16xf32>
      %swap3A_571 = vector.shape_cast %add3A_566 : vector<16xf32> to vector<1x16xf32>
      tpu.vector_store %arg10[%swap3A_567, %swap3A_568], %swap3A_571 {strides = array<i32>} : memref<64x768xf32, #tpu.memory_space<vmem>>, vector<1x16xf32>,
      %get3A_572 = arith.index_cast %scan3A_26 : i32 to index
      %get3A_573 = arith.constant 576 : index
      %get3A_574 = tpu.vector_load %arg10[%get3A_572, %get3A_573] {strides = array<i32>} : memref<64x768xf32, #tpu.memory_space<vmem>>, vector<1x16xf32>,
      %get3A_575 = vector.shape_cast %get3A_574 : vector<1x16xf32> to vector<16xf32>
      %get3A_576 = arith.index_cast %scan3A_26 : i32 to index
      %get3A_577 = arith.constant 576 : index
      %get3A_578 = tpu.vector_load %arg9[%get3A_576, %get3A_577] {strides = array<i32>} : memref<64x768xf32, #tpu.memory_space<vmem>>, vector<1x16xf32>,
      %get3A_579 = vector.shape_cast %get3A_578 : vector<1x16xf32> to vector<16xf32>
      %mul3A_580 = arith.mulf %get3A_32, %get3A_579 : vector<16xf32>
      %add3A_581 = arith.addf %get3A_575, %mul3A_580 : vector<16xf32>
      %swap3A_582 = arith.index_cast %scan3A_26 : i32 to index
      %swap3A_583 = arith.constant 576 : index
      %swap3A_584 = tpu.vector_load %arg10[%swap3A_582, %swap3A_583] {strides = array<i32>} : memref<64x768xf32, #tpu.memory_space<vmem>>, vector<1x16xf32>,
      %swap3A_585 = vector.shape_cast %swap3A_584 : vector<1x16xf32> to vector<16xf32>
      %swap3A_586 = vector.shape_cast %add3A_581 : vector<16xf32> to vector<1x16xf32>
      tpu.vector_store %arg10[%swap3A_582, %swap3A_583], %swap3A_586 {strides = array<i32>} : memref<64x768xf32, #tpu.memory_space<vmem>>, vector<1x16xf32>,
      %get3A_587 = arith.index_cast %scan3A_26 : i32 to index
      %get3A_588 = arith.constant 592 : index
      %get3A_589 = tpu.vector_load %arg10[%get3A_587, %get3A_588] {strides = array<i32>} : memref<64x768xf32, #tpu.memory_space<vmem>>, vector<1x16xf32>,
      %get3A_590 = vector.shape_cast %get3A_589 : vector<1x16xf32> to vector<16xf32>
      %get3A_591 = arith.index_cast %scan3A_26 : i32 to index
      %get3A_592 = arith.constant 592 : index
      %get3A_593 = tpu.vector_load %arg9[%get3A_591, %get3A_592] {strides = array<i32>} : memref<64x768xf32, #tpu.memory_space<vmem>>, vector<1x16xf32>,
      %get3A_594 = vector.shape_cast %get3A_593 : vector<1x16xf32> to vector<16xf32>
      %mul3A_595 = arith.mulf %get3A_32, %get3A_594 : vector<16xf32>
      %add3A_596 = arith.addf %get3A_590, %mul3A_595 : vector<16xf32>
      %swap3A_597 = arith.index_cast %scan3A_26 : i32 to index
      %swap3A_598 = arith.constant 592 : index
      %swap3A_599 = tpu.vector_load %arg10[%swap3A_597, %swap3A_598] {strides = array<i32>} : memref<64x768xf32, #tpu.memory_space<vmem>>, vector<1x16xf32>,
      %swap3A_600 = vector.shape_cast %swap3A_599 : vector<1x16xf32> to vector<16xf32>
      %swap3A_601 = vector.shape_cast %add3A_596 : vector<16xf32> to vector<1x16xf32>
      tpu.vector_store %arg10[%swap3A_597, %swap3A_598], %swap3A_601 {strides = array<i32>} : memref<64x768xf32, #tpu.memory_space<vmem>>, vector<1x16xf32>,
      %get3A_602 = arith.index_cast %scan3A_26 : i32 to index
      %get3A_603 = arith.constant 608 : index
      %get3A_604 = tpu.vector_load %arg10[%get3A_602, %get3A_603] {strides = array<i32>} : memref<64x768xf32, #tpu.memory_space<vmem>>, vector<1x16xf32>,
      %get3A_605 = vector.shape_cast %get3A_604 : vector<1x16xf32> to vector<16xf32>
      %get3A_606 = arith.index_cast %scan3A_26 : i32 to index
      %get3A_607 = arith.constant 608 : index
      %get3A_608 = tpu.vector_load %arg9[%get3A_606, %get3A_607] {strides = array<i32>} : memref<64x768xf32, #tpu.memory_space<vmem>>, vector<1x16xf32>,
      %get3A_609 = vector.shape_cast %get3A_608 : vector<1x16xf32> to vector<16xf32>
      %mul3A_610 = arith.mulf %get3A_32, %get3A_609 : vector<16xf32>
      %add3A_611 = arith.addf %get3A_605, %mul3A_610 : vector<16xf32>
      %swap3A_612 = arith.index_cast %scan3A_26 : i32 to index
      %swap3A_613 = arith.constant 608 : index
      %swap3A_614 = tpu.vector_load %arg10[%swap3A_612, %swap3A_613] {strides = array<i32>} : memref<64x768xf32, #tpu.memory_space<vmem>>, vector<1x16xf32>,
      %swap3A_615 = vector.shape_cast %swap3A_614 : vector<1x16xf32> to vector<16xf32>
      %swap3A_616 = vector.shape_cast %add3A_611 : vector<16xf32> to vector<1x16xf32>
      tpu.vector_store %arg10[%swap3A_612, %swap3A_613], %swap3A_616 {strides = array<i32>} : memref<64x768xf32, #tpu.memory_space<vmem>>, vector<1x16xf32>,
      %get3A_617 = arith.index_cast %scan3A_26 : i32 to index
      %get3A_618 = arith.constant 624 : index
      %get3A_619 = tpu.vector_load %arg10[%get3A_617, %get3A_618] {strides = array<i32>} : memref<64x768xf32, #tpu.memory_space<vmem>>, vector<1x16xf32>,
      %get3A_620 = vector.shape_cast %get3A_619 : vector<1x16xf32> to vector<16xf32>
      %get3A_621 = arith.index_cast %scan3A_26 : i32 to index
      %get3A_622 = arith.constant 624 : index
      %get3A_623 = tpu.vector_load %arg9[%get3A_621, %get3A_622] {strides = array<i32>} : memref<64x768xf32, #tpu.memory_space<vmem>>, vector<1x16xf32>,
      %get3A_624 = vector.shape_cast %get3A_623 : vector<1x16xf32> to vector<16xf32>
      %mul3A_625 = arith.mulf %get3A_32, %get3A_624 : vector<16xf32>
      %add3A_626 = arith.addf %get3A_620, %mul3A_625 : vector<16xf32>
      %swap3A_627 = arith.index_cast %scan3A_26 : i32 to index
      %swap3A_628 = arith.constant 624 : index
      %swap3A_629 = tpu.vector_load %arg10[%swap3A_627, %swap3A_628] {strides = array<i32>} : memref<64x768xf32, #tpu.memory_space<vmem>>, vector<1x16xf32>,
      %swap3A_630 = vector.shape_cast %swap3A_629 : vector<1x16xf32> to vector<16xf32>
      %swap3A_631 = vector.shape_cast %add3A_626 : vector<16xf32> to vector<1x16xf32>
      tpu.vector_store %arg10[%swap3A_627, %swap3A_628], %swap3A_631 {strides = array<i32>} : memref<64x768xf32, #tpu.memory_space<vmem>>, vector<1x16xf32>,
      %get3A_632 = arith.index_cast %scan3A_26 : i32 to index
      %get3A_633 = arith.constant 640 : index
      %get3A_634 = tpu.vector_load %arg10[%get3A_632, %get3A_633] {strides = array<i32>} : memref<64x768xf32, #tpu.memory_space<vmem>>, vector<1x16xf32>,
      %get3A_635 = vector.shape_cast %get3A_634 : vector<1x16xf32> to vector<16xf32>
      %get3A_636 = arith.index_cast %scan3A_26 : i32 to index
      %get3A_637 = arith.constant 640 : index
      %get3A_638 = tpu.vector_load %arg9[%get3A_636, %get3A_637] {strides = array<i32>} : memref<64x768xf32, #tpu.memory_space<vmem>>, vector<1x16xf32>,
      %get3A_639 = vector.shape_cast %get3A_638 : vector<1x16xf32> to vector<16xf32>
      %mul3A_640 = arith.mulf %get3A_32, %get3A_639 : vector<16xf32>
      %add3A_641 = arith.addf %get3A_635, %mul3A_640 : vector<16xf32>
      %swap3A_642 = arith.index_cast %scan3A_26 : i32 to index
      %swap3A_643 = arith.constant 640 : index
      %swap3A_644 = tpu.vector_load %arg10[%swap3A_642, %swap3A_643] {strides = array<i32>} : memref<64x768xf32, #tpu.memory_space<vmem>>, vector<1x16xf32>,
      %swap3A_645 = vector.shape_cast %swap3A_644 : vector<1x16xf32> to vector<16xf32>
      %swap3A_646 = vector.shape_cast %add3A_641 : vector<16xf32> to vector<1x16xf32>
      tpu.vector_store %arg10[%swap3A_642, %swap3A_643], %swap3A_646 {strides = array<i32>} : memref<64x768xf32, #tpu.memory_space<vmem>>, vector<1x16xf32>,
      %get3A_647 = arith.index_cast %scan3A_26 : i32 to index
      %get3A_648 = arith.constant 656 : index
      %get3A_649 = tpu.vector_load %arg10[%get3A_647, %get3A_648] {strides = array<i32>} : memref<64x768xf32, #tpu.memory_space<vmem>>, vector<1x16xf32>,
      %get3A_650 = vector.shape_cast %get3A_649 : vector<1x16xf32> to vector<16xf32>
      %get3A_651 = arith.index_cast %scan3A_26 : i32 to index
      %get3A_652 = arith.constant 656 : index
      %get3A_653 = tpu.vector_load %arg9[%get3A_651, %get3A_652] {strides = array<i32>} : memref<64x768xf32, #tpu.memory_space<vmem>>, vector<1x16xf32>,
      %get3A_654 = vector.shape_cast %get3A_653 : vector<1x16xf32> to vector<16xf32>
      %mul3A_655 = arith.mulf %get3A_32, %get3A_654 : vector<16xf32>
      %add3A_656 = arith.addf %get3A_650, %mul3A_655 : vector<16xf32>
      %swap3A_657 = arith.index_cast %scan3A_26 : i32 to index
      %swap3A_658 = arith.constant 656 : index
      %swap3A_659 = tpu.vector_load %arg10[%swap3A_657, %swap3A_658] {strides = array<i32>} : memref<64x768xf32, #tpu.memory_space<vmem>>, vector<1x16xf32>,
      %swap3A_660 = vector.shape_cast %swap3A_659 : vector<1x16xf32> to vector<16xf32>
      %swap3A_661 = vector.shape_cast %add3A_656 : vector<16xf32> to vector<1x16xf32>
      tpu.vector_store %arg10[%swap3A_657, %swap3A_658], %swap3A_661 {strides = array<i32>} : memref<64x768xf32, #tpu.memory_space<vmem>>, vector<1x16xf32>,
      %get3A_662 = arith.index_cast %scan3A_26 : i32 to index
      %get3A_663 = arith.constant 672 : index
      %get3A_664 = tpu.vector_load %arg10[%get3A_662, %get3A_663] {strides = array<i32>} : memref<64x768xf32, #tpu.memory_space<vmem>>, vector<1x16xf32>,
      %get3A_665 = vector.shape_cast %get3A_664 : vector<1x16xf32> to vector<16xf32>
      %get3A_666 = arith.index_cast %scan3A_26 : i32 to index
      %get3A_667 = arith.constant 672 : index
      %get3A_668 = tpu.vector_load %arg9[%get3A_666, %get3A_667] {strides = array<i32>} : memref<64x768xf32, #tpu.memory_space<vmem>>, vector<1x16xf32>,
      %get3A_669 = vector.shape_cast %get3A_668 : vector<1x16xf32> to vector<16xf32>
      %mul3A_670 = arith.mulf %get3A_32, %get3A_669 : vector<16xf32>
      %add3A_671 = arith.addf %get3A_665, %mul3A_670 : vector<16xf32>
      %swap3A_672 = arith.index_cast %scan3A_26 : i32 to index
      %swap3A_673 = arith.constant 672 : index
      %swap3A_674 = tpu.vector_load %arg10[%swap3A_672, %swap3A_673] {strides = array<i32>} : memref<64x768xf32, #tpu.memory_space<vmem>>, vector<1x16xf32>,
      %swap3A_675 = vector.shape_cast %swap3A_674 : vector<1x16xf32> to vector<16xf32>
      %swap3A_676 = vector.shape_cast %add3A_671 : vector<16xf32> to vector<1x16xf32>
      tpu.vector_store %arg10[%swap3A_672, %swap3A_673], %swap3A_676 {strides = array<i32>} : memref<64x768xf32, #tpu.memory_space<vmem>>, vector<1x16xf32>,
      %get3A_677 = arith.index_cast %scan3A_26 : i32 to index
      %get3A_678 = arith.constant 688 : index
      %get3A_679 = tpu.vector_load %arg10[%get3A_677, %get3A_678] {strides = array<i32>} : memref<64x768xf32, #tpu.memory_space<vmem>>, vector<1x16xf32>,
      %get3A_680 = vector.shape_cast %get3A_679 : vector<1x16xf32> to vector<16xf32>
      %get3A_681 = arith.index_cast %scan3A_26 : i32 to index
      %get3A_682 = arith.constant 688 : index
      %get3A_683 = tpu.vector_load %arg9[%get3A_681, %get3A_682] {strides = array<i32>} : memref<64x768xf32, #tpu.memory_space<vmem>>, vector<1x16xf32>,
      %get3A_684 = vector.shape_cast %get3A_683 : vector<1x16xf32> to vector<16xf32>
      %mul3A_685 = arith.mulf %get3A_32, %get3A_684 : vector<16xf32>
      %add3A_686 = arith.addf %get3A_680, %mul3A_685 : vector<16xf32>
      %swap3A_687 = arith.index_cast %scan3A_26 : i32 to index
      %swap3A_688 = arith.constant 688 : index
      %swap3A_689 = tpu.vector_load %arg10[%swap3A_687, %swap3A_688] {strides = array<i32>} : memref<64x768xf32, #tpu.memory_space<vmem>>, vector<1x16xf32>,
      %swap3A_690 = vector.shape_cast %swap3A_689 : vector<1x16xf32> to vector<16xf32>
      %swap3A_691 = vector.shape_cast %add3A_686 : vector<16xf32> to vector<1x16xf32>
      tpu.vector_store %arg10[%swap3A_687, %swap3A_688], %swap3A_691 {strides = array<i32>} : memref<64x768xf32, #tpu.memory_space<vmem>>, vector<1x16xf32>,
      %get3A_692 = arith.index_cast %scan3A_26 : i32 to index
      %get3A_693 = arith.constant 704 : index
      %get3A_694 = tpu.vector_load %arg10[%get3A_692, %get3A_693] {strides = array<i32>} : memref<64x768xf32, #tpu.memory_space<vmem>>, vector<1x16xf32>,
      %get3A_695 = vector.shape_cast %get3A_694 : vector<1x16xf32> to vector<16xf32>
      %get3A_696 = arith.index_cast %scan3A_26 : i32 to index
      %get3A_697 = arith.constant 704 : index
      %get3A_698 = tpu.vector_load %arg9[%get3A_696, %get3A_697] {strides = array<i32>} : memref<64x768xf32, #tpu.memory_space<vmem>>, vector<1x16xf32>,
      %get3A_699 = vector.shape_cast %get3A_698 : vector<1x16xf32> to vector<16xf32>
      %mul3A_700 = arith.mulf %get3A_32, %get3A_699 : vector<16xf32>
      %add3A_701 = arith.addf %get3A_695, %mul3A_700 : vector<16xf32>
      %swap3A_702 = arith.index_cast %scan3A_26 : i32 to index
      %swap3A_703 = arith.constant 704 : index
      %swap3A_704 = tpu.vector_load %arg10[%swap3A_702, %swap3A_703] {strides = array<i32>} : memref<64x768xf32, #tpu.memory_space<vmem>>, vector<1x16xf32>,
      %swap3A_705 = vector.shape_cast %swap3A_704 : vector<1x16xf32> to vector<16xf32>
      %swap3A_706 = vector.shape_cast %add3A_701 : vector<16xf32> to vector<1x16xf32>
      tpu.vector_store %arg10[%swap3A_702, %swap3A_703], %swap3A_706 {strides = array<i32>} : memref<64x768xf32, #tpu.memory_space<vmem>>, vector<1x16xf32>,
      %get3A_707 = arith.index_cast %scan3A_26 : i32 to index
      %get3A_708 = arith.constant 720 : index
      %get3A_709 = tpu.vector_load %arg10[%get3A_707, %get3A_708] {strides = array<i32>} : memref<64x768xf32, #tpu.memory_space<vmem>>, vector<1x16xf32>,
      %get3A_710 = vector.shape_cast %get3A_709 : vector<1x16xf32> to vector<16xf32>
      %get3A_711 = arith.index_cast %scan3A_26 : i32 to index
      %get3A_712 = arith.constant 720 : index
      %get3A_713 = tpu.vector_load %arg9[%get3A_711, %get3A_712] {strides = array<i32>} : memref<64x768xf32, #tpu.memory_space<vmem>>, vector<1x16xf32>,
      %get3A_714 = vector.shape_cast %get3A_713 : vector<1x16xf32> to vector<16xf32>
      %mul3A_715 = arith.mulf %get3A_32, %get3A_714 : vector<16xf32>
      %add3A_716 = arith.addf %get3A_710, %mul3A_715 : vector<16xf32>
      %swap3A_717 = arith.index_cast %scan3A_26 : i32 to index
      %swap3A_718 = arith.constant 720 : index
      %swap3A_719 = tpu.vector_load %arg10[%swap3A_717, %swap3A_718] {strides = array<i32>} : memref<64x768xf32, #tpu.memory_space<vmem>>, vector<1x16xf32>,
      %swap3A_720 = vector.shape_cast %swap3A_719 : vector<1x16xf32> to vector<16xf32>
      %swap3A_721 = vector.shape_cast %add3A_716 : vector<16xf32> to vector<1x16xf32>
      tpu.vector_store %arg10[%swap3A_717, %swap3A_718], %swap3A_721 {strides = array<i32>} : memref<64x768xf32, #tpu.memory_space<vmem>>, vector<1x16xf32>,
      %get3A_722 = arith.index_cast %scan3A_26 : i32 to index
      %get3A_723 = arith.constant 736 : index
      %get3A_724 = tpu.vector_load %arg10[%get3A_722, %get3A_723] {strides = array<i32>} : memref<64x768xf32, #tpu.memory_space<vmem>>, vector<1x16xf32>,
      %get3A_725 = vector.shape_cast %get3A_724 : vector<1x16xf32> to vector<16xf32>
      %get3A_726 = arith.index_cast %scan3A_26 : i32 to index
      %get3A_727 = arith.constant 736 : index
      %get3A_728 = tpu.vector_load %arg9[%get3A_726, %get3A_727] {strides = array<i32>} : memref<64x768xf32, #tpu.memory_space<vmem>>, vector<1x16xf32>,
      %get3A_729 = vector.shape_cast %get3A_728 : vector<1x16xf32> to vector<16xf32>
      %mul3A_730 = arith.mulf %get3A_32, %get3A_729 : vector<16xf32>
      %add3A_731 = arith.addf %get3A_725, %mul3A_730 : vector<16xf32>
      %swap3A_732 = arith.index_cast %scan3A_26 : i32 to index
      %swap3A_733 = arith.constant 736 : index
      %swap3A_734 = tpu.vector_load %arg10[%swap3A_732, %swap3A_733] {strides = array<i32>} : memref<64x768xf32, #tpu.memory_space<vmem>>, vector<1x16xf32>,
      %swap3A_735 = vector.shape_cast %swap3A_734 : vector<1x16xf32> to vector<16xf32>
      %swap3A_736 = vector.shape_cast %add3A_731 : vector<16xf32> to vector<1x16xf32>
      tpu.vector_store %arg10[%swap3A_732, %swap3A_733], %swap3A_736 {strides = array<i32>} : memref<64x768xf32, #tpu.memory_space<vmem>>, vector<1x16xf32>,
      %get3A_737 = arith.index_cast %scan3A_26 : i32 to index
      %get3A_738 = arith.constant 752 : index
      %get3A_739 = tpu.vector_load %arg10[%get3A_737, %get3A_738] {strides = array<i32>} : memref<64x768xf32, #tpu.memory_space<vmem>>, vector<1x16xf32>,
      %get3A_740 = vector.shape_cast %get3A_739 : vector<1x16xf32> to vector<16xf32>
      %get3A_741 = arith.index_cast %scan3A_26 : i32 to index
      %get3A_742 = arith.constant 752 : index
      %get3A_743 = tpu.vector_load %arg9[%get3A_741, %get3A_742] {strides = array<i32>} : memref<64x768xf32, #tpu.memory_space<vmem>>, vector<1x16xf32>,
      %get3A_744 = vector.shape_cast %get3A_743 : vector<1x16xf32> to vector<16xf32>
      %mul3A_745 = arith.mulf %get3A_32, %get3A_744 : vector<16xf32>
      %add3A_746 = arith.addf %get3A_740, %mul3A_745 : vector<16xf32>
      %swap3A_747 = arith.index_cast %scan3A_26 : i32 to index
      %swap3A_748 = arith.constant 752 : index
      %swap3A_749 = tpu.vector_load %arg10[%swap3A_747, %swap3A_748] {strides = array<i32>} : memref<64x768xf32, #tpu.memory_space<vmem>>, vector<1x16xf32>,
      %swap3A_750 = vector.shape_cast %swap3A_749 : vector<1x16xf32> to vector<16xf32>
      %swap3A_751 = vector.shape_cast %add3A_746 : vector<16xf32> to vector<1x16xf32>
      tpu.vector_store %arg10[%swap3A_747, %swap3A_748], %swap3A_751 {strides = array<i32>} : memref<64x768xf32, #tpu.memory_space<vmem>>, vector<1x16xf32>,
    }
    %scan3A_13 = arith.constant 64 : i32
    "tpu.region"() ({
      %run_scoped3A = tpu.sem_alloc : memref<!tpu.dma_semaphore, #tpu.memory_space<semaphore_mem>>
      %dma_start3A_26 = tpu.memref_slice %arg5[%mul3A_2] : memref<2048xi32, #tpu.memory_space<hbm>> -> memref<64xi32, #tpu.memory_space<hbm>>
      %dma_start3A_27 = tpu.memref_slice %arg5[%mul3A_2] : memref<2048xi32, #tpu.memory_space<hbm>> -> memref<64xi32, #tpu.memory_space<hbm>>
      tpu.enqueue_dma source(%dma_start3A_27 : memref<64xi32, #tpu.memory_space<hbm>>) target(%arg8 : memref<64xi32, #tpu.memory_space<vmem>>) target_semaphore(%run_scoped3A : memref<!tpu.dma_semaphore, #tpu.memory_space<semaphore_mem>>)
      %dma_wait3A_28 = tpu.memref_slice %arg5[%mul3A_2] : memref<2048xi32, #tpu.memory_space<hbm>> -> memref<64xi32, #tpu.memory_space<hbm>>
      %dma_wait3A_29 = tpu.memref_slice %arg5[%mul3A_2] : memref<2048xi32, #tpu.memory_space<hbm>> -> memref<64xi32, #tpu.memory_space<hbm>>
      tpu.wait_dma2 semaphore(%run_scoped3A : memref<!tpu.dma_semaphore, #tpu.memory_space<semaphore_mem>>) src(%dma_wait3A_29 : memref<64xi32, #tpu.memory_space<hbm>>) dst(%arg8 : memref<64xi32, #tpu.memory_space<vmem>>)
      tpu.yield
    }) : () -> ()
    %dma_start3A_14 = arith.constant 0 : i32
    %dma_start3A_15 = arith.constant 0 : i32
    %dma_start3A_16 = tpu.memref_slice %arg3[%dma_start3A_14, %dma_start3A_15] : memref<4096x768xf32, #tpu.memory_space<hbm>> -> memref<4096x768xf32, #tpu.memory_space<hbm>>
    tpu.enqueue_indirect_dma source(%dma_start3A_16 : memref<4096x768xf32, #tpu.memory_space<hbm>>) target(%arg9 : memref<64x768xf32, #tpu.memory_space<vmem>>) offsets(%arg8 : memref<64xi32, #tpu.memory_space<vmem>>) semaphore(%arg12 : memref<!tpu.dma_semaphore, #tpu.memory_space<semaphore_mem>>)
    %dma_wait3A_17 = arith.constant 0 : i32
    %dma_wait3A_18 = arith.constant 0 : i32
    %dma_wait3A_19 = tpu.memref_slice %arg3[%dma_wait3A_17, %dma_wait3A_18] : memref<4096x768xf32, #tpu.memory_space<hbm>> -> memref<4096x768xf32, #tpu.memory_space<hbm>>
    tpu.wait_indirect_dma semaphore(%arg12 : memref<!tpu.dma_semaphore, #tpu.memory_space<semaphore_mem>>) src(%dma_wait3A_19 : memref<4096x768xf32, #tpu.memory_space<hbm>>) dst(%arg9 : memref<64x768xf32, #tpu.memory_space<vmem>>)
    %scan3A_20 = arith.constant 0 : i32
    %scan3A_21 = arith.constant 0 : i32
    %scan3A_22 = arith.constant 64 : i32
    %scan3A_23 = arith.addi %scan3A_21, %scan3A_22 : i32
    %scan3A_24 = arith.constant 1 : i32
    scf.for %scan3A_26 = %scan3A_21 to %scan3A_23 step %scan3A_24  : i32 {
      %mul3A_27 = arith.constant 32 : i32
      %mul3A_28 = arith.muli %scan3A_26, %mul3A_27 : i32
      %add3A_29 = arith.constant 16 : i32
      %add3A_30 = arith.addi %mul3A_28, %add3A_29 : i32
      %get3A = arith.index_cast %add3A_30 : i32 to index
      %get3A_31 = tpu.vector_load %arg11[%get3A] {strides = array<i32>} : memref<2048xf32, #tpu.memory_space<vmem>>, vector<16xf32>,
      %get3A_32 = vector.shape_cast %get3A_31 : vector<16xf32> to vector<16xf32>
      %get3A_33 = arith.index_cast %scan3A_26 : i32 to index
      %get3A_34 = arith.constant 0 : index
      %get3A_35 = tpu.vector_load %arg10[%get3A_33, %get3A_34] {strides = array<i32>} : memref<64x768xf32, #tpu.memory_space<vmem>>, vector<1x16xf32>,
      %get3A_36 = vector.shape_cast %get3A_35 : vector<1x16xf32> to vector<16xf32>
      %get3A_37 = arith.index_cast %scan3A_26 : i32 to index
      %get3A_38 = arith.constant 0 : index
      %get3A_39 = tpu.vector_load %arg9[%get3A_37, %get3A_38] {strides = array<i32>} : memref<64x768xf32, #tpu.memory_space<vmem>>, vector<1x16xf32>,
      %get3A_40 = vector.shape_cast %get3A_39 : vector<1x16xf32> to vector<16xf32>
      %mul3A_41 = arith.mulf %get3A_32, %get3A_40 : vector<16xf32>
      %add3A_42 = arith.addf %get3A_36, %mul3A_41 : vector<16xf32>
      %swap3A = arith.index_cast %scan3A_26 : i32 to index
      %swap3A_43 = arith.constant 0 : index
      %swap3A_44 = tpu.vector_load %arg10[%swap3A, %swap3A_43] {strides = array<i32>} : memref<64x768xf32, #tpu.memory_space<vmem>>, vector<1x16xf32>,
      %swap3A_45 = vector.shape_cast %swap3A_44 : vector<1x16xf32> to vector<16xf32>
      %swap3A_46 = vector.shape_cast %add3A_42 : vector<16xf32> to vector<1x16xf32>
      tpu.vector_store %arg10[%swap3A, %swap3A_43], %swap3A_46 {strides = array<i32>} : memref<64x768xf32, #tpu.memory_space<vmem>>, vector<1x16xf32>,
      %get3A_47 = arith.index_cast %scan3A_26 : i32 to index
      %get3A_48 = arith.constant 16 : index
      %get3A_49 = tpu.vector_load %arg10[%get3A_47, %get3A_48] {strides = array<i32>} : memref<64x768xf32, #tpu.memory_space<vmem>>, vector<1x16xf32>,
      %get3A_50 = vector.shape_cast %get3A_49 : vector<1x16xf32> to vector<16xf32>
      %get3A_51 = arith.index_cast %scan3A_26 : i32 to index
      %get3A_52 = arith.constant 16 : index
      %get3A_53 = tpu.vector_load %arg9[%get3A_51, %get3A_52] {strides = array<i32>} : memref<64x768xf32, #tpu.memory_space<vmem>>, vector<1x16xf32>,
      %get3A_54 = vector.shape_cast %get3A_53 : vector<1x16xf32> to vector<16xf32>
      %mul3A_55 = arith.mulf %get3A_32, %get3A_54 : vector<16xf32>
      %add3A_56 = arith.addf %get3A_50, %mul3A_55 : vector<16xf32>
      %swap3A_57 = arith.index_cast %scan3A_26 : i32 to index
      %swap3A_58 = arith.constant 16 : index
      %swap3A_59 = tpu.vector_load %arg10[%swap3A_57, %swap3A_58] {strides = array<i32>} : memref<64x768xf32, #tpu.memory_space<vmem>>, vector<1x16xf32>,
      %swap3A_60 = vector.shape_cast %swap3A_59 : vector<1x16xf32> to vector<16xf32>
      %swap3A_61 = vector.shape_cast %add3A_56 : vector<16xf32> to vector<1x16xf32>
      tpu.vector_store %arg10[%swap3A_57, %swap3A_58], %swap3A_61 {strides = array<i32>} : memref<64x768xf32, #tpu.memory_space<vmem>>, vector<1x16xf32>,
      %get3A_62 = arith.index_cast %scan3A_26 : i32 to index
      %get3A_63 = arith.constant 32 : index
      %get3A_64 = tpu.vector_load %arg10[%get3A_62, %get3A_63] {strides = array<i32>} : memref<64x768xf32, #tpu.memory_space<vmem>>, vector<1x16xf32>,
      %get3A_65 = vector.shape_cast %get3A_64 : vector<1x16xf32> to vector<16xf32>
      %get3A_66 = arith.index_cast %scan3A_26 : i32 to index
      %get3A_67 = arith.constant 32 : index
      %get3A_68 = tpu.vector_load %arg9[%get3A_66, %get3A_67] {strides = array<i32>} : memref<64x768xf32, #tpu.memory_space<vmem>>, vector<1x16xf32>,
      %get3A_69 = vector.shape_cast %get3A_68 : vector<1x16xf32> to vector<16xf32>
      %mul3A_70 = arith.mulf %get3A_32, %get3A_69 : vector<16xf32>
      %add3A_71 = arith.addf %get3A_65, %mul3A_70 : vector<16xf32>
      %swap3A_72 = arith.index_cast %scan3A_26 : i32 to index
      %swap3A_73 = arith.constant 32 : index
      %swap3A_74 = tpu.vector_load %arg10[%swap3A_72, %swap3A_73] {strides = array<i32>} : memref<64x768xf32, #tpu.memory_space<vmem>>, vector<1x16xf32>,
      %swap3A_75 = vector.shape_cast %swap3A_74 : vector<1x16xf32> to vector<16xf32>
      %swap3A_76 = vector.shape_cast %add3A_71 : vector<16xf32> to vector<1x16xf32>
      tpu.vector_store %arg10[%swap3A_72, %swap3A_73], %swap3A_76 {strides = array<i32>} : memref<64x768xf32, #tpu.memory_space<vmem>>, vector<1x16xf32>,
      %get3A_77 = arith.index_cast %scan3A_26 : i32 to index
      %get3A_78 = arith.constant 48 : index
      %get3A_79 = tpu.vector_load %arg10[%get3A_77, %get3A_78] {strides = array<i32>} : memref<64x768xf32, #tpu.memory_space<vmem>>, vector<1x16xf32>,
      %get3A_80 = vector.shape_cast %get3A_79 : vector<1x16xf32> to vector<16xf32>
      %get3A_81 = arith.index_cast %scan3A_26 : i32 to index
      %get3A_82 = arith.constant 48 : index
      %get3A_83 = tpu.vector_load %arg9[%get3A_81, %get3A_82] {strides = array<i32>} : memref<64x768xf32, #tpu.memory_space<vmem>>, vector<1x16xf32>,
      %get3A_84 = vector.shape_cast %get3A_83 : vector<1x16xf32> to vector<16xf32>
      %mul3A_85 = arith.mulf %get3A_32, %get3A_84 : vector<16xf32>
      %add3A_86 = arith.addf %get3A_80, %mul3A_85 : vector<16xf32>
      %swap3A_87 = arith.index_cast %scan3A_26 : i32 to index
      %swap3A_88 = arith.constant 48 : index
      %swap3A_89 = tpu.vector_load %arg10[%swap3A_87, %swap3A_88] {strides = array<i32>} : memref<64x768xf32, #tpu.memory_space<vmem>>, vector<1x16xf32>,
      %swap3A_90 = vector.shape_cast %swap3A_89 : vector<1x16xf32> to vector<16xf32>
      %swap3A_91 = vector.shape_cast %add3A_86 : vector<16xf32> to vector<1x16xf32>
      tpu.vector_store %arg10[%swap3A_87, %swap3A_88], %swap3A_91 {strides = array<i32>} : memref<64x768xf32, #tpu.memory_space<vmem>>, vector<1x16xf32>,
      %get3A_92 = arith.index_cast %scan3A_26 : i32 to index
      %get3A_93 = arith.constant 64 : index
      %get3A_94 = tpu.vector_load %arg10[%get3A_92, %get3A_93] {strides = array<i32>} : memref<64x768xf32, #tpu.memory_space<vmem>>, vector<1x16xf32>,
      %get3A_95 = vector.shape_cast %get3A_94 : vector<1x16xf32> to vector<16xf32>
      %get3A_96 = arith.index_cast %scan3A_26 : i32 to index
      %get3A_97 = arith.constant 64 : index
      %get3A_98 = tpu.vector_load %arg9[%get3A_96, %get3A_97] {strides = array<i32>} : memref<64x768xf32, #tpu.memory_space<vmem>>, vector<1x16xf32>,
      %get3A_99 = vector.shape_cast %get3A_98 : vector<1x16xf32> to vector<16xf32>
      %mul3A_100 = arith.mulf %get3A_32, %get3A_99 : vector<16xf32>
      %add3A_101 = arith.addf %get3A_95, %mul3A_100 : vector<16xf32>
      %swap3A_102 = arith.index_cast %scan3A_26 : i32 to index
      %swap3A_103 = arith.constant 64 : index
      %swap3A_104 = tpu.vector_load %arg10[%swap3A_102, %swap3A_103] {strides = array<i32>} : memref<64x768xf32, #tpu.memory_space<vmem>>, vector<1x16xf32>,
      %swap3A_105 = vector.shape_cast %swap3A_104 : vector<1x16xf32> to vector<16xf32>
      %swap3A_106 = vector.shape_cast %add3A_101 : vector<16xf32> to vector<1x16xf32>
      tpu.vector_store %arg10[%swap3A_102, %swap3A_103], %swap3A_106 {strides = array<i32>} : memref<64x768xf32, #tpu.memory_space<vmem>>, vector<1x16xf32>,
      %get3A_107 = arith.index_cast %scan3A_26 : i32 to index
      %get3A_108 = arith.constant 80 : index
      %get3A_109 = tpu.vector_load %arg10[%get3A_107, %get3A_108] {strides = array<i32>} : memref<64x768xf32, #tpu.memory_space<vmem>>, vector<1x16xf32>,
      %get3A_110 = vector.shape_cast %get3A_109 : vector<1x16xf32> to vector<16xf32>
      %get3A_111 = arith.index_cast %scan3A_26 : i32 to index
      %get3A_112 = arith.constant 80 : index
      %get3A_113 = tpu.vector_load %arg9[%get3A_111, %get3A_112] {strides = array<i32>} : memref<64x768xf32, #tpu.memory_space<vmem>>, vector<1x16xf32>,
      %get3A_114 = vector.shape_cast %get3A_113 : vector<1x16xf32> to vector<16xf32>
      %mul3A_115 = arith.mulf %get3A_32, %get3A_114 : vector<16xf32>
      %add3A_116 = arith.addf %get3A_110, %mul3A_115 : vector<16xf32>
      %swap3A_117 = arith.index_cast %scan3A_26 : i32 to index
      %swap3A_118 = arith.constant 80 : index
      %swap3A_119 = tpu.vector_load %arg10[%swap3A_117, %swap3A_118] {strides = array<i32>} : memref<64x768xf32, #tpu.memory_space<vmem>>, vector<1x16xf32>,
      %swap3A_120 = vector.shape_cast %swap3A_119 : vector<1x16xf32> to vector<16xf32>
      %swap3A_121 = vector.shape_cast %add3A_116 : vector<16xf32> to vector<1x16xf32>
      tpu.vector_store %arg10[%swap3A_117, %swap3A_118], %swap3A_121 {strides = array<i32>} : memref<64x768xf32, #tpu.memory_space<vmem>>, vector<1x16xf32>,
      %get3A_122 = arith.index_cast %scan3A_26 : i32 to index
      %get3A_123 = arith.constant 96 : index
      %get3A_124 = tpu.vector_load %arg10[%get3A_122, %get3A_123] {strides = array<i32>} : memref<64x768xf32, #tpu.memory_space<vmem>>, vector<1x16xf32>,
      %get3A_125 = vector.shape_cast %get3A_124 : vector<1x16xf32> to vector<16xf32>
      %get3A_126 = arith.index_cast %scan3A_26 : i32 to index
      %get3A_127 = arith.constant 96 : index
      %get3A_128 = tpu.vector_load %arg9[%get3A_126, %get3A_127] {strides = array<i32>} : memref<64x768xf32, #tpu.memory_space<vmem>>, vector<1x16xf32>,
      %get3A_129 = vector.shape_cast %get3A_128 : vector<1x16xf32> to vector<16xf32>
      %mul3A_130 = arith.mulf %get3A_32, %get3A_129 : vector<16xf32>
      %add3A_131 = arith.addf %get3A_125, %mul3A_130 : vector<16xf32>
      %swap3A_132 = arith.index_cast %scan3A_26 : i32 to index
      %swap3A_133 = arith.constant 96 : index
      %swap3A_134 = tpu.vector_load %arg10[%swap3A_132, %swap3A_133] {strides = array<i32>} : memref<64x768xf32, #tpu.memory_space<vmem>>, vector<1x16xf32>,
      %swap3A_135 = vector.shape_cast %swap3A_134 : vector<1x16xf32> to vector<16xf32>
      %swap3A_136 = vector.shape_cast %add3A_131 : vector<16xf32> to vector<1x16xf32>
      tpu.vector_store %arg10[%swap3A_132, %swap3A_133], %swap3A_136 {strides = array<i32>} : memref<64x768xf32, #tpu.memory_space<vmem>>, vector<1x16xf32>,
      %get3A_137 = arith.index_cast %scan3A_26 : i32 to index
      %get3A_138 = arith.constant 112 : index
      %get3A_139 = tpu.vector_load %arg10[%get3A_137, %get3A_138] {strides = array<i32>} : memref<64x768xf32, #tpu.memory_space<vmem>>, vector<1x16xf32>,
      %get3A_140 = vector.shape_cast %get3A_139 : vector<1x16xf32> to vector<16xf32>
      %get3A_141 = arith.index_cast %scan3A_26 : i32 to index
      %get3A_142 = arith.constant 112 : index
      %get3A_143 = tpu.vector_load %arg9[%get3A_141, %get3A_142] {strides = array<i32>} : memref<64x768xf32, #tpu.memory_space<vmem>>, vector<1x16xf32>,
      %get3A_144 = vector.shape_cast %get3A_143 : vector<1x16xf32> to vector<16xf32>
      %mul3A_145 = arith.mulf %get3A_32, %get3A_144 : vector<16xf32>
      %add3A_146 = arith.addf %get3A_140, %mul3A_145 : vector<16xf32>
      %swap3A_147 = arith.index_cast %scan3A_26 : i32 to index
      %swap3A_148 = arith.constant 112 : index
      %swap3A_149 = tpu.vector_load %arg10[%swap3A_147, %swap3A_148] {strides = array<i32>} : memref<64x768xf32, #tpu.memory_space<vmem>>, vector<1x16xf32>,
      %swap3A_150 = vector.shape_cast %swap3A_149 : vector<1x16xf32> to vector<16xf32>
      %swap3A_151 = vector.shape_cast %add3A_146 : vector<16xf32> to vector<1x16xf32>
      tpu.vector_store %arg10[%swap3A_147, %swap3A_148], %swap3A_151 {strides = array<i32>} : memref<64x768xf32, #tpu.memory_space<vmem>>, vector<1x16xf32>,
      %get3A_152 = arith.index_cast %scan3A_26 : i32 to index
      %get3A_153 = arith.constant 128 : index
      %get3A_154 = tpu.vector_load %arg10[%get3A_152, %get3A_153] {strides = array<i32>} : memref<64x768xf32, #tpu.memory_space<vmem>>, vector<1x16xf32>,
      %get3A_155 = vector.shape_cast %get3A_154 : vector<1x16xf32> to vector<16xf32>
      %get3A_156 = arith.index_cast %scan3A_26 : i32 to index
      %get3A_157 = arith.constant 128 : index
      %get3A_158 = tpu.vector_load %arg9[%get3A_156, %get3A_157] {strides = array<i32>} : memref<64x768xf32, #tpu.memory_space<vmem>>, vector<1x16xf32>,
      %get3A_159 = vector.shape_cast %get3A_158 : vector<1x16xf32> to vector<16xf32>
      %mul3A_160 = arith.mulf %get3A_32, %get3A_159 : vector<16xf32>
      %add3A_161 = arith.addf %get3A_155, %mul3A_160 : vector<16xf32>
      %swap3A_162 = arith.index_cast %scan3A_26 : i32 to index
      %swap3A_163 = arith.constant 128 : index
      %swap3A_164 = tpu.vector_load %arg10[%swap3A_162, %swap3A_163] {strides = array<i32>} : memref<64x768xf32, #tpu.memory_space<vmem>>, vector<1x16xf32>,
      %swap3A_165 = vector.shape_cast %swap3A_164 : vector<1x16xf32> to vector<16xf32>
      %swap3A_166 = vector.shape_cast %add3A_161 : vector<16xf32> to vector<1x16xf32>
      tpu.vector_store %arg10[%swap3A_162, %swap3A_163], %swap3A_166 {strides = array<i32>} : memref<64x768xf32, #tpu.memory_space<vmem>>, vector<1x16xf32>,
      %get3A_167 = arith.index_cast %scan3A_26 : i32 to index
      %get3A_168 = arith.constant 144 : index
      %get3A_169 = tpu.vector_load %arg10[%get3A_167, %get3A_168] {strides = array<i32>} : memref<64x768xf32, #tpu.memory_space<vmem>>, vector<1x16xf32>,
      %get3A_170 = vector.shape_cast %get3A_169 : vector<1x16xf32> to vector<16xf32>
      %get3A_171 = arith.index_cast %scan3A_26 : i32 to index
      %get3A_172 = arith.constant 144 : index
      %get3A_173 = tpu.vector_load %arg9[%get3A_171, %get3A_172] {strides = array<i32>} : memref<64x768xf32, #tpu.memory_space<vmem>>, vector<1x16xf32>,
      %get3A_174 = vector.shape_cast %get3A_173 : vector<1x16xf32> to vector<16xf32>
      %mul3A_175 = arith.mulf %get3A_32, %get3A_174 : vector<16xf32>
      %add3A_176 = arith.addf %get3A_170, %mul3A_175 : vector<16xf32>
      %swap3A_177 = arith.index_cast %scan3A_26 : i32 to index
      %swap3A_178 = arith.constant 144 : index
      %swap3A_179 = tpu.vector_load %arg10[%swap3A_177, %swap3A_178] {strides = array<i32>} : memref<64x768xf32, #tpu.memory_space<vmem>>, vector<1x16xf32>,
      %swap3A_180 = vector.shape_cast %swap3A_179 : vector<1x16xf32> to vector<16xf32>
      %swap3A_181 = vector.shape_cast %add3A_176 : vector<16xf32> to vector<1x16xf32>
      tpu.vector_store %arg10[%swap3A_177, %swap3A_178], %swap3A_181 {strides = array<i32>} : memref<64x768xf32, #tpu.memory_space<vmem>>, vector<1x16xf32>,
      %get3A_182 = arith.index_cast %scan3A_26 : i32 to index
      %get3A_183 = arith.constant 160 : index
      %get3A_184 = tpu.vector_load %arg10[%get3A_182, %get3A_183] {strides = array<i32>} : memref<64x768xf32, #tpu.memory_space<vmem>>, vector<1x16xf32>,
      %get3A_185 = vector.shape_cast %get3A_184 : vector<1x16xf32> to vector<16xf32>
      %get3A_186 = arith.index_cast %scan3A_26 : i32 to index
      %get3A_187 = arith.constant 160 : index
      %get3A_188 = tpu.vector_load %arg9[%get3A_186, %get3A_187] {strides = array<i32>} : memref<64x768xf32, #tpu.memory_space<vmem>>, vector<1x16xf32>,
      %get3A_189 = vector.shape_cast %get3A_188 : vector<1x16xf32> to vector<16xf32>
      %mul3A_190 = arith.mulf %get3A_32, %get3A_189 : vector<16xf32>
      %add3A_191 = arith.addf %get3A_185, %mul3A_190 : vector<16xf32>
      %swap3A_192 = arith.index_cast %scan3A_26 : i32 to index
      %swap3A_193 = arith.constant 160 : index
      %swap3A_194 = tpu.vector_load %arg10[%swap3A_192, %swap3A_193] {strides = array<i32>} : memref<64x768xf32, #tpu.memory_space<vmem>>, vector<1x16xf32>,
      %swap3A_195 = vector.shape_cast %swap3A_194 : vector<1x16xf32> to vector<16xf32>
      %swap3A_196 = vector.shape_cast %add3A_191 : vector<16xf32> to vector<1x16xf32>
      tpu.vector_store %arg10[%swap3A_192, %swap3A_193], %swap3A_196 {strides = array<i32>} : memref<64x768xf32, #tpu.memory_space<vmem>>, vector<1x16xf32>,
      %get3A_197 = arith.index_cast %scan3A_26 : i32 to index
      %get3A_198 = arith.constant 176 : index
      %get3A_199 = tpu.vector_load %arg10[%get3A_197, %get3A_198] {strides = array<i32>} : memref<64x768xf32, #tpu.memory_space<vmem>>, vector<1x16xf32>,
      %get3A_200 = vector.shape_cast %get3A_199 : vector<1x16xf32> to vector<16xf32>
      %get3A_201 = arith.index_cast %scan3A_26 : i32 to index
      %get3A_202 = arith.constant 176 : index
      %get3A_203 = tpu.vector_load %arg9[%get3A_201, %get3A_202] {strides = array<i32>} : memref<64x768xf32, #tpu.memory_space<vmem>>, vector<1x16xf32>,
      %get3A_204 = vector.shape_cast %get3A_203 : vector<1x16xf32> to vector<16xf32>
      %mul3A_205 = arith.mulf %get3A_32, %get3A_204 : vector<16xf32>
      %add3A_206 = arith.addf %get3A_200, %mul3A_205 : vector<16xf32>
      %swap3A_207 = arith.index_cast %scan3A_26 : i32 to index
      %swap3A_208 = arith.constant 176 : index
      %swap3A_209 = tpu.vector_load %arg10[%swap3A_207, %swap3A_208] {strides = array<i32>} : memref<64x768xf32, #tpu.memory_space<vmem>>, vector<1x16xf32>,
      %swap3A_210 = vector.shape_cast %swap3A_209 : vector<1x16xf32> to vector<16xf32>
      %swap3A_211 = vector.shape_cast %add3A_206 : vector<16xf32> to vector<1x16xf32>
      tpu.vector_store %arg10[%swap3A_207, %swap3A_208], %swap3A_211 {strides = array<i32>} : memref<64x768xf32, #tpu.memory_space<vmem>>, vector<1x16xf32>,
      %get3A_212 = arith.index_cast %scan3A_26 : i32 to index
      %get3A_213 = arith.constant 192 : index
      %get3A_214 = tpu.vector_load %arg10[%get3A_212, %get3A_213] {strides = array<i32>} : memref<64x768xf32, #tpu.memory_space<vmem>>, vector<1x16xf32>,
      %get3A_215 = vector.shape_cast %get3A_214 : vector<1x16xf32> to vector<16xf32>
      %get3A_216 = arith.index_cast %scan3A_26 : i32 to index
      %get3A_217 = arith.constant 192 : index
      %get3A_218 = tpu.vector_load %arg9[%get3A_216, %get3A_217] {strides = array<i32>} : memref<64x768xf32, #tpu.memory_space<vmem>>, vector<1x16xf32>,
      %get3A_219 = vector.shape_cast %get3A_218 : vector<1x16xf32> to vector<16xf32>
      %mul3A_220 = arith.mulf %get3A_32, %get3A_219 : vector<16xf32>
      %add3A_221 = arith.addf %get3A_215, %mul3A_220 : vector<16xf32>
      %swap3A_222 = arith.index_cast %scan3A_26 : i32 to index
      %swap3A_223 = arith.constant 192 : index
      %swap3A_224 = tpu.vector_load %arg10[%swap3A_222, %swap3A_223] {strides = array<i32>} : memref<64x768xf32, #tpu.memory_space<vmem>>, vector<1x16xf32>,
      %swap3A_225 = vector.shape_cast %swap3A_224 : vector<1x16xf32> to vector<16xf32>
      %swap3A_226 = vector.shape_cast %add3A_221 : vector<16xf32> to vector<1x16xf32>
      tpu.vector_store %arg10[%swap3A_222, %swap3A_223], %swap3A_226 {strides = array<i32>} : memref<64x768xf32, #tpu.memory_space<vmem>>, vector<1x16xf32>,
      %get3A_227 = arith.index_cast %scan3A_26 : i32 to index
      %get3A_228 = arith.constant 208 : index
      %get3A_229 = tpu.vector_load %arg10[%get3A_227, %get3A_228] {strides = array<i32>} : memref<64x768xf32, #tpu.memory_space<vmem>>, vector<1x16xf32>,
      %get3A_230 = vector.shape_cast %get3A_229 : vector<1x16xf32> to vector<16xf32>
      %get3A_231 = arith.index_cast %scan3A_26 : i32 to index
      %get3A_232 = arith.constant 208 : index
      %get3A_233 = tpu.vector_load %arg9[%get3A_231, %get3A_232] {strides = array<i32>} : memref<64x768xf32, #tpu.memory_space<vmem>>, vector<1x16xf32>,
      %get3A_234 = vector.shape_cast %get3A_233 : vector<1x16xf32> to vector<16xf32>
      %mul3A_235 = arith.mulf %get3A_32, %get3A_234 : vector<16xf32>
      %add3A_236 = arith.addf %get3A_230, %mul3A_235 : vector<16xf32>
      %swap3A_237 = arith.index_cast %scan3A_26 : i32 to index
      %swap3A_238 = arith.constant 208 : index
      %swap3A_239 = tpu.vector_load %arg10[%swap3A_237, %swap3A_238] {strides = array<i32>} : memref<64x768xf32, #tpu.memory_space<vmem>>, vector<1x16xf32>,
      %swap3A_240 = vector.shape_cast %swap3A_239 : vector<1x16xf32> to vector<16xf32>
      %swap3A_241 = vector.shape_cast %add3A_236 : vector<16xf32> to vector<1x16xf32>
      tpu.vector_store %arg10[%swap3A_237, %swap3A_238], %swap3A_241 {strides = array<i32>} : memref<64x768xf32, #tpu.memory_space<vmem>>, vector<1x16xf32>,
      %get3A_242 = arith.index_cast %scan3A_26 : i32 to index
      %get3A_243 = arith.constant 224 : index
      %get3A_244 = tpu.vector_load %arg10[%get3A_242, %get3A_243] {strides = array<i32>} : memref<64x768xf32, #tpu.memory_space<vmem>>, vector<1x16xf32>,
      %get3A_245 = vector.shape_cast %get3A_244 : vector<1x16xf32> to vector<16xf32>
      %get3A_246 = arith.index_cast %scan3A_26 : i32 to index
      %get3A_247 = arith.constant 224 : index
      %get3A_248 = tpu.vector_load %arg9[%get3A_246, %get3A_247] {strides = array<i32>} : memref<64x768xf32, #tpu.memory_space<vmem>>, vector<1x16xf32>,
      %get3A_249 = vector.shape_cast %get3A_248 : vector<1x16xf32> to vector<16xf32>
      %mul3A_250 = arith.mulf %get3A_32, %get3A_249 : vector<16xf32>
      %add3A_251 = arith.addf %get3A_245, %mul3A_250 : vector<16xf32>
      %swap3A_252 = arith.index_cast %scan3A_26 : i32 to index
      %swap3A_253 = arith.constant 224 : index
      %swap3A_254 = tpu.vector_load %arg10[%swap3A_252, %swap3A_253] {strides = array<i32>} : memref<64x768xf32, #tpu.memory_space<vmem>>, vector<1x16xf32>,
      %swap3A_255 = vector.shape_cast %swap3A_254 : vector<1x16xf32> to vector<16xf32>
      %swap3A_256 = vector.shape_cast %add3A_251 : vector<16xf32> to vector<1x16xf32>
      tpu.vector_store %arg10[%swap3A_252, %swap3A_253], %swap3A_256 {strides = array<i32>} : memref<64x768xf32, #tpu.memory_space<vmem>>, vector<1x16xf32>,
      %get3A_257 = arith.index_cast %scan3A_26 : i32 to index
      %get3A_258 = arith.constant 240 : index
      %get3A_259 = tpu.vector_load %arg10[%get3A_257, %get3A_258] {strides = array<i32>} : memref<64x768xf32, #tpu.memory_space<vmem>>, vector<1x16xf32>,
      %get3A_260 = vector.shape_cast %get3A_259 : vector<1x16xf32> to vector<16xf32>
      %get3A_261 = arith.index_cast %scan3A_26 : i32 to index
      %get3A_262 = arith.constant 240 : index
      %get3A_263 = tpu.vector_load %arg9[%get3A_261, %get3A_262] {strides = array<i32>} : memref<64x768xf32, #tpu.memory_space<vmem>>, vector<1x16xf32>,
      %get3A_264 = vector.shape_cast %get3A_263 : vector<1x16xf32> to vector<16xf32>
      %mul3A_265 = arith.mulf %get3A_32, %get3A_264 : vector<16xf32>
      %add3A_266 = arith.addf %get3A_260, %mul3A_265 : vector<16xf32>
      %swap3A_267 = arith.index_cast %scan3A_26 : i32 to index
      %swap3A_268 = arith.constant 240 : index
      %swap3A_269 = tpu.vector_load %arg10[%swap3A_267, %swap3A_268] {strides = array<i32>} : memref<64x768xf32, #tpu.memory_space<vmem>>, vector<1x16xf32>,
      %swap3A_270 = vector.shape_cast %swap3A_269 : vector<1x16xf32> to vector<16xf32>
      %swap3A_271 = vector.shape_cast %add3A_266 : vector<16xf32> to vector<1x16xf32>
      tpu.vector_store %arg10[%swap3A_267, %swap3A_268], %swap3A_271 {strides = array<i32>} : memref<64x768xf32, #tpu.memory_space<vmem>>, vector<1x16xf32>,
      %get3A_272 = arith.index_cast %scan3A_26 : i32 to index
      %get3A_273 = arith.constant 256 : index
      %get3A_274 = tpu.vector_load %arg10[%get3A_272, %get3A_273] {strides = array<i32>} : memref<64x768xf32, #tpu.memory_space<vmem>>, vector<1x16xf32>,
      %get3A_275 = vector.shape_cast %get3A_274 : vector<1x16xf32> to vector<16xf32>
      %get3A_276 = arith.index_cast %scan3A_26 : i32 to index
      %get3A_277 = arith.constant 256 : index
      %get3A_278 = tpu.vector_load %arg9[%get3A_276, %get3A_277] {strides = array<i32>} : memref<64x768xf32, #tpu.memory_space<vmem>>, vector<1x16xf32>,
      %get3A_279 = vector.shape_cast %get3A_278 : vector<1x16xf32> to vector<16xf32>
      %mul3A_280 = arith.mulf %get3A_32, %get3A_279 : vector<16xf32>
      %add3A_281 = arith.addf %get3A_275, %mul3A_280 : vector<16xf32>
      %swap3A_282 = arith.index_cast %scan3A_26 : i32 to index
      %swap3A_283 = arith.constant 256 : index
      %swap3A_284 = tpu.vector_load %arg10[%swap3A_282, %swap3A_283] {strides = array<i32>} : memref<64x768xf32, #tpu.memory_space<vmem>>, vector<1x16xf32>,
      %swap3A_285 = vector.shape_cast %swap3A_284 : vector<1x16xf32> to vector<16xf32>
      %swap3A_286 = vector.shape_cast %add3A_281 : vector<16xf32> to vector<1x16xf32>
      tpu.vector_store %arg10[%swap3A_282, %swap3A_283], %swap3A_286 {strides = array<i32>} : memref<64x768xf32, #tpu.memory_space<vmem>>, vector<1x16xf32>,
      %get3A_287 = arith.index_cast %scan3A_26 : i32 to index
      %get3A_288 = arith.constant 272 : index
      %get3A_289 = tpu.vector_load %arg10[%get3A_287, %get3A_288] {strides = array<i32>} : memref<64x768xf32, #tpu.memory_space<vmem>>, vector<1x16xf32>,
      %get3A_290 = vector.shape_cast %get3A_289 : vector<1x16xf32> to vector<16xf32>
      %get3A_291 = arith.index_cast %scan3A_26 : i32 to index
      %get3A_292 = arith.constant 272 : index
      %get3A_293 = tpu.vector_load %arg9[%get3A_291, %get3A_292] {strides = array<i32>} : memref<64x768xf32, #tpu.memory_space<vmem>>, vector<1x16xf32>,
      %get3A_294 = vector.shape_cast %get3A_293 : vector<1x16xf32> to vector<16xf32>
      %mul3A_295 = arith.mulf %get3A_32, %get3A_294 : vector<16xf32>
      %add3A_296 = arith.addf %get3A_290, %mul3A_295 : vector<16xf32>
      %swap3A_297 = arith.index_cast %scan3A_26 : i32 to index
      %swap3A_298 = arith.constant 272 : index
      %swap3A_299 = tpu.vector_load %arg10[%swap3A_297, %swap3A_298] {strides = array<i32>} : memref<64x768xf32, #tpu.memory_space<vmem>>, vector<1x16xf32>,
      %swap3A_300 = vector.shape_cast %swap3A_299 : vector<1x16xf32> to vector<16xf32>
      %swap3A_301 = vector.shape_cast %add3A_296 : vector<16xf32> to vector<1x16xf32>
      tpu.vector_store %arg10[%swap3A_297, %swap3A_298], %swap3A_301 {strides = array<i32>} : memref<64x768xf32, #tpu.memory_space<vmem>>, vector<1x16xf32>,
      %get3A_302 = arith.index_cast %scan3A_26 : i32 to index
      %get3A_303 = arith.constant 288 : index
      %get3A_304 = tpu.vector_load %arg10[%get3A_302, %get3A_303] {strides = array<i32>} : memref<64x768xf32, #tpu.memory_space<vmem>>, vector<1x16xf32>,
      %get3A_305 = vector.shape_cast %get3A_304 : vector<1x16xf32> to vector<16xf32>
      %get3A_306 = arith.index_cast %scan3A_26 : i32 to index
      %get3A_307 = arith.constant 288 : index
      %get3A_308 = tpu.vector_load %arg9[%get3A_306, %get3A_307] {strides = array<i32>} : memref<64x768xf32, #tpu.memory_space<vmem>>, vector<1x16xf32>,
      %get3A_309 = vector.shape_cast %get3A_308 : vector<1x16xf32> to vector<16xf32>
      %mul3A_310 = arith.mulf %get3A_32, %get3A_309 : vector<16xf32>
      %add3A_311 = arith.addf %get3A_305, %mul3A_310 : vector<16xf32>
      %swap3A_312 = arith.index_cast %scan3A_26 : i32 to index
      %swap3A_313 = arith.constant 288 : index
      %swap3A_314 = tpu.vector_load %arg10[%swap3A_312, %swap3A_313] {strides = array<i32>} : memref<64x768xf32, #tpu.memory_space<vmem>>, vector<1x16xf32>,
      %swap3A_315 = vector.shape_cast %swap3A_314 : vector<1x16xf32> to vector<16xf32>
      %swap3A_316 = vector.shape_cast %add3A_311 : vector<16xf32> to vector<1x16xf32>
      tpu.vector_store %arg10[%swap3A_312, %swap3A_313], %swap3A_316 {strides = array<i32>} : memref<64x768xf32, #tpu.memory_space<vmem>>, vector<1x16xf32>,
      %get3A_317 = arith.index_cast %scan3A_26 : i32 to index
      %get3A_318 = arith.constant 304 : index
      %get3A_319 = tpu.vector_load %arg10[%get3A_317, %get3A_318] {strides = array<i32>} : memref<64x768xf32, #tpu.memory_space<vmem>>, vector<1x16xf32>,
      %get3A_320 = vector.shape_cast %get3A_319 : vector<1x16xf32> to vector<16xf32>
      %get3A_321 = arith.index_cast %scan3A_26 : i32 to index
      %get3A_322 = arith.constant 304 : index
      %get3A_323 = tpu.vector_load %arg9[%get3A_321, %get3A_322] {strides = array<i32>} : memref<64x768xf32, #tpu.memory_space<vmem>>, vector<1x16xf32>,
      %get3A_324 = vector.shape_cast %get3A_323 : vector<1x16xf32> to vector<16xf32>
      %mul3A_325 = arith.mulf %get3A_32, %get3A_324 : vector<16xf32>
      %add3A_326 = arith.addf %get3A_320, %mul3A_325 : vector<16xf32>
      %swap3A_327 = arith.index_cast %scan3A_26 : i32 to index
      %swap3A_328 = arith.constant 304 : index
      %swap3A_329 = tpu.vector_load %arg10[%swap3A_327, %swap3A_328] {strides = array<i32>} : memref<64x768xf32, #tpu.memory_space<vmem>>, vector<1x16xf32>,
      %swap3A_330 = vector.shape_cast %swap3A_329 : vector<1x16xf32> to vector<16xf32>
      %swap3A_331 = vector.shape_cast %add3A_326 : vector<16xf32> to vector<1x16xf32>
      tpu.vector_store %arg10[%swap3A_327, %swap3A_328], %swap3A_331 {strides = array<i32>} : memref<64x768xf32, #tpu.memory_space<vmem>>, vector<1x16xf32>,
      %get3A_332 = arith.index_cast %scan3A_26 : i32 to index
      %get3A_333 = arith.constant 320 : index
      %get3A_334 = tpu.vector_load %arg10[%get3A_332, %get3A_333] {strides = array<i32>} : memref<64x768xf32, #tpu.memory_space<vmem>>, vector<1x16xf32>,
      %get3A_335 = vector.shape_cast %get3A_334 : vector<1x16xf32> to vector<16xf32>
      %get3A_336 = arith.index_cast %scan3A_26 : i32 to index
      %get3A_337 = arith.constant 320 : index
      %get3A_338 = tpu.vector_load %arg9[%get3A_336, %get3A_337] {strides = array<i32>} : memref<64x768xf32, #tpu.memory_space<vmem>>, vector<1x16xf32>,
      %get3A_339 = vector.shape_cast %get3A_338 : vector<1x16xf32> to vector<16xf32>
      %mul3A_340 = arith.mulf %get3A_32, %get3A_339 : vector<16xf32>
      %add3A_341 = arith.addf %get3A_335, %mul3A_340 : vector<16xf32>
      %swap3A_342 = arith.index_cast %scan3A_26 : i32 to index
      %swap3A_343 = arith.constant 320 : index
      %swap3A_344 = tpu.vector_load %arg10[%swap3A_342, %swap3A_343] {strides = array<i32>} : memref<64x768xf32, #tpu.memory_space<vmem>>, vector<1x16xf32>,
      %swap3A_345 = vector.shape_cast %swap3A_344 : vector<1x16xf32> to vector<16xf32>
      %swap3A_346 = vector.shape_cast %add3A_341 : vector<16xf32> to vector<1x16xf32>
      tpu.vector_store %arg10[%swap3A_342, %swap3A_343], %swap3A_346 {strides = array<i32>} : memref<64x768xf32, #tpu.memory_space<vmem>>, vector<1x16xf32>,
      %get3A_347 = arith.index_cast %scan3A_26 : i32 to index
      %get3A_348 = arith.constant 336 : index
      %get3A_349 = tpu.vector_load %arg10[%get3A_347, %get3A_348] {strides = array<i32>} : memref<64x768xf32, #tpu.memory_space<vmem>>, vector<1x16xf32>,
      %get3A_350 = vector.shape_cast %get3A_349 : vector<1x16xf32> to vector<16xf32>
      %get3A_351 = arith.index_cast %scan3A_26 : i32 to index
      %get3A_352 = arith.constant 336 : index
      %get3A_353 = tpu.vector_load %arg9[%get3A_351, %get3A_352] {strides = array<i32>} : memref<64x768xf32, #tpu.memory_space<vmem>>, vector<1x16xf32>,
      %get3A_354 = vector.shape_cast %get3A_353 : vector<1x16xf32> to vector<16xf32>
      %mul3A_355 = arith.mulf %get3A_32, %get3A_354 : vector<16xf32>
      %add3A_356 = arith.addf %get3A_350, %mul3A_355 : vector<16xf32>
      %swap3A_357 = arith.index_cast %scan3A_26 : i32 to index
      %swap3A_358 = arith.constant 336 : index
      %swap3A_359 = tpu.vector_load %arg10[%swap3A_357, %swap3A_358] {strides = array<i32>} : memref<64x768xf32, #tpu.memory_space<vmem>>, vector<1x16xf32>,
      %swap3A_360 = vector.shape_cast %swap3A_359 : vector<1x16xf32> to vector<16xf32>
      %swap3A_361 = vector.shape_cast %add3A_356 : vector<16xf32> to vector<1x16xf32>
      tpu.vector_store %arg10[%swap3A_357, %swap3A_358], %swap3A_361 {strides = array<i32>} : memref<64x768xf32, #tpu.memory_space<vmem>>, vector<1x16xf32>,
      %get3A_362 = arith.index_cast %scan3A_26 : i32 to index
      %get3A_363 = arith.constant 352 : index
      %get3A_364 = tpu.vector_load %arg10[%get3A_362, %get3A_363] {strides = array<i32>} : memref<64x768xf32, #tpu.memory_space<vmem>>, vector<1x16xf32>,
      %get3A_365 = vector.shape_cast %get3A_364 : vector<1x16xf32> to vector<16xf32>
      %get3A_366 = arith.index_cast %scan3A_26 : i32 to index
      %get3A_367 = arith.constant 352 : index
      %get3A_368 = tpu.vector_load %arg9[%get3A_366, %get3A_367] {strides = array<i32>} : memref<64x768xf32, #tpu.memory_space<vmem>>, vector<1x16xf32>,
      %get3A_369 = vector.shape_cast %get3A_368 : vector<1x16xf32> to vector<16xf32>
      %mul3A_370 = arith.mulf %get3A_32, %get3A_369 : vector<16xf32>
      %add3A_371 = arith.addf %get3A_365, %mul3A_370 : vector<16xf32>
      %swap3A_372 = arith.index_cast %scan3A_26 : i32 to index
      %swap3A_373 = arith.constant 352 : index
      %swap3A_374 = tpu.vector_load %arg10[%swap3A_372, %swap3A_373] {strides = array<i32>} : memref<64x768xf32, #tpu.memory_space<vmem>>, vector<1x16xf32>,
      %swap3A_375 = vector.shape_cast %swap3A_374 : vector<1x16xf32> to vector<16xf32>
      %swap3A_376 = vector.shape_cast %add3A_371 : vector<16xf32> to vector<1x16xf32>
      tpu.vector_store %arg10[%swap3A_372, %swap3A_373], %swap3A_376 {strides = array<i32>} : memref<64x768xf32, #tpu.memory_space<vmem>>, vector<1x16xf32>,
      %get3A_377 = arith.index_cast %scan3A_26 : i32 to index
      %get3A_378 = arith.constant 368 : index
      %get3A_379 = tpu.vector_load %arg10[%get3A_377, %get3A_378] {strides = array<i32>} : memref<64x768xf32, #tpu.memory_space<vmem>>, vector<1x16xf32>,
      %get3A_380 = vector.shape_cast %get3A_379 : vector<1x16xf32> to vector<16xf32>
      %get3A_381 = arith.index_cast %scan3A_26 : i32 to index
      %get3A_382 = arith.constant 368 : index
      %get3A_383 = tpu.vector_load %arg9[%get3A_381, %get3A_382] {strides = array<i32>} : memref<64x768xf32, #tpu.memory_space<vmem>>, vector<1x16xf32>,
      %get3A_384 = vector.shape_cast %get3A_383 : vector<1x16xf32> to vector<16xf32>
      %mul3A_385 = arith.mulf %get3A_32, %get3A_384 : vector<16xf32>
      %add3A_386 = arith.addf %get3A_380, %mul3A_385 : vector<16xf32>
      %swap3A_387 = arith.index_cast %scan3A_26 : i32 to index
      %swap3A_388 = arith.constant 368 : index
      %swap3A_389 = tpu.vector_load %arg10[%swap3A_387, %swap3A_388] {strides = array<i32>} : memref<64x768xf32, #tpu.memory_space<vmem>>, vector<1x16xf32>,
      %swap3A_390 = vector.shape_cast %swap3A_389 : vector<1x16xf32> to vector<16xf32>
      %swap3A_391 = vector.shape_cast %add3A_386 : vector<16xf32> to vector<1x16xf32>
      tpu.vector_store %arg10[%swap3A_387, %swap3A_388], %swap3A_391 {strides = array<i32>} : memref<64x768xf32, #tpu.memory_space<vmem>>, vector<1x16xf32>,
      %get3A_392 = arith.index_cast %scan3A_26 : i32 to index
      %get3A_393 = arith.constant 384 : index
      %get3A_394 = tpu.vector_load %arg10[%get3A_392, %get3A_393] {strides = array<i32>} : memref<64x768xf32, #tpu.memory_space<vmem>>, vector<1x16xf32>,
      %get3A_395 = vector.shape_cast %get3A_394 : vector<1x16xf32> to vector<16xf32>
      %get3A_396 = arith.index_cast %scan3A_26 : i32 to index
      %get3A_397 = arith.constant 384 : index
      %get3A_398 = tpu.vector_load %arg9[%get3A_396, %get3A_397] {strides = array<i32>} : memref<64x768xf32, #tpu.memory_space<vmem>>, vector<1x16xf32>,
      %get3A_399 = vector.shape_cast %get3A_398 : vector<1x16xf32> to vector<16xf32>
      %mul3A_400 = arith.mulf %get3A_32, %get3A_399 : vector<16xf32>
      %add3A_401 = arith.addf %get3A_395, %mul3A_400 : vector<16xf32>
      %swap3A_402 = arith.index_cast %scan3A_26 : i32 to index
      %swap3A_403 = arith.constant 384 : index
      %swap3A_404 = tpu.vector_load %arg10[%swap3A_402, %swap3A_403] {strides = array<i32>} : memref<64x768xf32, #tpu.memory_space<vmem>>, vector<1x16xf32>,
      %swap3A_405 = vector.shape_cast %swap3A_404 : vector<1x16xf32> to vector<16xf32>
      %swap3A_406 = vector.shape_cast %add3A_401 : vector<16xf32> to vector<1x16xf32>
      tpu.vector_store %arg10[%swap3A_402, %swap3A_403], %swap3A_406 {strides = array<i32>} : memref<64x768xf32, #tpu.memory_space<vmem>>, vector<1x16xf32>,
      %get3A_407 = arith.index_cast %scan3A_26 : i32 to index
      %get3A_408 = arith.constant 400 : index
      %get3A_409 = tpu.vector_load %arg10[%get3A_407, %get3A_408] {strides = array<i32>} : memref<64x768xf32, #tpu.memory_space<vmem>>, vector<1x16xf32>,
      %get3A_410 = vector.shape_cast %get3A_409 : vector<1x16xf32> to vector<16xf32>
      %get3A_411 = arith.index_cast %scan3A_26 : i32 to index
      %get3A_412 = arith.constant 400 : index
      %get3A_413 = tpu.vector_load %arg9[%get3A_411, %get3A_412] {strides = array<i32>} : memref<64x768xf32, #tpu.memory_space<vmem>>, vector<1x16xf32>,
      %get3A_414 = vector.shape_cast %get3A_413 : vector<1x16xf32> to vector<16xf32>
      %mul3A_415 = arith.mulf %get3A_32, %get3A_414 : vector<16xf32>
      %add3A_416 = arith.addf %get3A_410, %mul3A_415 : vector<16xf32>
      %swap3A_417 = arith.index_cast %scan3A_26 : i32 to index
      %swap3A_418 = arith.constant 400 : index
      %swap3A_419 = tpu.vector_load %arg10[%swap3A_417, %swap3A_418] {strides = array<i32>} : memref<64x768xf32, #tpu.memory_space<vmem>>, vector<1x16xf32>,
      %swap3A_420 = vector.shape_cast %swap3A_419 : vector<1x16xf32> to vector<16xf32>
      %swap3A_421 = vector.shape_cast %add3A_416 : vector<16xf32> to vector<1x16xf32>
      tpu.vector_store %arg10[%swap3A_417, %swap3A_418], %swap3A_421 {strides = array<i32>} : memref<64x768xf32, #tpu.memory_space<vmem>>, vector<1x16xf32>,
      %get3A_422 = arith.index_cast %scan3A_26 : i32 to index
      %get3A_423 = arith.constant 416 : index
      %get3A_424 = tpu.vector_load %arg10[%get3A_422, %get3A_423] {strides = array<i32>} : memref<64x768xf32, #tpu.memory_space<vmem>>, vector<1x16xf32>,
      %get3A_425 = vector.shape_cast %get3A_424 : vector<1x16xf32> to vector<16xf32>
      %get3A_426 = arith.index_cast %scan3A_26 : i32 to index
      %get3A_427 = arith.constant 416 : index
      %get3A_428 = tpu.vector_load %arg9[%get3A_426, %get3A_427] {strides = array<i32>} : memref<64x768xf32, #tpu.memory_space<vmem>>, vector<1x16xf32>,
      %get3A_429 = vector.shape_cast %get3A_428 : vector<1x16xf32> to vector<16xf32>
      %mul3A_430 = arith.mulf %get3A_32, %get3A_429 : vector<16xf32>
      %add3A_431 = arith.addf %get3A_425, %mul3A_430 : vector<16xf32>
      %swap3A_432 = arith.index_cast %scan3A_26 : i32 to index
      %swap3A_433 = arith.constant 416 : index
      %swap3A_434 = tpu.vector_load %arg10[%swap3A_432, %swap3A_433] {strides = array<i32>} : memref<64x768xf32, #tpu.memory_space<vmem>>, vector<1x16xf32>,
      %swap3A_435 = vector.shape_cast %swap3A_434 : vector<1x16xf32> to vector<16xf32>
      %swap3A_436 = vector.shape_cast %add3A_431 : vector<16xf32> to vector<1x16xf32>
      tpu.vector_store %arg10[%swap3A_432, %swap3A_433], %swap3A_436 {strides = array<i32>} : memref<64x768xf32, #tpu.memory_space<vmem>>, vector<1x16xf32>,
      %get3A_437 = arith.index_cast %scan3A_26 : i32 to index
      %get3A_438 = arith.constant 432 : index
      %get3A_439 = tpu.vector_load %arg10[%get3A_437, %get3A_438] {strides = array<i32>} : memref<64x768xf32, #tpu.memory_space<vmem>>, vector<1x16xf32>,
      %get3A_440 = vector.shape_cast %get3A_439 : vector<1x16xf32> to vector<16xf32>
      %get3A_441 = arith.index_cast %scan3A_26 : i32 to index
      %get3A_442 = arith.constant 432 : index
      %get3A_443 = tpu.vector_load %arg9[%get3A_441, %get3A_442] {strides = array<i32>} : memref<64x768xf32, #tpu.memory_space<vmem>>, vector<1x16xf32>,
      %get3A_444 = vector.shape_cast %get3A_443 : vector<1x16xf32> to vector<16xf32>
      %mul3A_445 = arith.mulf %get3A_32, %get3A_444 : vector<16xf32>
      %add3A_446 = arith.addf %get3A_440, %mul3A_445 : vector<16xf32>
      %swap3A_447 = arith.index_cast %scan3A_26 : i32 to index
      %swap3A_448 = arith.constant 432 : index
      %swap3A_449 = tpu.vector_load %arg10[%swap3A_447, %swap3A_448] {strides = array<i32>} : memref<64x768xf32, #tpu.memory_space<vmem>>, vector<1x16xf32>,
      %swap3A_450 = vector.shape_cast %swap3A_449 : vector<1x16xf32> to vector<16xf32>
      %swap3A_451 = vector.shape_cast %add3A_446 : vector<16xf32> to vector<1x16xf32>
      tpu.vector_store %arg10[%swap3A_447, %swap3A_448], %swap3A_451 {strides = array<i32>} : memref<64x768xf32, #tpu.memory_space<vmem>>, vector<1x16xf32>,
      %get3A_452 = arith.index_cast %scan3A_26 : i32 to index
      %get3A_453 = arith.constant 448 : index
      %get3A_454 = tpu.vector_load %arg10[%get3A_452, %get3A_453] {strides = array<i32>} : memref<64x768xf32, #tpu.memory_space<vmem>>, vector<1x16xf32>,
      %get3A_455 = vector.shape_cast %get3A_454 : vector<1x16xf32> to vector<16xf32>
      %get3A_456 = arith.index_cast %scan3A_26 : i32 to index
      %get3A_457 = arith.constant 448 : index
      %get3A_458 = tpu.vector_load %arg9[%get3A_456, %get3A_457] {strides = array<i32>} : memref<64x768xf32, #tpu.memory_space<vmem>>, vector<1x16xf32>,
      %get3A_459 = vector.shape_cast %get3A_458 : vector<1x16xf32> to vector<16xf32>
      %mul3A_460 = arith.mulf %get3A_32, %get3A_459 : vector<16xf32>
      %add3A_461 = arith.addf %get3A_455, %mul3A_460 : vector<16xf32>
      %swap3A_462 = arith.index_cast %scan3A_26 : i32 to index
      %swap3A_463 = arith.constant 448 : index
      %swap3A_464 = tpu.vector_load %arg10[%swap3A_462, %swap3A_463] {strides = array<i32>} : memref<64x768xf32, #tpu.memory_space<vmem>>, vector<1x16xf32>,
      %swap3A_465 = vector.shape_cast %swap3A_464 : vector<1x16xf32> to vector<16xf32>
      %swap3A_466 = vector.shape_cast %add3A_461 : vector<16xf32> to vector<1x16xf32>
      tpu.vector_store %arg10[%swap3A_462, %swap3A_463], %swap3A_466 {strides = array<i32>} : memref<64x768xf32, #tpu.memory_space<vmem>>, vector<1x16xf32>,
      %get3A_467 = arith.index_cast %scan3A_26 : i32 to index
      %get3A_468 = arith.constant 464 : index
      %get3A_469 = tpu.vector_load %arg10[%get3A_467, %get3A_468] {strides = array<i32>} : memref<64x768xf32, #tpu.memory_space<vmem>>, vector<1x16xf32>,
      %get3A_470 = vector.shape_cast %get3A_469 : vector<1x16xf32> to vector<16xf32>
      %get3A_471 = arith.index_cast %scan3A_26 : i32 to index
      %get3A_472 = arith.constant 464 : index
      %get3A_473 = tpu.vector_load %arg9[%get3A_471, %get3A_472] {strides = array<i32>} : memref<64x768xf32, #tpu.memory_space<vmem>>, vector<1x16xf32>,
      %get3A_474 = vector.shape_cast %get3A_473 : vector<1x16xf32> to vector<16xf32>
      %mul3A_475 = arith.mulf %get3A_32, %get3A_474 : vector<16xf32>
      %add3A_476 = arith.addf %get3A_470, %mul3A_475 : vector<16xf32>
      %swap3A_477 = arith.index_cast %scan3A_26 : i32 to index
      %swap3A_478 = arith.constant 464 : index
      %swap3A_479 = tpu.vector_load %arg10[%swap3A_477, %swap3A_478] {strides = array<i32>} : memref<64x768xf32, #tpu.memory_space<vmem>>, vector<1x16xf32>,
      %swap3A_480 = vector.shape_cast %swap3A_479 : vector<1x16xf32> to vector<16xf32>
      %swap3A_481 = vector.shape_cast %add3A_476 : vector<16xf32> to vector<1x16xf32>
      tpu.vector_store %arg10[%swap3A_477, %swap3A_478], %swap3A_481 {strides = array<i32>} : memref<64x768xf32, #tpu.memory_space<vmem>>, vector<1x16xf32>,
      %get3A_482 = arith.index_cast %scan3A_26 : i32 to index
      %get3A_483 = arith.constant 480 : index
      %get3A_484 = tpu.vector_load %arg10[%get3A_482, %get3A_483] {strides = array<i32>} : memref<64x768xf32, #tpu.memory_space<vmem>>, vector<1x16xf32>,
      %get3A_485 = vector.shape_cast %get3A_484 : vector<1x16xf32> to vector<16xf32>
      %get3A_486 = arith.index_cast %scan3A_26 : i32 to index
      %get3A_487 = arith.constant 480 : index
      %get3A_488 = tpu.vector_load %arg9[%get3A_486, %get3A_487] {strides = array<i32>} : memref<64x768xf32, #tpu.memory_space<vmem>>, vector<1x16xf32>,
      %get3A_489 = vector.shape_cast %get3A_488 : vector<1x16xf32> to vector<16xf32>
      %mul3A_490 = arith.mulf %get3A_32, %get3A_489 : vector<16xf32>
      %add3A_491 = arith.addf %get3A_485, %mul3A_490 : vector<16xf32>
      %swap3A_492 = arith.index_cast %scan3A_26 : i32 to index
      %swap3A_493 = arith.constant 480 : index
      %swap3A_494 = tpu.vector_load %arg10[%swap3A_492, %swap3A_493] {strides = array<i32>} : memref<64x768xf32, #tpu.memory_space<vmem>>, vector<1x16xf32>,
      %swap3A_495 = vector.shape_cast %swap3A_494 : vector<1x16xf32> to vector<16xf32>
      %swap3A_496 = vector.shape_cast %add3A_491 : vector<16xf32> to vector<1x16xf32>
      tpu.vector_store %arg10[%swap3A_492, %swap3A_493], %swap3A_496 {strides = array<i32>} : memref<64x768xf32, #tpu.memory_space<vmem>>, vector<1x16xf32>,
      %get3A_497 = arith.index_cast %scan3A_26 : i32 to index
      %get3A_498 = arith.constant 496 : index
      %get3A_499 = tpu.vector_load %arg10[%get3A_497, %get3A_498] {strides = array<i32>} : memref<64x768xf32, #tpu.memory_space<vmem>>, vector<1x16xf32>,
      %get3A_500 = vector.shape_cast %get3A_499 : vector<1x16xf32> to vector<16xf32>
      %get3A_501 = arith.index_cast %scan3A_26 : i32 to index
      %get3A_502 = arith.constant 496 : index
      %get3A_503 = tpu.vector_load %arg9[%get3A_501, %get3A_502] {strides = array<i32>} : memref<64x768xf32, #tpu.memory_space<vmem>>, vector<1x16xf32>,
      %get3A_504 = vector.shape_cast %get3A_503 : vector<1x16xf32> to vector<16xf32>
      %mul3A_505 = arith.mulf %get3A_32, %get3A_504 : vector<16xf32>
      %add3A_506 = arith.addf %get3A_500, %mul3A_505 : vector<16xf32>
      %swap3A_507 = arith.index_cast %scan3A_26 : i32 to index
      %swap3A_508 = arith.constant 496 : index
      %swap3A_509 = tpu.vector_load %arg10[%swap3A_507, %swap3A_508] {strides = array<i32>} : memref<64x768xf32, #tpu.memory_space<vmem>>, vector<1x16xf32>,
      %swap3A_510 = vector.shape_cast %swap3A_509 : vector<1x16xf32> to vector<16xf32>
      %swap3A_511 = vector.shape_cast %add3A_506 : vector<16xf32> to vector<1x16xf32>
      tpu.vector_store %arg10[%swap3A_507, %swap3A_508], %swap3A_511 {strides = array<i32>} : memref<64x768xf32, #tpu.memory_space<vmem>>, vector<1x16xf32>,
      %get3A_512 = arith.index_cast %scan3A_26 : i32 to index
      %get3A_513 = arith.constant 512 : index
      %get3A_514 = tpu.vector_load %arg10[%get3A_512, %get3A_513] {strides = array<i32>} : memref<64x768xf32, #tpu.memory_space<vmem>>, vector<1x16xf32>,
      %get3A_515 = vector.shape_cast %get3A_514 : vector<1x16xf32> to vector<16xf32>
      %get3A_516 = arith.index_cast %scan3A_26 : i32 to index
      %get3A_517 = arith.constant 512 : index
      %get3A_518 = tpu.vector_load %arg9[%get3A_516, %get3A_517] {strides = array<i32>} : memref<64x768xf32, #tpu.memory_space<vmem>>, vector<1x16xf32>,
      %get3A_519 = vector.shape_cast %get3A_518 : vector<1x16xf32> to vector<16xf32>
      %mul3A_520 = arith.mulf %get3A_32, %get3A_519 : vector<16xf32>
      %add3A_521 = arith.addf %get3A_515, %mul3A_520 : vector<16xf32>
      %swap3A_522 = arith.index_cast %scan3A_26 : i32 to index
      %swap3A_523 = arith.constant 512 : index
      %swap3A_524 = tpu.vector_load %arg10[%swap3A_522, %swap3A_523] {strides = array<i32>} : memref<64x768xf32, #tpu.memory_space<vmem>>, vector<1x16xf32>,
      %swap3A_525 = vector.shape_cast %swap3A_524 : vector<1x16xf32> to vector<16xf32>
      %swap3A_526 = vector.shape_cast %add3A_521 : vector<16xf32> to vector<1x16xf32>
      tpu.vector_store %arg10[%swap3A_522, %swap3A_523], %swap3A_526 {strides = array<i32>} : memref<64x768xf32, #tpu.memory_space<vmem>>, vector<1x16xf32>,
      %get3A_527 = arith.index_cast %scan3A_26 : i32 to index
      %get3A_528 = arith.constant 528 : index
      %get3A_529 = tpu.vector_load %arg10[%get3A_527, %get3A_528] {strides = array<i32>} : memref<64x768xf32, #tpu.memory_space<vmem>>, vector<1x16xf32>,
      %get3A_530 = vector.shape_cast %get3A_529 : vector<1x16xf32> to vector<16xf32>
      %get3A_531 = arith.index_cast %scan3A_26 : i32 to index
      %get3A_532 = arith.constant 528 : index
      %get3A_533 = tpu.vector_load %arg9[%get3A_531, %get3A_532] {strides = array<i32>} : memref<64x768xf32, #tpu.memory_space<vmem>>, vector<1x16xf32>,
      %get3A_534 = vector.shape_cast %get3A_533 : vector<1x16xf32> to vector<16xf32>
      %mul3A_535 = arith.mulf %get3A_32, %get3A_534 : vector<16xf32>
      %add3A_536 = arith.addf %get3A_530, %mul3A_535 : vector<16xf32>
      %swap3A_537 = arith.index_cast %scan3A_26 : i32 to index
      %swap3A_538 = arith.constant 528 : index
      %swap3A_539 = tpu.vector_load %arg10[%swap3A_537, %swap3A_538] {strides = array<i32>} : memref<64x768xf32, #tpu.memory_space<vmem>>, vector<1x16xf32>,
      %swap3A_540 = vector.shape_cast %swap3A_539 : vector<1x16xf32> to vector<16xf32>
      %swap3A_541 = vector.shape_cast %add3A_536 : vector<16xf32> to vector<1x16xf32>
      tpu.vector_store %arg10[%swap3A_537, %swap3A_538], %swap3A_541 {strides = array<i32>} : memref<64x768xf32, #tpu.memory_space<vmem>>, vector<1x16xf32>,
      %get3A_542 = arith.index_cast %scan3A_26 : i32 to index
      %get3A_543 = arith.constant 544 : index
      %get3A_544 = tpu.vector_load %arg10[%get3A_542, %get3A_543] {strides = array<i32>} : memref<64x768xf32, #tpu.memory_space<vmem>>, vector<1x16xf32>,
      %get3A_545 = vector.shape_cast %get3A_544 : vector<1x16xf32> to vector<16xf32>
      %get3A_546 = arith.index_cast %scan3A_26 : i32 to index
      %get3A_547 = arith.constant 544 : index
      %get3A_548 = tpu.vector_load %arg9[%get3A_546, %get3A_547] {strides = array<i32>} : memref<64x768xf32, #tpu.memory_space<vmem>>, vector<1x16xf32>,
      %get3A_549 = vector.shape_cast %get3A_548 : vector<1x16xf32> to vector<16xf32>
      %mul3A_550 = arith.mulf %get3A_32, %get3A_549 : vector<16xf32>
      %add3A_551 = arith.addf %get3A_545, %mul3A_550 : vector<16xf32>
      %swap3A_552 = arith.index_cast %scan3A_26 : i32 to index
      %swap3A_553 = arith.constant 544 : index
      %swap3A_554 = tpu.vector_load %arg10[%swap3A_552, %swap3A_553] {strides = array<i32>} : memref<64x768xf32, #tpu.memory_space<vmem>>, vector<1x16xf32>,
      %swap3A_555 = vector.shape_cast %swap3A_554 : vector<1x16xf32> to vector<16xf32>
      %swap3A_556 = vector.shape_cast %add3A_551 : vector<16xf32> to vector<1x16xf32>
      tpu.vector_store %arg10[%swap3A_552, %swap3A_553], %swap3A_556 {strides = array<i32>} : memref<64x768xf32, #tpu.memory_space<vmem>>, vector<1x16xf32>,
      %get3A_557 = arith.index_cast %scan3A_26 : i32 to index
      %get3A_558 = arith.constant 560 : index
      %get3A_559 = tpu.vector_load %arg10[%get3A_557, %get3A_558] {strides = array<i32>} : memref<64x768xf32, #tpu.memory_space<vmem>>, vector<1x16xf32>,
      %get3A_560 = vector.shape_cast %get3A_559 : vector<1x16xf32> to vector<16xf32>
      %get3A_561 = arith.index_cast %scan3A_26 : i32 to index
      %get3A_562 = arith.constant 560 : index
      %get3A_563 = tpu.vector_load %arg9[%get3A_561, %get3A_562] {strides = array<i32>} : memref<64x768xf32, #tpu.memory_space<vmem>>, vector<1x16xf32>,
      %get3A_564 = vector.shape_cast %get3A_563 : vector<1x16xf32> to vector<16xf32>
      %mul3A_565 = arith.mulf %get3A_32, %get3A_564 : vector<16xf32>
      %add3A_566 = arith.addf %get3A_560, %mul3A_565 : vector<16xf32>
      %swap3A_567 = arith.index_cast %scan3A_26 : i32 to index
      %swap3A_568 = arith.constant 560 : index
      %swap3A_569 = tpu.vector_load %arg10[%swap3A_567, %swap3A_568] {strides = array<i32>} : memref<64x768xf32, #tpu.memory_space<vmem>>, vector<1x16xf32>,
      %swap3A_570 = vector.shape_cast %swap3A_569 : vector<1x16xf32> to vector<16xf32>
      %swap3A_571 = vector.shape_cast %add3A_566 : vector<16xf32> to vector<1x16xf32>
      tpu.vector_store %arg10[%swap3A_567, %swap3A_568], %swap3A_571 {strides = array<i32>} : memref<64x768xf32, #tpu.memory_space<vmem>>, vector<1x16xf32>,
      %get3A_572 = arith.index_cast %scan3A_26 : i32 to index
      %get3A_573 = arith.constant 576 : index
      %get3A_574 = tpu.vector_load %arg10[%get3A_572, %get3A_573] {strides = array<i32>} : memref<64x768xf32, #tpu.memory_space<vmem>>, vector<1x16xf32>,
      %get3A_575 = vector.shape_cast %get3A_574 : vector<1x16xf32> to vector<16xf32>
      %get3A_576 = arith.index_cast %scan3A_26 : i32 to index
      %get3A_577 = arith.constant 576 : index
      %get3A_578 = tpu.vector_load %arg9[%get3A_576, %get3A_577] {strides = array<i32>} : memref<64x768xf32, #tpu.memory_space<vmem>>, vector<1x16xf32>,
      %get3A_579 = vector.shape_cast %get3A_578 : vector<1x16xf32> to vector<16xf32>
      %mul3A_580 = arith.mulf %get3A_32, %get3A_579 : vector<16xf32>
      %add3A_581 = arith.addf %get3A_575, %mul3A_580 : vector<16xf32>
      %swap3A_582 = arith.index_cast %scan3A_26 : i32 to index
      %swap3A_583 = arith.constant 576 : index
      %swap3A_584 = tpu.vector_load %arg10[%swap3A_582, %swap3A_583] {strides = array<i32>} : memref<64x768xf32, #tpu.memory_space<vmem>>, vector<1x16xf32>,
      %swap3A_585 = vector.shape_cast %swap3A_584 : vector<1x16xf32> to vector<16xf32>
      %swap3A_586 = vector.shape_cast %add3A_581 : vector<16xf32> to vector<1x16xf32>
      tpu.vector_store %arg10[%swap3A_582, %swap3A_583], %swap3A_586 {strides = array<i32>} : memref<64x768xf32, #tpu.memory_space<vmem>>, vector<1x16xf32>,
      %get3A_587 = arith.index_cast %scan3A_26 : i32 to index
      %get3A_588 = arith.constant 592 : index
      %get3A_589 = tpu.vector_load %arg10[%get3A_587, %get3A_588] {strides = array<i32>} : memref<64x768xf32, #tpu.memory_space<vmem>>, vector<1x16xf32>,
      %get3A_590 = vector.shape_cast %get3A_589 : vector<1x16xf32> to vector<16xf32>
      %get3A_591 = arith.index_cast %scan3A_26 : i32 to index
      %get3A_592 = arith.constant 592 : index
      %get3A_593 = tpu.vector_load %arg9[%get3A_591, %get3A_592] {strides = array<i32>} : memref<64x768xf32, #tpu.memory_space<vmem>>, vector<1x16xf32>,
      %get3A_594 = vector.shape_cast %get3A_593 : vector<1x16xf32> to vector<16xf32>
      %mul3A_595 = arith.mulf %get3A_32, %get3A_594 : vector<16xf32>
      %add3A_596 = arith.addf %get3A_590, %mul3A_595 : vector<16xf32>
      %swap3A_597 = arith.index_cast %scan3A_26 : i32 to index
      %swap3A_598 = arith.constant 592 : index
      %swap3A_599 = tpu.vector_load %arg10[%swap3A_597, %swap3A_598] {strides = array<i32>} : memref<64x768xf32, #tpu.memory_space<vmem>>, vector<1x16xf32>,
      %swap3A_600 = vector.shape_cast %swap3A_599 : vector<1x16xf32> to vector<16xf32>
      %swap3A_601 = vector.shape_cast %add3A_596 : vector<16xf32> to vector<1x16xf32>
      tpu.vector_store %arg10[%swap3A_597, %swap3A_598], %swap3A_601 {strides = array<i32>} : memref<64x768xf32, #tpu.memory_space<vmem>>, vector<1x16xf32>,
      %get3A_602 = arith.index_cast %scan3A_26 : i32 to index
      %get3A_603 = arith.constant 608 : index
      %get3A_604 = tpu.vector_load %arg10[%get3A_602, %get3A_603] {strides = array<i32>} : memref<64x768xf32, #tpu.memory_space<vmem>>, vector<1x16xf32>,
      %get3A_605 = vector.shape_cast %get3A_604 : vector<1x16xf32> to vector<16xf32>
      %get3A_606 = arith.index_cast %scan3A_26 : i32 to index
      %get3A_607 = arith.constant 608 : index
      %get3A_608 = tpu.vector_load %arg9[%get3A_606, %get3A_607] {strides = array<i32>} : memref<64x768xf32, #tpu.memory_space<vmem>>, vector<1x16xf32>,
      %get3A_609 = vector.shape_cast %get3A_608 : vector<1x16xf32> to vector<16xf32>
      %mul3A_610 = arith.mulf %get3A_32, %get3A_609 : vector<16xf32>
      %add3A_611 = arith.addf %get3A_605, %mul3A_610 : vector<16xf32>
      %swap3A_612 = arith.index_cast %scan3A_26 : i32 to index
      %swap3A_613 = arith.constant 608 : index
      %swap3A_614 = tpu.vector_load %arg10[%swap3A_612, %swap3A_613] {strides = array<i32>} : memref<64x768xf32, #tpu.memory_space<vmem>>, vector<1x16xf32>,
      %swap3A_615 = vector.shape_cast %swap3A_614 : vector<1x16xf32> to vector<16xf32>
      %swap3A_616 = vector.shape_cast %add3A_611 : vector<16xf32> to vector<1x16xf32>
      tpu.vector_store %arg10[%swap3A_612, %swap3A_613], %swap3A_616 {strides = array<i32>} : memref<64x768xf32, #tpu.memory_space<vmem>>, vector<1x16xf32>,
      %get3A_617 = arith.index_cast %scan3A_26 : i32 to index
      %get3A_618 = arith.constant 624 : index
      %get3A_619 = tpu.vector_load %arg10[%get3A_617, %get3A_618] {strides = array<i32>} : memref<64x768xf32, #tpu.memory_space<vmem>>, vector<1x16xf32>,
      %get3A_620 = vector.shape_cast %get3A_619 : vector<1x16xf32> to vector<16xf32>
      %get3A_621 = arith.index_cast %scan3A_26 : i32 to index
      %get3A_622 = arith.constant 624 : index
      %get3A_623 = tpu.vector_load %arg9[%get3A_621, %get3A_622] {strides = array<i32>} : memref<64x768xf32, #tpu.memory_space<vmem>>, vector<1x16xf32>,
      %get3A_624 = vector.shape_cast %get3A_623 : vector<1x16xf32> to vector<16xf32>
      %mul3A_625 = arith.mulf %get3A_32, %get3A_624 : vector<16xf32>
      %add3A_626 = arith.addf %get3A_620, %mul3A_625 : vector<16xf32>
      %swap3A_627 = arith.index_cast %scan3A_26 : i32 to index
      %swap3A_628 = arith.constant 624 : index
      %swap3A_629 = tpu.vector_load %arg10[%swap3A_627, %swap3A_628] {strides = array<i32>} : memref<64x768xf32, #tpu.memory_space<vmem>>, vector<1x16xf32>,
      %swap3A_630 = vector.shape_cast %swap3A_629 : vector<1x16xf32> to vector<16xf32>
      %swap3A_631 = vector.shape_cast %add3A_626 : vector<16xf32> to vector<1x16xf32>
      tpu.vector_store %arg10[%swap3A_627, %swap3A_628], %swap3A_631 {strides = array<i32>} : memref<64x768xf32, #tpu.memory_space<vmem>>, vector<1x16xf32>,
      %get3A_632 = arith.index_cast %scan3A_26 : i32 to index
      %get3A_633 = arith.constant 640 : index
      %get3A_634 = tpu.vector_load %arg10[%get3A_632, %get3A_633] {strides = array<i32>} : memref<64x768xf32, #tpu.memory_space<vmem>>, vector<1x16xf32>,
      %get3A_635 = vector.shape_cast %get3A_634 : vector<1x16xf32> to vector<16xf32>
      %get3A_636 = arith.index_cast %scan3A_26 : i32 to index
      %get3A_637 = arith.constant 640 : index
      %get3A_638 = tpu.vector_load %arg9[%get3A_636, %get3A_637] {strides = array<i32>} : memref<64x768xf32, #tpu.memory_space<vmem>>, vector<1x16xf32>,
      %get3A_639 = vector.shape_cast %get3A_638 : vector<1x16xf32> to vector<16xf32>
      %mul3A_640 = arith.mulf %get3A_32, %get3A_639 : vector<16xf32>
      %add3A_641 = arith.addf %get3A_635, %mul3A_640 : vector<16xf32>
      %swap3A_642 = arith.index_cast %scan3A_26 : i32 to index
      %swap3A_643 = arith.constant 640 : index
      %swap3A_644 = tpu.vector_load %arg10[%swap3A_642, %swap3A_643] {strides = array<i32>} : memref<64x768xf32, #tpu.memory_space<vmem>>, vector<1x16xf32>,
      %swap3A_645 = vector.shape_cast %swap3A_644 : vector<1x16xf32> to vector<16xf32>
      %swap3A_646 = vector.shape_cast %add3A_641 : vector<16xf32> to vector<1x16xf32>
      tpu.vector_store %arg10[%swap3A_642, %swap3A_643], %swap3A_646 {strides = array<i32>} : memref<64x768xf32, #tpu.memory_space<vmem>>, vector<1x16xf32>,
      %get3A_647 = arith.index_cast %scan3A_26 : i32 to index
      %get3A_648 = arith.constant 656 : index
      %get3A_649 = tpu.vector_load %arg10[%get3A_647, %get3A_648] {strides = array<i32>} : memref<64x768xf32, #tpu.memory_space<vmem>>, vector<1x16xf32>,
      %get3A_650 = vector.shape_cast %get3A_649 : vector<1x16xf32> to vector<16xf32>
      %get3A_651 = arith.index_cast %scan3A_26 : i32 to index
      %get3A_652 = arith.constant 656 : index
      %get3A_653 = tpu.vector_load %arg9[%get3A_651, %get3A_652] {strides = array<i32>} : memref<64x768xf32, #tpu.memory_space<vmem>>, vector<1x16xf32>,
      %get3A_654 = vector.shape_cast %get3A_653 : vector<1x16xf32> to vector<16xf32>
      %mul3A_655 = arith.mulf %get3A_32, %get3A_654 : vector<16xf32>
      %add3A_656 = arith.addf %get3A_650, %mul3A_655 : vector<16xf32>
      %swap3A_657 = arith.index_cast %scan3A_26 : i32 to index
      %swap3A_658 = arith.constant 656 : index
      %swap3A_659 = tpu.vector_load %arg10[%swap3A_657, %swap3A_658] {strides = array<i32>} : memref<64x768xf32, #tpu.memory_space<vmem>>, vector<1x16xf32>,
      %swap3A_660 = vector.shape_cast %swap3A_659 : vector<1x16xf32> to vector<16xf32>
      %swap3A_661 = vector.shape_cast %add3A_656 : vector<16xf32> to vector<1x16xf32>
      tpu.vector_store %arg10[%swap3A_657, %swap3A_658], %swap3A_661 {strides = array<i32>} : memref<64x768xf32, #tpu.memory_space<vmem>>, vector<1x16xf32>,
      %get3A_662 = arith.index_cast %scan3A_26 : i32 to index
      %get3A_663 = arith.constant 672 : index
      %get3A_664 = tpu.vector_load %arg10[%get3A_662, %get3A_663] {strides = array<i32>} : memref<64x768xf32, #tpu.memory_space<vmem>>, vector<1x16xf32>,
      %get3A_665 = vector.shape_cast %get3A_664 : vector<1x16xf32> to vector<16xf32>
      %get3A_666 = arith.index_cast %scan3A_26 : i32 to index
      %get3A_667 = arith.constant 672 : index
      %get3A_668 = tpu.vector_load %arg9[%get3A_666, %get3A_667] {strides = array<i32>} : memref<64x768xf32, #tpu.memory_space<vmem>>, vector<1x16xf32>,
      %get3A_669 = vector.shape_cast %get3A_668 : vector<1x16xf32> to vector<16xf32>
      %mul3A_670 = arith.mulf %get3A_32, %get3A_669 : vector<16xf32>
      %add3A_671 = arith.addf %get3A_665, %mul3A_670 : vector<16xf32>
      %swap3A_672 = arith.index_cast %scan3A_26 : i32 to index
      %swap3A_673 = arith.constant 672 : index
      %swap3A_674 = tpu.vector_load %arg10[%swap3A_672, %swap3A_673] {strides = array<i32>} : memref<64x768xf32, #tpu.memory_space<vmem>>, vector<1x16xf32>,
      %swap3A_675 = vector.shape_cast %swap3A_674 : vector<1x16xf32> to vector<16xf32>
      %swap3A_676 = vector.shape_cast %add3A_671 : vector<16xf32> to vector<1x16xf32>
      tpu.vector_store %arg10[%swap3A_672, %swap3A_673], %swap3A_676 {strides = array<i32>} : memref<64x768xf32, #tpu.memory_space<vmem>>, vector<1x16xf32>,
      %get3A_677 = arith.index_cast %scan3A_26 : i32 to index
      %get3A_678 = arith.constant 688 : index
      %get3A_679 = tpu.vector_load %arg10[%get3A_677, %get3A_678] {strides = array<i32>} : memref<64x768xf32, #tpu.memory_space<vmem>>, vector<1x16xf32>,
      %get3A_680 = vector.shape_cast %get3A_679 : vector<1x16xf32> to vector<16xf32>
      %get3A_681 = arith.index_cast %scan3A_26 : i32 to index
      %get3A_682 = arith.constant 688 : index
      %get3A_683 = tpu.vector_load %arg9[%get3A_681, %get3A_682] {strides = array<i32>} : memref<64x768xf32, #tpu.memory_space<vmem>>, vector<1x16xf32>,
      %get3A_684 = vector.shape_cast %get3A_683 : vector<1x16xf32> to vector<16xf32>
      %mul3A_685 = arith.mulf %get3A_32, %get3A_684 : vector<16xf32>
      %add3A_686 = arith.addf %get3A_680, %mul3A_685 : vector<16xf32>
      %swap3A_687 = arith.index_cast %scan3A_26 : i32 to index
      %swap3A_688 = arith.constant 688 : index
      %swap3A_689 = tpu.vector_load %arg10[%swap3A_687, %swap3A_688] {strides = array<i32>} : memref<64x768xf32, #tpu.memory_space<vmem>>, vector<1x16xf32>,
      %swap3A_690 = vector.shape_cast %swap3A_689 : vector<1x16xf32> to vector<16xf32>
      %swap3A_691 = vector.shape_cast %add3A_686 : vector<16xf32> to vector<1x16xf32>
      tpu.vector_store %arg10[%swap3A_687, %swap3A_688], %swap3A_691 {strides = array<i32>} : memref<64x768xf32, #tpu.memory_space<vmem>>, vector<1x16xf32>,
      %get3A_692 = arith.index_cast %scan3A_26 : i32 to index
      %get3A_693 = arith.constant 704 : index
      %get3A_694 = tpu.vector_load %arg10[%get3A_692, %get3A_693] {strides = array<i32>} : memref<64x768xf32, #tpu.memory_space<vmem>>, vector<1x16xf32>,
      %get3A_695 = vector.shape_cast %get3A_694 : vector<1x16xf32> to vector<16xf32>
      %get3A_696 = arith.index_cast %scan3A_26 : i32 to index
      %get3A_697 = arith.constant 704 : index
      %get3A_698 = tpu.vector_load %arg9[%get3A_696, %get3A_697] {strides = array<i32>} : memref<64x768xf32, #tpu.memory_space<vmem>>, vector<1x16xf32>,
      %get3A_699 = vector.shape_cast %get3A_698 : vector<1x16xf32> to vector<16xf32>
      %mul3A_700 = arith.mulf %get3A_32, %get3A_699 : vector<16xf32>
      %add3A_701 = arith.addf %get3A_695, %mul3A_700 : vector<16xf32>
      %swap3A_702 = arith.index_cast %scan3A_26 : i32 to index
      %swap3A_703 = arith.constant 704 : index
      %swap3A_704 = tpu.vector_load %arg10[%swap3A_702, %swap3A_703] {strides = array<i32>} : memref<64x768xf32, #tpu.memory_space<vmem>>, vector<1x16xf32>,
      %swap3A_705 = vector.shape_cast %swap3A_704 : vector<1x16xf32> to vector<16xf32>
      %swap3A_706 = vector.shape_cast %add3A_701 : vector<16xf32> to vector<1x16xf32>
      tpu.vector_store %arg10[%swap3A_702, %swap3A_703], %swap3A_706 {strides = array<i32>} : memref<64x768xf32, #tpu.memory_space<vmem>>, vector<1x16xf32>,
      %get3A_707 = arith.index_cast %scan3A_26 : i32 to index
      %get3A_708 = arith.constant 720 : index
      %get3A_709 = tpu.vector_load %arg10[%get3A_707, %get3A_708] {strides = array<i32>} : memref<64x768xf32, #tpu.memory_space<vmem>>, vector<1x16xf32>,
      %get3A_710 = vector.shape_cast %get3A_709 : vector<1x16xf32> to vector<16xf32>
      %get3A_711 = arith.index_cast %scan3A_26 : i32 to index
      %get3A_712 = arith.constant 720 : index
      %get3A_713 = tpu.vector_load %arg9[%get3A_711, %get3A_712] {strides = array<i32>} : memref<64x768xf32, #tpu.memory_space<vmem>>, vector<1x16xf32>,
      %get3A_714 = vector.shape_cast %get3A_713 : vector<1x16xf32> to vector<16xf32>
      %mul3A_715 = arith.mulf %get3A_32, %get3A_714 : vector<16xf32>
      %add3A_716 = arith.addf %get3A_710, %mul3A_715 : vector<16xf32>
      %swap3A_717 = arith.index_cast %scan3A_26 : i32 to index
      %swap3A_718 = arith.constant 720 : index
      %swap3A_719 = tpu.vector_load %arg10[%swap3A_717, %swap3A_718] {strides = array<i32>} : memref<64x768xf32, #tpu.memory_space<vmem>>, vector<1x16xf32>,
      %swap3A_720 = vector.shape_cast %swap3A_719 : vector<1x16xf32> to vector<16xf32>
      %swap3A_721 = vector.shape_cast %add3A_716 : vector<16xf32> to vector<1x16xf32>
      tpu.vector_store %arg10[%swap3A_717, %swap3A_718], %swap3A_721 {strides = array<i32>} : memref<64x768xf32, #tpu.memory_space<vmem>>, vector<1x16xf32>,
      %get3A_722 = arith.index_cast %scan3A_26 : i32 to index
      %get3A_723 = arith.constant 736 : index
      %get3A_724 = tpu.vector_load %arg10[%get3A_722, %get3A_723] {strides = array<i32>} : memref<64x768xf32, #tpu.memory_space<vmem>>, vector<1x16xf32>,
      %get3A_725 = vector.shape_cast %get3A_724 : vector<1x16xf32> to vector<16xf32>
      %get3A_726 = arith.index_cast %scan3A_26 : i32 to index
      %get3A_727 = arith.constant 736 : index
      %get3A_728 = tpu.vector_load %arg9[%get3A_726, %get3A_727] {strides = array<i32>} : memref<64x768xf32, #tpu.memory_space<vmem>>, vector<1x16xf32>,
      %get3A_729 = vector.shape_cast %get3A_728 : vector<1x16xf32> to vector<16xf32>
      %mul3A_730 = arith.mulf %get3A_32, %get3A_729 : vector<16xf32>
      %add3A_731 = arith.addf %get3A_725, %mul3A_730 : vector<16xf32>
      %swap3A_732 = arith.index_cast %scan3A_26 : i32 to index
      %swap3A_733 = arith.constant 736 : index
      %swap3A_734 = tpu.vector_load %arg10[%swap3A_732, %swap3A_733] {strides = array<i32>} : memref<64x768xf32, #tpu.memory_space<vmem>>, vector<1x16xf32>,
      %swap3A_735 = vector.shape_cast %swap3A_734 : vector<1x16xf32> to vector<16xf32>
      %swap3A_736 = vector.shape_cast %add3A_731 : vector<16xf32> to vector<1x16xf32>
      tpu.vector_store %arg10[%swap3A_732, %swap3A_733], %swap3A_736 {strides = array<i32>} : memref<64x768xf32, #tpu.memory_space<vmem>>, vector<1x16xf32>,
      %get3A_737 = arith.index_cast %scan3A_26 : i32 to index
      %get3A_738 = arith.constant 752 : index
      %get3A_739 = tpu.vector_load %arg10[%get3A_737, %get3A_738] {strides = array<i32>} : memref<64x768xf32, #tpu.memory_space<vmem>>, vector<1x16xf32>,
      %get3A_740 = vector.shape_cast %get3A_739 : vector<1x16xf32> to vector<16xf32>
      %get3A_741 = arith.index_cast %scan3A_26 : i32 to index
      %get3A_742 = arith.constant 752 : index
      %get3A_743 = tpu.vector_load %arg9[%get3A_741, %get3A_742] {strides = array<i32>} : memref<64x768xf32, #tpu.memory_space<vmem>>, vector<1x16xf32>,
      %get3A_744 = vector.shape_cast %get3A_743 : vector<1x16xf32> to vector<16xf32>
      %mul3A_745 = arith.mulf %get3A_32, %get3A_744 : vector<16xf32>
      %add3A_746 = arith.addf %get3A_740, %mul3A_745 : vector<16xf32>
      %swap3A_747 = arith.index_cast %scan3A_26 : i32 to index
      %swap3A_748 = arith.constant 752 : index
      %swap3A_749 = tpu.vector_load %arg10[%swap3A_747, %swap3A_748] {strides = array<i32>} : memref<64x768xf32, #tpu.memory_space<vmem>>, vector<1x16xf32>,
      %swap3A_750 = vector.shape_cast %swap3A_749 : vector<1x16xf32> to vector<16xf32>
      %swap3A_751 = vector.shape_cast %add3A_746 : vector<16xf32> to vector<1x16xf32>
      tpu.vector_store %arg10[%swap3A_747, %swap3A_748], %swap3A_751 {strides = array<i32>} : memref<64x768xf32, #tpu.memory_space<vmem>>, vector<1x16xf32>,
    }
    %scan3A_25 = arith.constant 64 : i32
    "tpu.region"() ({
      %run_scoped3A = tpu.sem_alloc : memref<!tpu.dma_semaphore, #tpu.memory_space<semaphore_mem>>
      %dma_start3A_26 = arith.constant 0 : i32
      %dma_start3A_27 = tpu.memref_slice %arg7[%mul3A_2, %dma_start3A_26] : memref<2048x768xf32, #tpu.memory_space<hbm>> -> memref<64x768xf32, #tpu.memory_space<hbm>>
      %dma_start3A_28 = arith.constant 0 : i32
      %dma_start3A_29 = tpu.memref_slice %arg7[%mul3A_2, %dma_start3A_28] : memref<2048x768xf32, #tpu.memory_space<hbm>> -> memref<64x768xf32, #tpu.memory_space<hbm>>
      tpu.enqueue_dma source(%arg10 : memref<64x768xf32, #tpu.memory_space<vmem>>) target(%dma_start3A_29 : memref<64x768xf32, #tpu.memory_space<hbm>>) target_semaphore(%run_scoped3A : memref<!tpu.dma_semaphore, #tpu.memory_space<semaphore_mem>>)
      %dma_wait3A_30 = arith.constant 0 : i32
      %dma_wait3A_31 = tpu.memref_slice %arg7[%mul3A_2, %dma_wait3A_30] : memref<2048x768xf32, #tpu.memory_space<hbm>> -> memref<64x768xf32, #tpu.memory_space<hbm>>
      %dma_wait3A_32 = arith.constant 0 : i32
      %dma_wait3A_33 = tpu.memref_slice %arg7[%mul3A_2, %dma_wait3A_32] : memref<2048x768xf32, #tpu.memory_space<hbm>> -> memref<64x768xf32, #tpu.memory_space<hbm>>
      tpu.wait_dma2 semaphore(%run_scoped3A : memref<!tpu.dma_semaphore, #tpu.memory_space<semaphore_mem>>) src(%arg10 : memref<64x768xf32, #tpu.memory_space<vmem>>) dst(%dma_wait3A_33 : memref<64x768xf32, #tpu.memory_space<hbm>>)
      tpu.yield
    }) : () -> ()
    return
  }
}

#map = affine_map<(d0, d1) -> (0, 0)>
#map1 = affine_map<(d0, d1) -> (0)>
module attributes {stable_mosaic.version = 14 : i64} {
  func.func @body(%arg0: i32, %arg1: i32, %arg2: memref<2048x768xf32, #tpu.memory_space<hbm>>, %arg3: memref<2048xi32, #tpu.memory_space<hbm>>, %arg4: memref<2048xi32, #tpu.memory_space<hbm>>, %arg5: memref<4096x768xf32, #tpu.memory_space<hbm>>, %arg6: memref<64xi32, #tpu.memory_space<vmem>>, %arg7: memref<64xi32, #tpu.memory_space<vmem>>, %arg8: memref<64x768xf32, #tpu.memory_space<vmem>>, %arg9: memref<!tpu.dma_semaphore, #tpu.memory_space<semaphore_mem>>) attributes {dimension_semantics = [#tpu.dimension_semantics<core_parallel>, #tpu.dimension_semantics<subcore_parallel>], iteration_bounds = array<i64: 2, 16>, scalar_prefetch = 0 : i64, scratch_operands = 4 : i64, tpu.core_type = #tpu.core_type<sc_vector_subcore>, window_params = [{transform_indices = #map}, {transform_indices = #map1}, {transform_indices = #map1}, {transform_indices = #map}]} {
    %mul3A = arith.constant 2 : i32
    %mul3A_0 = arith.muli %arg1, %mul3A : i32
    %add3A = arith.addi %mul3A_0, %arg0 : i32
    %mul3A_1 = arith.constant 64 : i32
    %mul3A_2 = arith.muli %add3A, %mul3A_1 : i32
    "tpu.region"() ({
      %run_scoped3A = tpu.sem_alloc : memref<!tpu.dma_semaphore, #tpu.memory_space<semaphore_mem>>
      %dma_start3A_13 = tpu.memref_slice %arg3[%mul3A_2] : memref<2048xi32, #tpu.memory_space<hbm>> -> memref<64xi32, #tpu.memory_space<hbm>>
      %dma_start3A_14 = tpu.memref_slice %arg3[%mul3A_2] : memref<2048xi32, #tpu.memory_space<hbm>> -> memref<64xi32, #tpu.memory_space<hbm>>
      tpu.enqueue_dma source(%dma_start3A_14 : memref<64xi32, #tpu.memory_space<hbm>>) target(%arg6 : memref<64xi32, #tpu.memory_space<vmem>>) target_semaphore(%run_scoped3A : memref<!tpu.dma_semaphore, #tpu.memory_space<semaphore_mem>>)
      %dma_wait3A_15 = tpu.memref_slice %arg3[%mul3A_2] : memref<2048xi32, #tpu.memory_space<hbm>> -> memref<64xi32, #tpu.memory_space<hbm>>
      %dma_wait3A_16 = tpu.memref_slice %arg3[%mul3A_2] : memref<2048xi32, #tpu.memory_space<hbm>> -> memref<64xi32, #tpu.memory_space<hbm>>
      tpu.wait_dma2 semaphore(%run_scoped3A : memref<!tpu.dma_semaphore, #tpu.memory_space<semaphore_mem>>) src(%dma_wait3A_16 : memref<64xi32, #tpu.memory_space<hbm>>) dst(%arg6 : memref<64xi32, #tpu.memory_space<vmem>>)
      tpu.yield
    }) : () -> ()
    "tpu.region"() ({
      %run_scoped3A = tpu.sem_alloc : memref<!tpu.dma_semaphore, #tpu.memory_space<semaphore_mem>>
      %dma_start3A_13 = tpu.memref_slice %arg4[%mul3A_2] : memref<2048xi32, #tpu.memory_space<hbm>> -> memref<64xi32, #tpu.memory_space<hbm>>
      %dma_start3A_14 = tpu.memref_slice %arg4[%mul3A_2] : memref<2048xi32, #tpu.memory_space<hbm>> -> memref<64xi32, #tpu.memory_space<hbm>>
      tpu.enqueue_dma source(%dma_start3A_14 : memref<64xi32, #tpu.memory_space<hbm>>) target(%arg7 : memref<64xi32, #tpu.memory_space<vmem>>) target_semaphore(%run_scoped3A : memref<!tpu.dma_semaphore, #tpu.memory_space<semaphore_mem>>)
      %dma_wait3A_15 = tpu.memref_slice %arg4[%mul3A_2] : memref<2048xi32, #tpu.memory_space<hbm>> -> memref<64xi32, #tpu.memory_space<hbm>>
      %dma_wait3A_16 = tpu.memref_slice %arg4[%mul3A_2] : memref<2048xi32, #tpu.memory_space<hbm>> -> memref<64xi32, #tpu.memory_space<hbm>>
      tpu.wait_dma2 semaphore(%run_scoped3A : memref<!tpu.dma_semaphore, #tpu.memory_space<semaphore_mem>>) src(%dma_wait3A_16 : memref<64xi32, #tpu.memory_space<hbm>>) dst(%arg7 : memref<64xi32, #tpu.memory_space<vmem>>)
      tpu.yield
    }) : () -> ()
    "tpu.region"() ({
      %run_scoped3A = tpu.sem_alloc : memref<!tpu.dma_semaphore, #tpu.memory_space<semaphore_mem>>
      %dma_start3A_13 = arith.constant 0 : i32
      %dma_start3A_14 = tpu.memref_slice %arg2[%mul3A_2, %dma_start3A_13] : memref<2048x768xf32, #tpu.memory_space<hbm>> -> memref<64x768xf32, #tpu.memory_space<hbm>>
      %dma_start3A_15 = arith.constant 0 : i32
      %dma_start3A_16 = tpu.memref_slice %arg2[%mul3A_2, %dma_start3A_15] : memref<2048x768xf32, #tpu.memory_space<hbm>> -> memref<64x768xf32, #tpu.memory_space<hbm>>
      tpu.enqueue_dma source(%dma_start3A_16 : memref<64x768xf32, #tpu.memory_space<hbm>>) target(%arg8 : memref<64x768xf32, #tpu.memory_space<vmem>>) target_semaphore(%run_scoped3A : memref<!tpu.dma_semaphore, #tpu.memory_space<semaphore_mem>>)
      %dma_wait3A_17 = arith.constant 0 : i32
      %dma_wait3A_18 = tpu.memref_slice %arg2[%mul3A_2, %dma_wait3A_17] : memref<2048x768xf32, #tpu.memory_space<hbm>> -> memref<64x768xf32, #tpu.memory_space<hbm>>
      %dma_wait3A_19 = arith.constant 0 : i32
      %dma_wait3A_20 = tpu.memref_slice %arg2[%mul3A_2, %dma_wait3A_19] : memref<2048x768xf32, #tpu.memory_space<hbm>> -> memref<64x768xf32, #tpu.memory_space<hbm>>
      tpu.wait_dma2 semaphore(%run_scoped3A : memref<!tpu.dma_semaphore, #tpu.memory_space<semaphore_mem>>) src(%dma_wait3A_20 : memref<64x768xf32, #tpu.memory_space<hbm>>) dst(%arg8 : memref<64x768xf32, #tpu.memory_space<vmem>>)
      tpu.yield
    }) : () -> ()
    %dma_start3A = arith.constant 0 : i32
    %dma_start3A_3 = arith.constant 0 : i32
    %dma_start3A_4 = tpu.memref_slice %arg5[%dma_start3A, %dma_start3A_3] : memref<4096x768xf32, #tpu.memory_space<hbm>> -> memref<4096x768xf32, #tpu.memory_space<hbm>>
    tpu.enqueue_indirect_dma source(%arg8 : memref<64x768xf32, #tpu.memory_space<vmem>>) target(%dma_start3A_4 : memref<4096x768xf32, #tpu.memory_space<hbm>>) offsets(%arg6 : memref<64xi32, #tpu.memory_space<vmem>>) semaphore(%arg9 : memref<!tpu.dma_semaphore, #tpu.memory_space<semaphore_mem>>)
    %dma_wait3A = arith.constant 0 : i32
    %dma_wait3A_5 = arith.constant 0 : i32
    %dma_wait3A_6 = tpu.memref_slice %arg5[%dma_wait3A, %dma_wait3A_5] : memref<4096x768xf32, #tpu.memory_space<hbm>> -> memref<4096x768xf32, #tpu.memory_space<hbm>>
    tpu.wait_indirect_dma semaphore(%arg9 : memref<!tpu.dma_semaphore, #tpu.memory_space<semaphore_mem>>) src(%arg8 : memref<64x768xf32, #tpu.memory_space<vmem>>) dst(%dma_wait3A_6 : memref<4096x768xf32, #tpu.memory_space<hbm>>)
    %dma_start3A_7 = arith.constant 0 : i32
    %dma_start3A_8 = arith.constant 0 : i32
    %dma_start3A_9 = tpu.memref_slice %arg5[%dma_start3A_7, %dma_start3A_8] : memref<4096x768xf32, #tpu.memory_space<hbm>> -> memref<4096x768xf32, #tpu.memory_space<hbm>>
    tpu.enqueue_indirect_dma source(%arg8 : memref<64x768xf32, #tpu.memory_space<vmem>>) target(%dma_start3A_9 : memref<4096x768xf32, #tpu.memory_space<hbm>>) offsets(%arg7 : memref<64xi32, #tpu.memory_space<vmem>>) semaphore(%arg9 : memref<!tpu.dma_semaphore, #tpu.memory_space<semaphore_mem>>)
    %dma_wait3A_10 = arith.constant 0 : i32
    %dma_wait3A_11 = arith.constant 0 : i32
    %dma_wait3A_12 = tpu.memref_slice %arg5[%dma_wait3A_10, %dma_wait3A_11] : memref<4096x768xf32, #tpu.memory_space<hbm>> -> memref<4096x768xf32, #tpu.memory_space<hbm>>
    tpu.wait_indirect_dma semaphore(%arg9 : memref<!tpu.dma_semaphore, #tpu.memory_space<semaphore_mem>>) src(%arg8 : memref<64x768xf32, #tpu.memory_space<vmem>>) dst(%dma_wait3A_12 : memref<4096x768xf32, #tpu.memory_space<hbm>>)
    return
  }
}

module attributes {stable_mosaic.version = 14 : i64} {
  func.func @_router_body(%arg0: memref<2048x768xf32, #tpu.memory_space<vmem>>, %arg1: memref<1x768xf32, #tpu.memory_space<vmem>>, %arg2: memref<8x768xf32, #tpu.memory_space<vmem>>, %arg3: memref<1x1xf32, #tpu.memory_space<vmem>>, %arg4: memref<2048x768xf32, #tpu.memory_space<vmem>>, %arg5: memref<2x2048xi32, #tpu.memory_space<vmem>>, %arg6: memref<2048x32xf32, #tpu.memory_space<vmem>>, %arg7: memref<1x8xi32, #tpu.memory_space<vmem>>) attributes {dimension_semantics = [], scalar_prefetch = 0 : i64, scratch_operands = 0 : i64, tpu.core_type = #tpu.core_type<tc>} {
    %get3A = arith.constant 0 : index
    %get3A_0 = arith.constant 0 : index
    %get3A_1 = vector.load %arg0[%get3A, %get3A_0] : memref<2048x768xf32, #tpu.memory_space<vmem>>, vector<2048x768xf32>
    %mul3A = arith.mulf %get3A_1, %get3A_1 : vector<2048x768xf32>
    %reduce_sum3A = arith.constant dense<0.000000e+00> : vector<2048xf32>
    %reduce_sum3A_2 = vector.multi_reduction <add>, %mul3A, %reduce_sum3A [1] : vector<2048x768xf32> to vector<2048xf32>
    %broadcast_in_dim3A = vector.shape_cast %reduce_sum3A_2 : vector<2048xf32> to vector<2048x1xf32>
    %div3A = arith.constant 7.680000e+02 : f32
    %div3A_3 = vector.broadcast %div3A : f32 to vector<2048x1xf32>
    %div3A_4 = arith.divf %broadcast_in_dim3A, %div3A_3 : vector<2048x1xf32>
    %add3A = arith.constant 9.99999997E-7 : f32
    %add3A_5 = vector.broadcast %add3A : f32 to vector<2048x1xf32>
    %add3A_6 = arith.addf %div3A_4, %add3A_5 : vector<2048x1xf32>
    %rsqrt3A = math.rsqrt %add3A_6 : vector<2048x1xf32>
    %mul3A_7 = vector.broadcast %rsqrt3A : vector<2048x1xf32> to vector<2048x768xf32>
    %mul3A_8 = arith.mulf %get3A_1, %mul3A_7 : vector<2048x768xf32>
    %get3A_9 = arith.constant 0 : index
    %get3A_10 = arith.constant 0 : index
    %get3A_11 = vector.load %arg1[%get3A_9, %get3A_10] : memref<1x768xf32, #tpu.memory_space<vmem>>, vector<1x768xf32>
    %mul3A_12 = vector.broadcast %get3A_11 : vector<1x768xf32> to vector<2048x768xf32>
    %mul3A_13 = arith.mulf %mul3A_8, %mul3A_12 : vector<2048x768xf32>
    %swap3A = arith.constant 0 : index
    %swap3A_14 = arith.constant 0 : index
    %swap3A_15 = vector.load %arg4[%swap3A, %swap3A_14] : memref<2048x768xf32, #tpu.memory_space<vmem>>, vector<2048x768xf32>
    tpu.vector_store %arg4[%swap3A, %swap3A_14], %mul3A_13 {strides = array<i32>} : memref<2048x768xf32, #tpu.memory_space<vmem>>, vector<2048x768xf32>,
    %get3A_16 = arith.constant 0 : index
    %get3A_17 = arith.constant 0 : index
    %get3A_18 = vector.load %arg2[%get3A_16, %get3A_17] : memref<8x768xf32, #tpu.memory_space<vmem>>, vector<8x768xf32>
    %dot_general3A = arith.constant dense<0.000000e+00> : vector<2048x8xf32>
    %dot_general3A_19 = tpu.matmul %mul3A_13, %get3A_18, %dot_general3A {dimension_numbers = #tpu.dot_dimension_numbers<[1], [1], [0], [0], [0, 0, 1, 0], [], []>, transpose_lhs_hint = false} : vector<2048x768xf32>, vector<8x768xf32>, vector<2048x8xf32> -> vector<2048x8xf32>
    %reduce_max3A = arith.constant dense<0xFF800000> : vector<2048xf32>
    %reduce_max3A_20 = vector.multi_reduction <maximumf>, %dot_general3A_19, %reduce_max3A [1] : vector<2048x8xf32> to vector<2048xf32>
    %broadcast_in_dim3A_21 = vector.shape_cast %reduce_max3A_20 : vector<2048xf32> to vector<2048x1xf32>
    %eq3A = vector.broadcast %broadcast_in_dim3A_21 : vector<2048x1xf32> to vector<2048x8xf32>
    %eq3A_22 = arith.cmpf oeq, %dot_general3A_19, %eq3A : vector<2048x8xf32>
    %broadcast_in_dim3A_23 = arith.constant 0.000000e+00 : f32
    %broadcast_in_dim3A_24 = vector.broadcast %broadcast_in_dim3A_23 : f32 to vector<2048x1xf32>
    %slice3A = vector.extract_strided_slice %eq3A_22 {offsets = [0, 0], sizes = [2048, 1], strides = [1, 1]} : vector<2048x8xi1> to vector<2048x1xi1>
    %convert_element_type3A = arith.extui %slice3A : vector<2048x1xi1> to vector<2048x1xi32>
    %convert_element_type3A_25 = arith.sitofp %convert_element_type3A : vector<2048x1xi32> to vector<2048x1xf32>
    %add3A_26 = arith.addf %broadcast_in_dim3A_24, %convert_element_type3A_25 : vector<2048x1xf32>
    %slice3A_27 = vector.extract_strided_slice %eq3A_22 {offsets = [0, 1], sizes = [2048, 1], strides = [1, 1]} : vector<2048x8xi1> to vector<2048x1xi1>
    %convert_element_type3A_28 = arith.extui %slice3A_27 : vector<2048x1xi1> to vector<2048x1xi32>
    %convert_element_type3A_29 = arith.sitofp %convert_element_type3A_28 : vector<2048x1xi32> to vector<2048x1xf32>
    %add3A_30 = arith.addf %add3A_26, %convert_element_type3A_29 : vector<2048x1xf32>
    %slice3A_31 = vector.extract_strided_slice %eq3A_22 {offsets = [0, 2], sizes = [2048, 1], strides = [1, 1]} : vector<2048x8xi1> to vector<2048x1xi1>
    %convert_element_type3A_32 = arith.extui %slice3A_31 : vector<2048x1xi1> to vector<2048x1xi32>
    %convert_element_type3A_33 = arith.sitofp %convert_element_type3A_32 : vector<2048x1xi32> to vector<2048x1xf32>
    %add3A_34 = arith.addf %add3A_30, %convert_element_type3A_33 : vector<2048x1xf32>
    %slice3A_35 = vector.extract_strided_slice %eq3A_22 {offsets = [0, 3], sizes = [2048, 1], strides = [1, 1]} : vector<2048x8xi1> to vector<2048x1xi1>
    %convert_element_type3A_36 = arith.extui %slice3A_35 : vector<2048x1xi1> to vector<2048x1xi32>
    %convert_element_type3A_37 = arith.sitofp %convert_element_type3A_36 : vector<2048x1xi32> to vector<2048x1xf32>
    %add3A_38 = arith.addf %add3A_34, %convert_element_type3A_37 : vector<2048x1xf32>
    %slice3A_39 = vector.extract_strided_slice %eq3A_22 {offsets = [0, 4], sizes = [2048, 1], strides = [1, 1]} : vector<2048x8xi1> to vector<2048x1xi1>
    %convert_element_type3A_40 = arith.extui %slice3A_39 : vector<2048x1xi1> to vector<2048x1xi32>
    %convert_element_type3A_41 = arith.sitofp %convert_element_type3A_40 : vector<2048x1xi32> to vector<2048x1xf32>
    %add3A_42 = arith.addf %add3A_38, %convert_element_type3A_41 : vector<2048x1xf32>
    %slice3A_43 = vector.extract_strided_slice %eq3A_22 {offsets = [0, 5], sizes = [2048, 1], strides = [1, 1]} : vector<2048x8xi1> to vector<2048x1xi1>
    %convert_element_type3A_44 = arith.extui %slice3A_43 : vector<2048x1xi1> to vector<2048x1xi32>
    %convert_element_type3A_45 = arith.sitofp %convert_element_type3A_44 : vector<2048x1xi32> to vector<2048x1xf32>
    %add3A_46 = arith.addf %add3A_42, %convert_element_type3A_45 : vector<2048x1xf32>
    %slice3A_47 = vector.extract_strided_slice %eq3A_22 {offsets = [0, 6], sizes = [2048, 1], strides = [1, 1]} : vector<2048x8xi1> to vector<2048x1xi1>
    %convert_element_type3A_48 = arith.extui %slice3A_47 : vector<2048x1xi1> to vector<2048x1xi32>
    %convert_element_type3A_49 = arith.sitofp %convert_element_type3A_48 : vector<2048x1xi32> to vector<2048x1xf32>
    %add3A_50 = arith.addf %add3A_46, %convert_element_type3A_49 : vector<2048x1xf32>
    %concatenate3A = tpu.concatenate %broadcast_in_dim3A_24, %add3A_26, %add3A_30, %add3A_34, %add3A_38, %add3A_42, %add3A_46, %add3A_50 in 1 : vector<2048x1xf32>, vector<2048x1xf32>, vector<2048x1xf32>, vector<2048x1xf32>, vector<2048x1xf32>, vector<2048x1xf32>, vector<2048x1xf32>, vector<2048x1xf32> -> vector<2048x8xf32>
    %eq3A_51 = arith.constant 0.000000e+00 : f32
    %eq3A_52 = vector.broadcast %eq3A_51 : f32 to vector<2048x8xf32>
    %eq3A_53 = arith.cmpf oeq, %concatenate3A, %eq3A_52 : vector<2048x8xf32>
    %and3A = arith.andi %eq3A_22, %eq3A_53 : vector<2048x8xi1>
    %jit3A = arith.constant -1.000000e+30 : f32
    %broadcast_in_dim3A_54 = vector.broadcast %jit3A : f32 to vector<2048x8xf32>
    %select_n3A = arith.select %and3A, %broadcast_in_dim3A_54, %dot_general3A_19 : vector<2048x8xi1>, vector<2048x8xf32>
    %reduce_max3A_55 = arith.constant dense<0xFF800000> : vector<2048xf32>
    %reduce_max3A_56 = vector.multi_reduction <maximumf>, %select_n3A, %reduce_max3A_55 [1] : vector<2048x8xf32> to vector<2048xf32>
    %broadcast_in_dim3A_57 = vector.shape_cast %reduce_max3A_56 : vector<2048xf32> to vector<2048x1xf32>
    %eq3A_58 = vector.broadcast %broadcast_in_dim3A_57 : vector<2048x1xf32> to vector<2048x8xf32>
    %eq3A_59 = arith.cmpf oeq, %select_n3A, %eq3A_58 : vector<2048x8xf32>
    %broadcast_in_dim3A_60 = arith.constant 0.000000e+00 : f32
    %broadcast_in_dim3A_61 = vector.broadcast %broadcast_in_dim3A_60 : f32 to vector<2048x1xf32>
    %slice3A_62 = vector.extract_strided_slice %eq3A_59 {offsets = [0, 0], sizes = [2048, 1], strides = [1, 1]} : vector<2048x8xi1> to vector<2048x1xi1>
    %convert_element_type3A_63 = arith.extui %slice3A_62 : vector<2048x1xi1> to vector<2048x1xi32>
    %convert_element_type3A_64 = arith.sitofp %convert_element_type3A_63 : vector<2048x1xi32> to vector<2048x1xf32>
    %add3A_65 = arith.addf %broadcast_in_dim3A_61, %convert_element_type3A_64 : vector<2048x1xf32>
    %slice3A_66 = vector.extract_strided_slice %eq3A_59 {offsets = [0, 1], sizes = [2048, 1], strides = [1, 1]} : vector<2048x8xi1> to vector<2048x1xi1>
    %convert_element_type3A_67 = arith.extui %slice3A_66 : vector<2048x1xi1> to vector<2048x1xi32>
    %convert_element_type3A_68 = arith.sitofp %convert_element_type3A_67 : vector<2048x1xi32> to vector<2048x1xf32>
    %add3A_69 = arith.addf %add3A_65, %convert_element_type3A_68 : vector<2048x1xf32>
    %slice3A_70 = vector.extract_strided_slice %eq3A_59 {offsets = [0, 2], sizes = [2048, 1], strides = [1, 1]} : vector<2048x8xi1> to vector<2048x1xi1>
    %convert_element_type3A_71 = arith.extui %slice3A_70 : vector<2048x1xi1> to vector<2048x1xi32>
    %convert_element_type3A_72 = arith.sitofp %convert_element_type3A_71 : vector<2048x1xi32> to vector<2048x1xf32>
    %add3A_73 = arith.addf %add3A_69, %convert_element_type3A_72 : vector<2048x1xf32>
    %slice3A_74 = vector.extract_strided_slice %eq3A_59 {offsets = [0, 3], sizes = [2048, 1], strides = [1, 1]} : vector<2048x8xi1> to vector<2048x1xi1>
    %convert_element_type3A_75 = arith.extui %slice3A_74 : vector<2048x1xi1> to vector<2048x1xi32>
    %convert_element_type3A_76 = arith.sitofp %convert_element_type3A_75 : vector<2048x1xi32> to vector<2048x1xf32>
    %add3A_77 = arith.addf %add3A_73, %convert_element_type3A_76 : vector<2048x1xf32>
    %slice3A_78 = vector.extract_strided_slice %eq3A_59 {offsets = [0, 4], sizes = [2048, 1], strides = [1, 1]} : vector<2048x8xi1> to vector<2048x1xi1>
    %convert_element_type3A_79 = arith.extui %slice3A_78 : vector<2048x1xi1> to vector<2048x1xi32>
    %convert_element_type3A_80 = arith.sitofp %convert_element_type3A_79 : vector<2048x1xi32> to vector<2048x1xf32>
    %add3A_81 = arith.addf %add3A_77, %convert_element_type3A_80 : vector<2048x1xf32>
    %slice3A_82 = vector.extract_strided_slice %eq3A_59 {offsets = [0, 5], sizes = [2048, 1], strides = [1, 1]} : vector<2048x8xi1> to vector<2048x1xi1>
    %convert_element_type3A_83 = arith.extui %slice3A_82 : vector<2048x1xi1> to vector<2048x1xi32>
    %convert_element_type3A_84 = arith.sitofp %convert_element_type3A_83 : vector<2048x1xi32> to vector<2048x1xf32>
    %add3A_85 = arith.addf %add3A_81, %convert_element_type3A_84 : vector<2048x1xf32>
    %slice3A_86 = vector.extract_strided_slice %eq3A_59 {offsets = [0, 6], sizes = [2048, 1], strides = [1, 1]} : vector<2048x8xi1> to vector<2048x1xi1>
    %convert_element_type3A_87 = arith.extui %slice3A_86 : vector<2048x1xi1> to vector<2048x1xi32>
    %convert_element_type3A_88 = arith.sitofp %convert_element_type3A_87 : vector<2048x1xi32> to vector<2048x1xf32>
    %add3A_89 = arith.addf %add3A_85, %convert_element_type3A_88 : vector<2048x1xf32>
    %concatenate3A_90 = tpu.concatenate %broadcast_in_dim3A_61, %add3A_65, %add3A_69, %add3A_73, %add3A_77, %add3A_81, %add3A_85, %add3A_89 in 1 : vector<2048x1xf32>, vector<2048x1xf32>, vector<2048x1xf32>, vector<2048x1xf32>, vector<2048x1xf32>, vector<2048x1xf32>, vector<2048x1xf32>, vector<2048x1xf32> -> vector<2048x8xf32>
    %eq3A_91 = arith.constant 0.000000e+00 : f32
    %eq3A_92 = vector.broadcast %eq3A_91 : f32 to vector<2048x8xf32>
    %eq3A_93 = arith.cmpf oeq, %concatenate3A_90, %eq3A_92 : vector<2048x8xf32>
    %and3A_94 = arith.andi %eq3A_59, %eq3A_93 : vector<2048x8xi1>
    %sub3A = arith.subf %broadcast_in_dim3A_57, %broadcast_in_dim3A_21 : vector<2048x1xf32>
    %exp3A = math.exp %sub3A : vector<2048x1xf32>
    %get3A_95 = arith.constant 0 : index
    %get3A_96 = arith.constant 0 : index
    %get3A_97 = vector.load %arg3[%get3A_95, %get3A_96] : memref<1x1xf32, #tpu.memory_space<vmem>>, vector<1x1xf32>
    %get3A_98 = vector.extract %get3A_97[0, 0] : f32 from vector<1x1xf32>
    %add3A_99 = arith.constant 1.000000e+00 : f32
    %add3A_100 = vector.broadcast %add3A_99 : f32 to vector<2048x1xf32>
    %add3A_101 = arith.addf %add3A_100, %exp3A : vector<2048x1xf32>
    %div3A_102 = vector.broadcast %get3A_98 : f32 to vector<2048x1xf32>
    %div3A_103 = arith.divf %div3A_102, %add3A_101 : vector<2048x1xf32>
    %mul3A_104 = vector.broadcast %get3A_98 : f32 to vector<2048x1xf32>
    %mul3A_105 = arith.mulf %mul3A_104, %exp3A : vector<2048x1xf32>
    %add3A_106 = arith.constant 1.000000e+00 : f32
    %add3A_107 = vector.broadcast %add3A_106 : f32 to vector<2048x1xf32>
    %add3A_108 = arith.addf %add3A_107, %exp3A : vector<2048x1xf32>
    %div3A_109 = arith.divf %mul3A_105, %add3A_108 : vector<2048x1xf32>
    %broadcast_in_dim3A_110 = vector.shape_cast %div3A_103 : vector<2048x1xf32> to vector<2048x1xf32>
    %broadcast_in_dim3A_111 = vector.broadcast %broadcast_in_dim3A_110 : vector<2048x1xf32> to vector<2048x16xf32>
    %broadcast_in_dim3A_112 = vector.shape_cast %div3A_109 : vector<2048x1xf32> to vector<2048x1xf32>
    %broadcast_in_dim3A_113 = vector.broadcast %broadcast_in_dim3A_112 : vector<2048x1xf32> to vector<2048x16xf32>
    %concatenate3A_114 = tpu.concatenate %broadcast_in_dim3A_111, %broadcast_in_dim3A_113 in 1 : vector<2048x16xf32>, vector<2048x16xf32> -> vector<2048x32xf32>
    %swap3A_115 = arith.constant 0 : index
    %swap3A_116 = arith.constant 0 : index
    %swap3A_117 = vector.load %arg6[%swap3A_115, %swap3A_116] : memref<2048x32xf32, #tpu.memory_space<vmem>>, vector<2048x32xf32>
    tpu.vector_store %arg6[%swap3A_115, %swap3A_116], %concatenate3A_114 {strides = array<i32>} : memref<2048x32xf32, #tpu.memory_space<vmem>>, vector<2048x32xf32>,
    %convert_element_type3A_118 = arith.extui %and3A : vector<2048x8xi1> to vector<2048x8xi32>
    %convert_element_type3A_119 = arith.sitofp %convert_element_type3A_118 : vector<2048x8xi32> to vector<2048x8xf32>
    %convert_element_type3A_120 = arith.extui %and3A_94 : vector<2048x8xi1> to vector<2048x8xi32>
    %convert_element_type3A_121 = arith.sitofp %convert_element_type3A_120 : vector<2048x8xi32> to vector<2048x8xf32>
    %add3A_122 = arith.addf %convert_element_type3A_119, %convert_element_type3A_121 : vector<2048x8xf32>
    %broadcast_in_dim3A_123 = arith.constant 0.000000e+00 : f32
    %broadcast_in_dim3A_124 = vector.broadcast %broadcast_in_dim3A_123 : f32 to vector<1x8xf32>
    %slice3A_125 = vector.extract_strided_slice %add3A_122 {offsets = [0, 0], sizes = [2047, 8], strides = [1, 1]} : vector<2048x8xf32> to vector<2047x8xf32>
    %concatenate3A_126 = tpu.concatenate %broadcast_in_dim3A_124, %slice3A_125 in 0 : vector<1x8xf32>, vector<2047x8xf32> -> vector<2048x8xf32>
    %add3A_127 = arith.addf %add3A_122, %concatenate3A_126 : vector<2048x8xf32>
    %broadcast_in_dim3A_128 = arith.constant 0.000000e+00 : f32
    %broadcast_in_dim3A_129 = vector.broadcast %broadcast_in_dim3A_128 : f32 to vector<2x8xf32>
    %slice3A_130 = vector.extract_strided_slice %add3A_127 {offsets = [0, 0], sizes = [2046, 8], strides = [1, 1]} : vector<2048x8xf32> to vector<2046x8xf32>
    %concatenate3A_131 = tpu.concatenate %broadcast_in_dim3A_129, %slice3A_130 in 0 : vector<2x8xf32>, vector<2046x8xf32> -> vector<2048x8xf32>
    %add3A_132 = arith.addf %add3A_127, %concatenate3A_131 : vector<2048x8xf32>
    %broadcast_in_dim3A_133 = arith.constant 0.000000e+00 : f32
    %broadcast_in_dim3A_134 = vector.broadcast %broadcast_in_dim3A_133 : f32 to vector<4x8xf32>
    %slice3A_135 = vector.extract_strided_slice %add3A_132 {offsets = [0, 0], sizes = [2044, 8], strides = [1, 1]} : vector<2048x8xf32> to vector<2044x8xf32>
    %concatenate3A_136 = tpu.concatenate %broadcast_in_dim3A_134, %slice3A_135 in 0 : vector<4x8xf32>, vector<2044x8xf32> -> vector<2048x8xf32>
    %add3A_137 = arith.addf %add3A_132, %concatenate3A_136 : vector<2048x8xf32>
    %broadcast_in_dim3A_138 = arith.constant 0.000000e+00 : f32
    %broadcast_in_dim3A_139 = vector.broadcast %broadcast_in_dim3A_138 : f32 to vector<8x8xf32>
    %slice3A_140 = vector.extract_strided_slice %add3A_137 {offsets = [0, 0], sizes = [2040, 8], strides = [1, 1]} : vector<2048x8xf32> to vector<2040x8xf32>
    %concatenate3A_141 = tpu.concatenate %broadcast_in_dim3A_139, %slice3A_140 in 0 : vector<8x8xf32>, vector<2040x8xf32> -> vector<2048x8xf32>
    %add3A_142 = arith.addf %add3A_137, %concatenate3A_141 : vector<2048x8xf32>
    %broadcast_in_dim3A_143 = arith.constant 0.000000e+00 : f32
    %broadcast_in_dim3A_144 = vector.broadcast %broadcast_in_dim3A_143 : f32 to vector<16x8xf32>
    %slice3A_145 = vector.extract_strided_slice %add3A_142 {offsets = [0, 0], sizes = [2032, 8], strides = [1, 1]} : vector<2048x8xf32> to vector<2032x8xf32>
    %concatenate3A_146 = tpu.concatenate %broadcast_in_dim3A_144, %slice3A_145 in 0 : vector<16x8xf32>, vector<2032x8xf32> -> vector<2048x8xf32>
    %add3A_147 = arith.addf %add3A_142, %concatenate3A_146 : vector<2048x8xf32>
    %broadcast_in_dim3A_148 = arith.constant 0.000000e+00 : f32
    %broadcast_in_dim3A_149 = vector.broadcast %broadcast_in_dim3A_148 : f32 to vector<32x8xf32>
    %slice3A_150 = vector.extract_strided_slice %add3A_147 {offsets = [0, 0], sizes = [2016, 8], strides = [1, 1]} : vector<2048x8xf32> to vector<2016x8xf32>
    %concatenate3A_151 = tpu.concatenate %broadcast_in_dim3A_149, %slice3A_150 in 0 : vector<32x8xf32>, vector<2016x8xf32> -> vector<2048x8xf32>
    %add3A_152 = arith.addf %add3A_147, %concatenate3A_151 : vector<2048x8xf32>
    %broadcast_in_dim3A_153 = arith.constant 0.000000e+00 : f32
    %broadcast_in_dim3A_154 = vector.broadcast %broadcast_in_dim3A_153 : f32 to vector<64x8xf32>
    %slice3A_155 = vector.extract_strided_slice %add3A_152 {offsets = [0, 0], sizes = [1984, 8], strides = [1, 1]} : vector<2048x8xf32> to vector<1984x8xf32>
    %concatenate3A_156 = tpu.concatenate %broadcast_in_dim3A_154, %slice3A_155 in 0 : vector<64x8xf32>, vector<1984x8xf32> -> vector<2048x8xf32>
    %add3A_157 = arith.addf %add3A_152, %concatenate3A_156 : vector<2048x8xf32>
    %broadcast_in_dim3A_158 = arith.constant 0.000000e+00 : f32
    %broadcast_in_dim3A_159 = vector.broadcast %broadcast_in_dim3A_158 : f32 to vector<128x8xf32>
    %slice3A_160 = vector.extract_strided_slice %add3A_157 {offsets = [0, 0], sizes = [1920, 8], strides = [1, 1]} : vector<2048x8xf32> to vector<1920x8xf32>
    %concatenate3A_161 = tpu.concatenate %broadcast_in_dim3A_159, %slice3A_160 in 0 : vector<128x8xf32>, vector<1920x8xf32> -> vector<2048x8xf32>
    %add3A_162 = arith.addf %add3A_157, %concatenate3A_161 : vector<2048x8xf32>
    %broadcast_in_dim3A_163 = arith.constant 0.000000e+00 : f32
    %broadcast_in_dim3A_164 = vector.broadcast %broadcast_in_dim3A_163 : f32 to vector<256x8xf32>
    %slice3A_165 = vector.extract_strided_slice %add3A_162 {offsets = [0, 0], sizes = [1792, 8], strides = [1, 1]} : vector<2048x8xf32> to vector<1792x8xf32>
    %concatenate3A_166 = tpu.concatenate %broadcast_in_dim3A_164, %slice3A_165 in 0 : vector<256x8xf32>, vector<1792x8xf32> -> vector<2048x8xf32>
    %add3A_167 = arith.addf %add3A_162, %concatenate3A_166 : vector<2048x8xf32>
    %broadcast_in_dim3A_168 = arith.constant 0.000000e+00 : f32
    %broadcast_in_dim3A_169 = vector.broadcast %broadcast_in_dim3A_168 : f32 to vector<512x8xf32>
    %slice3A_170 = vector.extract_strided_slice %add3A_167 {offsets = [0, 0], sizes = [1536, 8], strides = [1, 1]} : vector<2048x8xf32> to vector<1536x8xf32>
    %concatenate3A_171 = tpu.concatenate %broadcast_in_dim3A_169, %slice3A_170 in 0 : vector<512x8xf32>, vector<1536x8xf32> -> vector<2048x8xf32>
    %add3A_172 = arith.addf %add3A_167, %concatenate3A_171 : vector<2048x8xf32>
    %broadcast_in_dim3A_173 = arith.constant 0.000000e+00 : f32
    %broadcast_in_dim3A_174 = vector.broadcast %broadcast_in_dim3A_173 : f32 to vector<1024x8xf32>
    %slice3A_175 = vector.extract_strided_slice %add3A_172 {offsets = [0, 0], sizes = [1024, 8], strides = [1, 1]} : vector<2048x8xf32> to vector<1024x8xf32>
    %concatenate3A_176 = tpu.concatenate %broadcast_in_dim3A_174, %slice3A_175 in 0 : vector<1024x8xf32>, vector<1024x8xf32> -> vector<2048x8xf32>
    %add3A_177 = arith.addf %add3A_172, %concatenate3A_176 : vector<2048x8xf32>
    %sub3A_178 = arith.subf %add3A_177, %add3A_122 : vector<2048x8xf32>
    %slice3A_179 = vector.extract_strided_slice %add3A_177 {offsets = [2047, 0], sizes = [1, 8], strides = [1, 1]} : vector<2048x8xf32> to vector<1x8xf32>
    %convert_element_type3A_180 = arith.fptosi %slice3A_179 : vector<1x8xf32> to vector<1x8xi32>
    %swap3A_181 = arith.constant 0 : index
    %swap3A_182 = arith.constant 0 : index
    %swap3A_183 = vector.load %arg7[%swap3A_181, %swap3A_182] : memref<1x8xi32, #tpu.memory_space<vmem>>, vector<1x8xi32>
    tpu.vector_store %arg7[%swap3A_181, %swap3A_182], %convert_element_type3A_180 {strides = array<i32>} : memref<1x8xi32, #tpu.memory_space<vmem>>, vector<1x8xi32>,
    %broadcast_in_dim3A_184 = arith.constant 0.000000e+00 : f32
    %broadcast_in_dim3A_185 = vector.broadcast %broadcast_in_dim3A_184 : f32 to vector<1x1xf32>
    %slice3A_186 = vector.extract_strided_slice %slice3A_179 {offsets = [0, 0], sizes = [1, 1], strides = [1, 1]} : vector<1x8xf32> to vector<1x1xf32>
    %add3A_187 = arith.addf %broadcast_in_dim3A_185, %slice3A_186 : vector<1x1xf32>
    %slice3A_188 = vector.extract_strided_slice %slice3A_179 {offsets = [0, 1], sizes = [1, 1], strides = [1, 1]} : vector<1x8xf32> to vector<1x1xf32>
    %add3A_189 = arith.addf %add3A_187, %slice3A_188 : vector<1x1xf32>
    %slice3A_190 = vector.extract_strided_slice %slice3A_179 {offsets = [0, 2], sizes = [1, 1], strides = [1, 1]} : vector<1x8xf32> to vector<1x1xf32>
    %add3A_191 = arith.addf %add3A_189, %slice3A_190 : vector<1x1xf32>
    %slice3A_192 = vector.extract_strided_slice %slice3A_179 {offsets = [0, 3], sizes = [1, 1], strides = [1, 1]} : vector<1x8xf32> to vector<1x1xf32>
    %add3A_193 = arith.addf %add3A_191, %slice3A_192 : vector<1x1xf32>
    %slice3A_194 = vector.extract_strided_slice %slice3A_179 {offsets = [0, 4], sizes = [1, 1], strides = [1, 1]} : vector<1x8xf32> to vector<1x1xf32>
    %add3A_195 = arith.addf %add3A_193, %slice3A_194 : vector<1x1xf32>
    %slice3A_196 = vector.extract_strided_slice %slice3A_179 {offsets = [0, 5], sizes = [1, 1], strides = [1, 1]} : vector<1x8xf32> to vector<1x1xf32>
    %add3A_197 = arith.addf %add3A_195, %slice3A_196 : vector<1x1xf32>
    %slice3A_198 = vector.extract_strided_slice %slice3A_179 {offsets = [0, 6], sizes = [1, 1], strides = [1, 1]} : vector<1x8xf32> to vector<1x1xf32>
    %add3A_199 = arith.addf %add3A_197, %slice3A_198 : vector<1x1xf32>
    %concatenate3A_200 = tpu.concatenate %broadcast_in_dim3A_185, %add3A_187, %add3A_189, %add3A_191, %add3A_193, %add3A_195, %add3A_197, %add3A_199 in 1 : vector<1x1xf32>, vector<1x1xf32>, vector<1x1xf32>, vector<1x1xf32>, vector<1x1xf32>, vector<1x1xf32>, vector<1x1xf32>, vector<1x1xf32> -> vector<1x8xf32>
    %add3A_201 = vector.broadcast %concatenate3A_200 : vector<1x8xf32> to vector<2048x8xf32>
    %add3A_202 = arith.addf %add3A_201, %sub3A_178 : vector<2048x8xf32>
    %jit3A_203 = arith.constant 0.000000e+00 : f32
    %broadcast_in_dim3A_204 = vector.broadcast %jit3A_203 : f32 to vector<2048x8xf32>
    %select_n3A_205 = arith.select %and3A, %add3A_202, %broadcast_in_dim3A_204 : vector<2048x8xi1>, vector<2048x8xf32>
    %reduce_sum3A_206 = arith.constant dense<0.000000e+00> : vector<2048xf32>
    %reduce_sum3A_207 = vector.multi_reduction <add>, %select_n3A_205, %reduce_sum3A_206 [1] : vector<2048x8xf32> to vector<2048xf32>
    %broadcast_in_dim3A_208 = vector.shape_cast %reduce_sum3A_207 : vector<2048xf32> to vector<1x2048xf32>
    %jit3A_209 = arith.constant 0.000000e+00 : f32
    %broadcast_in_dim3A_210 = vector.broadcast %jit3A_209 : f32 to vector<2048x8xf32>
    %select_n3A_211 = arith.select %and3A_94, %add3A_202, %broadcast_in_dim3A_210 : vector<2048x8xi1>, vector<2048x8xf32>
    %reduce_sum3A_212 = arith.constant dense<0.000000e+00> : vector<2048xf32>
    %reduce_sum3A_213 = vector.multi_reduction <add>, %select_n3A_211, %reduce_sum3A_212 [1] : vector<2048x8xf32> to vector<2048xf32>
    %broadcast_in_dim3A_214 = vector.shape_cast %reduce_sum3A_213 : vector<2048xf32> to vector<1x2048xf32>
    %concatenate3A_215 = tpu.concatenate %broadcast_in_dim3A_208, %broadcast_in_dim3A_214 in 0 : vector<1x2048xf32>, vector<1x2048xf32> -> vector<2x2048xf32>
    %convert_element_type3A_216 = arith.fptosi %concatenate3A_215 : vector<2x2048xf32> to vector<2x2048xi32>
    %swap3A_217 = arith.constant 0 : index
    %swap3A_218 = arith.constant 0 : index
    %swap3A_219 = vector.load %arg5[%swap3A_217, %swap3A_218] : memref<2x2048xi32, #tpu.memory_space<vmem>>, vector<2x2048xi32>
    tpu.vector_store %arg5[%swap3A_217, %swap3A_218], %convert_element_type3A_216 {strides = array<i32>} : memref<2x2048xi32, #tpu.memory_space<vmem>>, vector<2x2048xi32>,
    return
  }
}

module attributes {stable_mosaic.version = 14 : i64} {
  func.func @_gmm_body(%arg0: i32, %arg1: i32, %arg2: memref<5x15xi32, #tpu.memory_space<smem>>, %arg3: memref<512x768xf32, #tpu.memory_space<vmem>>, %arg4: memref<1x1x1152x768xf32, #tpu.memory_space<vmem>>, %arg5: memref<1x1x1152x768xf32, #tpu.memory_space<vmem>>, %arg6: memref<1x768x1152xf32, #tpu.memory_space<vmem>>, %arg7: memref<512x768xf32, #tpu.memory_space<vmem>>) attributes {dimension_semantics = [#tpu.dimension_semantics<arbitrary>, #tpu.dimension_semantics<arbitrary>], iteration_bounds = array<i64: 15, 2>, scalar_prefetch = 1 : i64, scratch_operands = 0 : i64, tpu.core_type = #tpu.core_type<tc>, window_params = [{transform_indices = @transform_0, window_bounds = array<i64: 512, 768>}, {transform_indices = @transform_1, window_bounds = array<i64: 1, 1, 1152, 768>}, {transform_indices = @transform_2, window_bounds = array<i64: 1, 1, 1152, 768>}, {transform_indices = @transform_3, window_bounds = array<i64: 1, 768, 1152>}, {transform_indices = @transform_4, window_bounds = array<i64: 512, 768>}]} {
    %get3A = arith.constant 0 : index
    %get3A_0 = arith.index_cast %arg0 : i32 to index
    %get3A_1 = memref.load %arg2[%get3A, %get3A_0] : memref<5x15xi32, #tpu.memory_space<smem>>
    %get3A_2 = arith.constant 2 : index
    %get3A_3 = arith.index_cast %arg0 : i32 to index
    %get3A_4 = memref.load %arg2[%get3A_2, %get3A_3] : memref<5x15xi32, #tpu.memory_space<smem>>
    %get3A_5 = arith.constant 3 : index
    %get3A_6 = arith.index_cast %arg0 : i32 to index
    %get3A_7 = memref.load %arg2[%get3A_5, %get3A_6] : memref<5x15xi32, #tpu.memory_space<smem>>
    %get3A_8 = arith.constant 4 : index
    %get3A_9 = arith.index_cast %arg0 : i32 to index
    %get3A_10 = memref.load %arg2[%get3A_8, %get3A_9] : memref<5x15xi32, #tpu.memory_space<smem>>
    %get3A_11 = arith.constant 0 : index
    %get3A_12 = arith.constant 0 : index
    %get3A_13 = vector.load %arg3[%get3A_11, %get3A_12] : memref<512x768xf32, #tpu.memory_space<vmem>>, vector<512x768xf32>
    %convert_element_type3A = arith.truncf %get3A_13 : vector<512x768xf32> to vector<512x768xbf16>
    %get3A_14 = arith.constant 0 : index
    %get3A_15 = arith.constant 0 : index
    %get3A_16 = arith.constant 0 : index
    %get3A_17 = arith.constant 0 : index
    %get3A_18 = vector.load %arg4[%get3A_14, %get3A_15, %get3A_16, %get3A_17] : memref<1x1x1152x768xf32, #tpu.memory_space<vmem>>, vector<1x1x1152x768xf32>
    %get3A_19 = vector.shape_cast %get3A_18 : vector<1x1x1152x768xf32> to vector<1152x768xf32>
    %convert_element_type3A_20 = arith.truncf %get3A_19 : vector<1152x768xf32> to vector<1152x768xbf16>
    %dot_general3A = arith.constant dense<0.000000e+00> : vector<512x1152xf32>
    %dot_general3A_21 = tpu.matmul %convert_element_type3A, %convert_element_type3A_20, %dot_general3A {dimension_numbers = #tpu.dot_dimension_numbers<[1], [1], [0], [0], [0, 0, 1, 0], [], []>, transpose_lhs_hint = false} : vector<512x768xbf16>, vector<1152x768xbf16>, vector<512x1152xf32> -> vector<512x1152xf32>
    %get3A_22 = arith.constant 0 : index
    %get3A_23 = arith.constant 0 : index
    %get3A_24 = arith.constant 0 : index
    %get3A_25 = arith.constant 0 : index
    %get3A_26 = vector.load %arg5[%get3A_22, %get3A_23, %get3A_24, %get3A_25] : memref<1x1x1152x768xf32, #tpu.memory_space<vmem>>, vector<1x1x1152x768xf32>
    %get3A_27 = vector.shape_cast %get3A_26 : vector<1x1x1152x768xf32> to vector<1152x768xf32>
    %convert_element_type3A_28 = arith.truncf %get3A_27 : vector<1152x768xf32> to vector<1152x768xbf16>
    %dot_general3A_29 = arith.constant dense<0.000000e+00> : vector<512x1152xf32>
    %dot_general3A_30 = tpu.matmul %convert_element_type3A, %convert_element_type3A_28, %dot_general3A_29 {dimension_numbers = #tpu.dot_dimension_numbers<[1], [1], [0], [0], [0, 0, 1, 0], [], []>, transpose_lhs_hint = false} : vector<512x768xbf16>, vector<1152x768xbf16>, vector<512x1152xf32> -> vector<512x1152xf32>
    %logistic3A = arith.negf %dot_general3A_21 : vector<512x1152xf32>
    %logistic3A_31 = math.exp %logistic3A : vector<512x1152xf32>
    %logistic3A_32 = arith.constant 1.000000e+00 : f32
    %logistic3A_33 = vector.broadcast %logistic3A_32 : f32 to vector<512x1152xf32>
    %logistic3A_34 = arith.addf %logistic3A_33, %logistic3A_31 : vector<512x1152xf32>
    %logistic3A_35 = arith.divf %logistic3A_33, %logistic3A_34 : vector<512x1152xf32>
    %mul3A = arith.mulf %dot_general3A_21, %logistic3A_35 : vector<512x1152xf32>
    %mul3A_36 = arith.mulf %mul3A, %dot_general3A_30 : vector<512x1152xf32>
    %convert_element_type3A_37 = arith.truncf %mul3A_36 : vector<512x1152xf32> to vector<512x1152xbf16>
    %get3A_38 = arith.constant 0 : index
    %get3A_39 = arith.constant 0 : index
    %get3A_40 = arith.constant 0 : index
    %get3A_41 = vector.load %arg6[%get3A_38, %get3A_39, %get3A_40] : memref<1x768x1152xf32, #tpu.memory_space<vmem>>, vector<1x768x1152xf32>
    %get3A_42 = vector.shape_cast %get3A_41 : vector<1x768x1152xf32> to vector<768x1152xf32>
    %convert_element_type3A_43 = arith.truncf %get3A_42 : vector<768x1152xf32> to vector<768x1152xbf16>
    %dot_general3A_44 = arith.constant dense<0.000000e+00> : vector<512x768xf32>
    %dot_general3A_45 = tpu.matmul %convert_element_type3A_37, %convert_element_type3A_43, %dot_general3A_44 {dimension_numbers = #tpu.dot_dimension_numbers<[1], [1], [0], [0], [0, 0, 1, 0], [], []>, transpose_lhs_hint = false} : vector<512x1152xbf16>, vector<768x1152xbf16>, vector<512x768xf32> -> vector<512x768xf32>
    %mul3A_46 = arith.constant 512 : i32
    %mul3A_47 = arith.muli %get3A_1, %mul3A_46 : i32
    %iota3A = tpu.iota {dimensions = array<i32: 0>} : vector<512x1xi32>
    %add3A = vector.broadcast %mul3A_47 : i32 to vector<512x1xi32>
    %add3A_48 = arith.addi %add3A, %iota3A : vector<512x1xi32>
    %ge3A = vector.broadcast %get3A_4 : i32 to vector<512x1xi32>
    %ge3A_49 = arith.cmpi sge, %add3A_48, %ge3A : vector<512x1xi32>
    %lt3A = vector.broadcast %get3A_7 : i32 to vector<512x1xi32>
    %lt3A_50 = arith.cmpi slt, %add3A_48, %lt3A : vector<512x1xi32>
    %and3A = arith.andi %ge3A_49, %lt3A_50 : vector<512x1xi1>
    %jit3A = arith.constant 0.000000e+00 : f32
    %broadcast_in_dim3A = vector.shape_cast %and3A : vector<512x1xi1> to vector<512x1xi1>
    %broadcast_in_dim3A_51 = vector.broadcast %broadcast_in_dim3A : vector<512x1xi1> to vector<512x768xi1>
    %broadcast_in_dim3A_52 = vector.broadcast %jit3A : f32 to vector<512x768xf32>
    %select_n3A = arith.select %broadcast_in_dim3A_51, %dot_general3A_45, %broadcast_in_dim3A_52 : vector<512x768xi1>, vector<512x768xf32>
    %eq3A = arith.constant 1 : i32
    %eq3A_53 = arith.cmpi eq, %get3A_10, %eq3A : i32
    %eq3A_54 = arith.constant 0 : i32
    %eq3A_55 = arith.cmpi eq, %arg1, %eq3A_54 : i32
    %and3A_56 = arith.andi %eq3A_53, %eq3A_55 : i1
    %convert_element_type3A_57 = arith.extui %and3A_56 : i1 to i32
    %cond3A = arith.constant 0 : i32
    %cond3A_58 = arith.cmpi ne, %convert_element_type3A_57, %cond3A : i32
    scf.if %cond3A_58 {
      %swap3A = arith.constant 0 : index
      %swap3A_65 = arith.constant 0 : index
      %swap3A_66 = vector.load %arg7[%swap3A, %swap3A_65] : memref<512x768xf32, #tpu.memory_space<vmem>>, vector<512x768xf32>
      tpu.vector_store %arg7[%swap3A, %swap3A_65], %select_n3A {strides = array<i32>} : memref<512x768xf32, #tpu.memory_space<vmem>>, vector<512x768xf32>,
    } else {
    }
    %eq3A_59 = arith.constant 0 : i32
    %eq3A_60 = arith.cmpi eq, %get3A_10, %eq3A_59 : i32
    %ne3A = arith.constant 0 : i32
    %ne3A_61 = arith.cmpi ne, %arg1, %ne3A : i32
    %or3A = arith.ori %eq3A_60, %ne3A_61 : i1
    %convert_element_type3A_62 = arith.extui %or3A : i1 to i32
    %cond3A_63 = arith.constant 0 : i32
    %cond3A_64 = arith.cmpi ne, %convert_element_type3A_62, %cond3A_63 : i32
    scf.if %cond3A_64 {
      %get3A_65 = arith.constant 0 : index
      %get3A_66 = arith.constant 0 : index
      %get3A_67 = vector.load %arg7[%get3A_65, %get3A_66] : memref<512x768xf32, #tpu.memory_space<vmem>>, vector<512x768xf32>
      %add3A_68 = arith.addf %get3A_67, %select_n3A : vector<512x768xf32>
      %swap3A = arith.constant 0 : index
      %swap3A_69 = arith.constant 0 : index
      %swap3A_70 = vector.load %arg7[%swap3A, %swap3A_69] : memref<512x768xf32, #tpu.memory_space<vmem>>, vector<512x768xf32>
      tpu.vector_store %arg7[%swap3A, %swap3A_69], %add3A_68 {strides = array<i32>} : memref<512x768xf32, #tpu.memory_space<vmem>>, vector<512x768xf32>,
    } else {
    }
    return
  }
  func.func @transform_0(%arg0: i32, %arg1: i32, %arg2: memref<5x15xi32, #tpu.memory_space<smem>>) -> (i32, i32) {
    %get3A = arith.constant 0 : index
    %get3A_0 = arith.index_cast %arg0 : i32 to index
    %get3A_1 = memref.load %arg2[%get3A, %get3A_0] : memref<5x15xi32, #tpu.memory_space<smem>>
    %c0_i32 = arith.constant 0 : i32
    %c0_i32_2 = arith.constant 0 : i32
    return %get3A_1, %c0_i32 : i32, i32
  }
  func.func @transform_1(%arg0: i32, %arg1: i32, %arg2: memref<5x15xi32, #tpu.memory_space<smem>>) -> (i32, i32, i32, i32) {
    %get3A = arith.constant 1 : index
    %get3A_0 = arith.index_cast %arg0 : i32 to index
    %get3A_1 = memref.load %arg2[%get3A, %get3A_0] : memref<5x15xi32, #tpu.memory_space<smem>>
    %c0_i32 = arith.constant 0 : i32
    %c0_i32_2 = arith.constant 0 : i32
    %c0_i32_3 = arith.constant 0 : i32
    return %get3A_1, %arg1, %c0_i32, %c0_i32_2 : i32, i32, i32, i32
  }
  func.func @transform_2(%arg0: i32, %arg1: i32, %arg2: memref<5x15xi32, #tpu.memory_space<smem>>) -> (i32, i32, i32, i32) {
    %get3A = arith.constant 1 : index
    %get3A_0 = arith.index_cast %arg0 : i32 to index
    %get3A_1 = memref.load %arg2[%get3A, %get3A_0] : memref<5x15xi32, #tpu.memory_space<smem>>
    %add3A = arith.constant 2 : i32
    %add3A_2 = arith.addi %arg1, %add3A : i32
    %c0_i32 = arith.constant 0 : i32
    %c0_i32_3 = arith.constant 0 : i32
    %c0_i32_4 = arith.constant 0 : i32
    return %get3A_1, %add3A_2, %c0_i32, %c0_i32_3 : i32, i32, i32, i32
  }
  func.func @transform_3(%arg0: i32, %arg1: i32, %arg2: memref<5x15xi32, #tpu.memory_space<smem>>) -> (i32, i32, i32) {
    %get3A = arith.constant 1 : index
    %get3A_0 = arith.index_cast %arg0 : i32 to index
    %get3A_1 = memref.load %arg2[%get3A, %get3A_0] : memref<5x15xi32, #tpu.memory_space<smem>>
    %c0_i32 = arith.constant 0 : i32
    %c0_i32_2 = arith.constant 0 : i32
    return %get3A_1, %c0_i32, %arg1 : i32, i32, i32
  }
  func.func @transform_4(%arg0: i32, %arg1: i32, %arg2: memref<5x15xi32, #tpu.memory_space<smem>>) -> (i32, i32) {
    %get3A = arith.constant 0 : index
    %get3A_0 = arith.index_cast %arg0 : i32 to index
    %get3A_1 = memref.load %arg2[%get3A, %get3A_0] : memref<5x15xi32, #tpu.memory_space<smem>>
    %c0_i32 = arith.constant 0 : i32
    %c0_i32_2 = arith.constant 0 : i32
    return %get3A_1, %c0_i32 : i32, i32
  }
}

</mosaic_0001>

<sc_bundles>
// kernel: kernel.6.cloned.1.call-start
scs
__scs_entry_jumppad:
0x0: {  	(pc) =	sbr.rel $0x88, $3  }
0x1: {  	(tag) =	ssettag $0x0;
	lr =	simm.s32 $0x1  }
0x2: {  	[smem:$0x3F9B] =	sst lr;
	_ =	strace $0xD0000000  }
0x3: {  	_ = 	snop  }
0x4: {  	_ = 	snop  }
0x5: {  	_ = 	snop  }
0x6: {  	_ = 	snop  }
0x7: {  	_ = 	snop  }
__scs_overlays_trampoline_lowered:
0x8: {  	[smem:$0x3FAA] =	sst s0  }
0x9: {  	[smem:$0x3FAB] =	sst s1  }
0xa: {  	[smem:$0x3FAC] =	sst s2  }
0xb: {  	[smem:$0x3FAD] =	sst s3  }
0xc: {  	[smem:$0x3FAE] =	sst s4  }
0xd: {  	[smem:$0x3FAF] =	sst s5  }
0xe: {  	[smem:$0x3FB0] =	sst s6  }
0xf: {  	[smem:$0x3FB1] =	sst s7  }
0x10: {  	[smem:$0x3FB2] =	sst s8  }
0x11: {  	[smem:$0x3FB3] =	sst s9;
	s0 =	simm.s32 @!p0 $0x0  }
0x12: {  	s1 =	sld [smem:$0x3F99];
	s0 =	simm.s32 @p0 $0x1  }
0x13: {  	[smem:$0x3FB4] =	sst s0;
	s0 =	simm.s32 @!p1 $0x0  }
0x14: {  	s2 =	sld [smem:$0x3F98];
	s0 =	simm.s32 @p1 $0x1  }
0x15: {  	[smem:$0x3FB5] =	sst s0;
	s0 =	simm.s32 @!p2 $0x0  }
0x16: {  	s3 =	sld [smem:$0x3FDB];
	s0 =	simm.s32 @p2 $0x1  }
0x17: {  	s4 =	simm.s32 $0x1BF5;
	[smem:$0x3FB7] =	sst s0  }
0x18: {  	s0 =	sld [smem:$0x3F9A];
	_ =	swait.ge [sflag:s4], $0x0  }
0x19: {  	s7 =	sld [smem:$0x3F9B]  }
0x1a: {  	s8 =	sadd.s32 $0xFFFFE003, lr  }
0x1b: {  	s9 =	sadd.s32 $0xFFFFFEF7, lr;
	s5 =	simm.s32 $0xFFFFFFFF;
	p2 =	slt.u32 s8, $0xFFFFF086  }
0x1c: {  	p1 =	slt.u32 s9, $0xF7A;
	s5 =	simm.s32 @!p2 $0x0  }
0x1d: {  	s5 =	simm.s32 @p1 $0x1;
	p0 =	seq.s32 s7, s2  }
0x1e: {  	s7 =	smul.u32 @!p0 $0xF7A, s2;
	p2 =	seq.s32 @!p0 s5, $0x0  }
0x1f: {  	s9 =	smul.u32 $0xF7A, s1;
	s8 =	simm.s32 @!p0 $0x1BF5;
	p2 =	por !p2, p0  }
0x20: {  	[sflag:s8] =	ssyncset.s32 @!p0 $0xFFFFF086;
	s6 =	sadd.s32 @!p0 s3, s7;
	s7 =	simm.s32 @!p0 $0x108  }
0x21: {  	s3 =	sadd.s32 s3, s9;
	s6 =	sadd.s32 @!p0 $0x88, s6;
	s7 =	simm.s32 @p2 $0x1082  }
0x22: {  	[simem:s7], [sflag:s8] =	dma.local @!p0 [hbm:s6], $0xF7A  }
0x23: {  	s9 =	sor.u32 $0xD0000000, s2;
	s6 =	simm.s32 $0x108;
	_ =	swait.ge @!p0 [sflag:s8], $0x0  }
0x24: {  	s3 =	sadd.s32 $0x88, s3;
	s6 =	simm.s32 @!p1 $0x1082;
	[sflag:s4] =	ssyncset.s32 $0xFFFFF086  }
0x25: {  	[simem:s6], [sflag:s4] =	dma.local [hbm:s3], $0xF7A  }
0x26: {  	[smem:$0x3F9B] =	sst s1;
	(tag) =	ssettag s2;
	_ =	strace s9  }
0x27: {  	s1 =	sld [smem:$0x3FAB]  }
0x28: {  	s2 =	sld [smem:$0x3FAC]  }
0x29: {  	s4 =	sld [smem:$0x3FAE]  }
0x2a: {  	p0 =	seq.s32 s5, $0x0;
	s5 =	sld [smem:$0x3FAF]  }
0x2b: {  	s6 =	sld [smem:$0x3FB0]  }
0x2c: {  	s7 =	sld [smem:$0x3FB1]  }
0x2d: {  	s3 =	simm.s32 $0x108;
	s8 =	sld [smem:$0x3FB2]  }
0x2e: {  	s3 =	simm.s32 @!p0 $0x1082;
	s9 =	sld [smem:$0x3FB3]  }
0x2f: {  	lr =	sadd.s32 s0, s3;
	s0 =	sld [smem:$0x3FAA]  }
0x30: {  	s3 =	sld [smem:$0x3FAD]  }
0x31: {  	[smem:$0x3FB6] =	sst s10  }
0x32: {  	s10 =	sld [smem:$0x3FB4];
	_ =	sdelay $0x3  }
0x33: {  	p0 =	seq.s32 s10, $0x1;
	s10 =	sld [smem:$0x3FB6];
	_ =	sdelay $0x3  }
0x34: {  	[smem:$0x3FB6] =	sst s10  }
0x35: {  	s10 =	sld [smem:$0x3FB5];
	_ =	sdelay $0x3  }
0x36: {  	p1 =	seq.s32 s10, $0x1;
	s10 =	sld [smem:$0x3FB6];
	_ =	sdelay $0x3  }
0x37: {  	[smem:$0x3FB6] =	sst s10  }
0x38: {  	s10 =	sld [smem:$0x3FB7]  }
0x39: {  	_ = 	snop;
	(pc) =	sbr.ind lr, $3  }
0x3a: {  	_ = 	snop  }
0x3b: {  	_ = 	snop  }
0x3c: {  	p2 =	seq.s32 s10, $0x1;
	s10 =	sld [smem:$0x3FB6]  }
0x3d: {  	_ =	shalt  }
0x3e: {  	_ =	shalt  }
0x3f: {  	_ =	shalt  }
0x40: {  	_ =	shalt  }
0x41: {  	_ =	shalt  }
0x42: {  	_ =	shalt  }
0x43: {  	_ =	shalt  }
0x44: {  	_ =	shalt  }
0x45: {  	_ =	shalt  }
0x46: {  	_ =	shalt  }
0x47: {  	_ =	shalt  }
0x48: {  	_ =	shalt  }
0x49: {  	_ =	shalt  }
0x4a: {  	_ =	shalt  }
0x4b: {  	_ =	shalt  }
0x4c: {  	_ =	shalt  }
0x4d: {  	_ =	shalt  }
0x4e: {  	_ =	shalt  }
0x4f: {  	_ =	shalt  }
0x50: {  	_ =	shalt  }
0x51: {  	_ =	shalt  }
0x52: {  	_ =	shalt  }
0x53: {  	_ =	shalt  }
0x54: {  	_ =	shalt  }
0x55: {  	_ =	shalt  }
0x56: {  	_ =	shalt  }
0x57: {  	_ =	shalt  }
0x58: {  	_ =	shalt  }
0x59: {  	_ =	shalt  }
0x5a: {  	_ =	shalt  }
0x5b: {  	_ =	shalt  }
0x5c: {  	_ =	shalt  }
0x5d: {  	_ =	shalt  }
0x5e: {  	_ =	shalt  }
0x5f: {  	_ =	shalt  }
0x60: {  	_ =	shalt  }
0x61: {  	_ =	shalt  }
0x62: {  	_ =	shalt  }
0x63: {  	_ =	shalt  }
0x64: {  	_ =	shalt  }
0x65: {  	_ =	shalt  }
0x66: {  	_ =	shalt  }
0x67: {  	_ =	shalt  }
0x68: {  	_ =	shalt  }
0x69: {  	_ =	shalt  }
0x6a: {  	_ =	shalt  }
0x6b: {  	_ =	shalt  }
0x6c: {  	_ =	shalt  }
0x6d: {  	_ =	shalt  }
0x6e: {  	_ =	shalt  }
0x6f: {  	_ =	shalt  }
0x70: {  	_ =	shalt  }
0x71: {  	_ =	shalt  }
0x72: {  	_ =	shalt  }
0x73: {  	_ =	shalt  }
0x74: {  	_ =	shalt  }
0x75: {  	_ =	shalt  }
0x76: {  	_ =	shalt  }
0x77: {  	_ =	shalt  }
0x78: {  	_ =	shalt  }
0x79: {  	_ =	shalt  }
0x7a: {  	_ =	shalt  }
0x7b: {  	_ =	shalt  }
0x7c: {  	_ =	shalt  }
0x7d: {  	_ =	shalt  }
0x7e: {  	_ =	shalt  }
0x7f: {  	_ =	shalt  }
0x80: {  	_ =	shalt  }
0x81: {  	_ =	shalt  }
0x82: {  	_ =	shalt  }
0x83: {  	_ =	shalt  }
0x84: {  	_ =	shalt  }
0x85: {  	_ =	shalt  }
0x86: {  	_ =	shalt  }
0x87: {  	_ =	shalt  }
.Lfunc_end0:
.L_simem_size_0:
called_computation_lowered:
.L_overlay_start_0:
0x88: {  	s2 =	sld [smem:$0x3FD9]  }
0x89: {  	s3 =	sld [smem:$0x3FFE];
	_ =	sdelay $0x1  }
0x8a: {  	s1 =	srdreg.scid  }
0x8b: {  	s0 =	sand.u32 $0x1, s1  }
0x8c: {  	s17 =	sshll.u32 s0, $0xA;
	s2 =	sadd.s32 s3, s2  }
0x8d: {  	s2 =	sadd.s32 s2, s17  }
0x8e: {  	[smem:$0x3FC2] =	sst s2  }
0x8f: {  	_ = 	snop  }
0x90: {  	s2 =	sld [smem:$0x3FD0];
	(tm) =	ssettm $0x1  }
0x91: {  	s18 =	sld [smem:$0x3FFB];
	_ =	sdelay $0x3  }
0x92: {  	_ =	strace s18  }
0x93: {  	s3 =	sld [smem:$0x3FFC];
	_ =	sdelay $0x3  }
0x94: {  	_ =	strace s3  }
0x95: {  	s3 =	sld [smem:$0x3FFD];
	_ =	sdelay $0x3  }
0x96: {  	_ =	strace s3  }
0x97: {  	_ =	strace $0x8FFFFFFF  }
0x98: {  	s19 =	sld [smem:$0x3FDB];
	_ =	sdelay $0x1  }
0x99: {  	s4 =	simm.s32 $_scs_section_size  }
0x9a: {  	s5 =	simm.s32 $_size__tile_overlayer_lowered;
	s6 =	simm.s32 $_tile_overlayer_lowered  }
0x9b: {  	s22 =	simm.s32 $0x1BFF;
	s21 =	sshll.u32 s6, $0x1;
	s3 =	sadd.s32 s4, s19  }
0x9c: {  	s7 =	simm.s32 $0x0;
	s20 =	sshll.u32 s5, $0x1;
	s5 =	sadd.s32 s21, s3  }
0x9d: {  	[timem:s7], [sflag:s22] =	dma.local [hbm:s5], s20  }
0x9e: {  	_ =	swait.ge [sflag:s22], s20  }
0x9f: {  	s4 =	ssub.s32 $0x0, s20;
	[sflag:s22] =	ssyncset.done $0x0  }
0xa0: {  	[sflag:s22] =	ssyncadd.s32 s4;
	_ =	sdelay $0x1  }
0xa1: {  	s23 =	simm.s32 $0x1B8B  }
0xa2: {  	_ =	swait.ge [sflag:s23], $0x1  }
0xa3: {  	[sflag:s23] =	ssyncset.done $0x0  }
0xa4: {  	s25 =	simm.s32 $0x1B8E;
	s24 =	sld [smem:$0x3FFE];
	[sflag:s23] =	ssyncadd.s32 $0xFFFFFFFF  }
0xa5: {  	s26 =	simm.s32 $execute0_lowered;
	[smem:$0x3FD2] =	sst s25  }
0xa6: {  	s5 =	sshll.u32 s26, $0x1;
	_ =	strace $0x80000046;
	[dreg:$0x1] =	wrdreg $0xFFFFFFFF  }
0xa7: {  	s28 =	simm.s32 $_size_execute0_lowered;
	s3 =	sadd.s32 s3, s5;
	[dreg:$0x0] =	wrdreg $0x0  }
0xa8: {  	s5 =	sshll.u32 s28, $0x1;
	[dreg:$0x2] =	wrdreg s3  }
0xa9: {  	[dreg:$0x3] =	wrdreg s5  }
0xaa: {  	[dreg:$0x4] =	wrdreg $0xC0  }
0xab: {  	_ =	task [dreg:s7], $0x5FFFF  }
0xac: {  	[dreg:$0x1] =	wrdreg $0xFFFFFFFF  }
0xad: {  	[dreg:$0x0] =	wrdreg $0x60  }
0xae: {  	[dreg:$0x2] =	wrdreg s2  }
0xaf: {  	[dreg:$0x3] =	wrdreg s24  }
0xb0: {  	[dreg:$0x4] =	wrdreg $0x9  }
0xb1: {  	_ =	task.clear_ibuf [dreg:s7], $0x5FFFF;
	_ =	strace $0x90000046  }
0xb2: {  	s29 =	simm.s32 $0x9;
	_ =	strace $0x80000048  }
0xb3: {  	_ =	swait.ge [sflag:s29], $0x1  }
0xb4: {  	[sflag:s29] =	ssyncadd.s32 $0xFFFFFFFF  }
0xb5: {  	_ =	strace $0x90000048  }
0xb6: {  	_ =	sfence  }
0xb7: {  	s30 =	sld [smem:$0x0];
	_ =	sdelay $0x2  }
0xb8: {  	s31 =	sshll.u32 s1, $0xD;
	s1 =	sshrl.u32 s1, $0x2  }
0xb9: {  	s3 =	sand.u32 $0x4000, s31;
	s1 =	sadd.s32 s1, s30  }
0xba: {  	s0 =	sor.u32 s3, s0;
	s1 =	sshll.u32 s1, $0x11  }
0xbb: {  	s0 =	sor.u32 s1, s0  }
0xbc: {  	s0 =	sadd.s32 $0x8F2B, s0  }
0xbd: {  	[sflag:s0] =	ssyncadd.remote.s32 $0x1  }
0xbe: {  	_ =	sfence.sel $0xFFFF  }
0xbf: {  	[dreg:$0x0] =	wrdreg $0xFFFFFFFF;
	(pc) =	sbr.abs _section_cstart, $3  }
0xc0: {  	[dreg:$0x1] =	wrdreg $0xFFFFFFFF  }
0xc1: {  	_ =	task.clear_ibuf [dreg:s7], $0x2FFFF;
	_ =	strace $0x9FFFFFFF  }
0xc2: {  	(tm) =	ssettm $0x7FFFFFFF  }
0xc3: {  	_ =	shalt  }
tec
execute0_lowered:
.L_overlay_start_1:
0x0: {  	(tag) =	ssettag $0x1  }
0x1: {  	s0 =	rddreg [dreg:$0x0]  }
0x2: {  	s1 =	rddreg [dreg:$0x1]  }
0x3: {  	s2 =	srdreg.scid;
	s3 =	stileid.u32  }
0x4: {  	s26 =	simm.s32 $0x80;
	s8 =	simm.s32 $0x100;
	s11 =	simm.s32 $0x1900  }
0x5: {  	s12 =	simm.s32 $0x2100;
	s13 =	simm.s32 $0x2900;
	s14 =	simm.s32 $0x3100  }
0x6: {  	s15 =	simm.s32 $0x3900;
	s16 =	simm.s32 $0x4100;
	s17 =	simm.s32 $0x4900  }
0x7: {  	s18 =	simm.s32 $0x5100;
	s19 =	simm.s32 $0x5900;
	s20 =	simm.s32 $0x6100  }
0x8: {  	s21 =	simm.s32 $0x6900;
	s22 =	simm.s32 $0x7100;
	s23 =	simm.s32 $0x7900  }
0x9: {  	s28 =	simm.s32 $0x9900;
	s29 =	simm.s32 $0xA100;
	s30 =	simm.s32 $0xA900  }
0xa: {  	s31 =	simm.s32 $0xB100;
	s4 =	sand.u32 $0x1, s2;
	s2 =	simm.s32 $0x0  }
0xb: {  	s3 =	sshll.u32 s3, $0x4;
	s5 =	sshll.u32 s4, $0x3;
	[smem:$0x7FF] =	sst s2  }
0xc: {  	s4 =	ssub.s32 $0x2, s4;
	s5 =	sor.u32 s5, s3;
	_ =	strace $0x80000047  }
0xd: {  	s3 =	sadd.s32 $0x1000, s1;
	s24 =	sshrl.u32 s4, $0x1;
	[dreg:$0x6] =	wrdreg s26  }
0xe: {  	s26 =	simm.s32 $0x9100;
	s6 =	sadd.s32 s5, s1;
	s5 =	smul.u32 $0x300, s5  }
0xf: {  	s25 =	ssub.s32 s4, s24;
	s4 =	sadd.s32 $0x1100, s1;
	s7 =	sadd.s32 $0xE00, s6  }
0x10: {  	s24 =	simm.s32 $0x8100;
	s6 =	sadd.s32 $0xC00, s6;
	[dreg:$0x3] =	wrdreg s7  }
0x11: {  	v2 =	vlaneseq.u32;
	[dreg:$0x4] =	wrdreg s6;
	s0 =	sadd.s32 s0, s5;
	s5 =	sadd.s32 $0x1200, s1  }
0x12: {  	vm0 =	vmmov $0xffff;
	v1 =	vshrl.u32 v2, $0x3;
	s6 =	smax.u32 s25, $0x1;
	s7 =	simm.s32 $0x2;
	s25 =	simm.s32 $0x8900  }
0x13: {  	v0 =	vand.u32 $0x7, v2;
	v2 =	vor.u32 $0x8, v2;
	v1 =	vmul.u32 $0x8, v1;
	s1 =	simm.s32 $0x1;
	[dreg:$0x5] =	wrdreg s0;
	s0 =	simm.s32 $0xB900  }
.LBB2_1:
0x14: {  	s9 =	rddreg [dreg:$0x3]  }
0x15: {  	[tilespmem:s2], [sflag:$0x2] =	stream.linear.gather [hbm4b:s9+s2], $0x40, $0x38;
	[tilespmem:$0xC100] =	vst v63  }
0x16: {  	_ =	swait.ge [sflag:s7], $0x40  }
0x17: {  	s9 =	rddreg [dreg:$0x4];
	[sflag:s7] =	ssyncset.done $0x0  }
0x18: {  	s10 =	rddreg [dreg:$0x6];
	[sflag:s7] =	ssyncadd.s32 $0xFFFFFFC0  }
0x19: {  	[tilespmem:s10], [sflag:$0x2] =	stream.linear.gather [hbm4b:s9+s2], $0x40, $0x38;
	[tilespmem:$0xC100] =	vst v63  }
0x1a: {  	_ =	swait.ge [sflag:s7], $0x40  }
0x1b: {  	[sflag:s7] =	ssyncset.done $0x0  }
0x1c: {  	s10 =	rddreg [dreg:$0x5];
	[sflag:s7] =	ssyncadd.s32 $0xFFFFFFC0  }
0x1d: {  	[tilespmem:s8], [sflag:$0x2] =	stream.linear.gather [hbm4b:s10+s2], $0xC000, $0x38;
	[tilespmem:$0xC100] =	vst v63  }
0x1e: {  	_ =	swait.ge [sflag:s7], $0xC000  }
0x1f: {  	[sflag:s7] =	ssyncset.done $0x0  }
0x20: {  	[sflag:s7] =	ssyncadd.s32 $0xFFFF4000  }
0x21: {  	v3 =	vld [tilespmem:$0x0];
	_ =	sdelay $0x4  }
0x22: {  	v4 =	vshrl.u32 v3, $0x3  }
0x23: {  	v4 =	vmul.u32 $0x30, v4  }
0x24: {  	v3 =	vand.u32 $0x7, v3  }
0x25: {  	v3 =	vor.u32 v3, v4  }
0x26: {  	v4 =	vperm.xlane v3, v0;
	_ =	sdelay $0x1  }
0x27: {  	v4 =	vadd.s32 v1, v4;
	_ =	sdelay $0x3  }
0x28: {  	v3 =	vperm.xlane v3, v2  }
0x29: {  	[hbm4b:s3+s2] =	stream.indirect_vreg.scatter [tilespmem:s8], [sflag:$0x1], $0x80, v4, vm0, $0xb8;
	[tilespmem:$0xC100] =	vst v63  }
0x2a: {  	s9 =	simm.s32 $0x900;
	v3 =	vadd.s32 v1, v3  }
0x2b: {  	[hbm4b:s4+s2] =	stream.indirect_vreg.scatter [tilespmem:s9], [sflag:$0x1], $0x80, v4, vm0, $0xb8;
	[tilespmem:$0xC100] =	vst v63  }
0x2c: {  	s10 =	simm.s32 $0x1100  }
0x2d: {  	[hbm4b:s5+s2] =	stream.indirect_vreg.scatter [tilespmem:s10], [sflag:$0x1], $0x80, v4, vm0, $0xb8;
	[tilespmem:$0xC100] =	vst v63  }
0x2e: {  	_ = 	snop  }
0x2f: {  	[hbm4b:s3+s2] =	stream.indirect_vreg.scatter [tilespmem:s11], [sflag:$0x1], $0x80, v3, vm0, $0xb8;
	[tilespmem:$0xC100] =	vst v63  }
0x30: {  	_ = 	snop  }
0x31: {  	[hbm4b:s4+s2] =	stream.indirect_vreg.scatter [tilespmem:s12], [sflag:$0x1], $0x80, v3, vm0, $0xb8;
	[tilespmem:$0xC100] =	vst v63  }
0x32: {  	_ = 	snop  }
0x33: {  	[hbm4b:s5+s2] =	stream.indirect_vreg.scatter [tilespmem:s13], [sflag:$0x1], $0x80, v3, vm0, $0xb8;
	[tilespmem:$0xC100] =	vst v63  }
0x34: {  	v3 =	vld [tilespmem:$0x10];
	_ =	sdelay $0x4  }
0x35: {  	v57 =	vshrl.u32 v3, $0x3  }
0x36: {  	v4 =	vmul.u32 $0x30, v57  }
0x37: {  	v3 =	vand.u32 $0x7, v3  }
0x38: {  	v3 =	vor.u32 v3, v4  }
0x39: {  	v4 =	vperm.xlane v3, v0;
	_ =	sdelay $0x1  }
0x3a: {  	v4 =	vadd.s32 v1, v4;
	_ =	sdelay $0x3  }
0x3b: {  	v3 =	vperm.xlane v3, v2  }
0x3c: {  	[hbm4b:s3+s2] =	stream.indirect_vreg.scatter [tilespmem:s14], [sflag:$0x1], $0x80, v4, vm0, $0xb8;
	[tilespmem:$0xC100] =	vst v63  }
0x3d: {  	v3 =	vadd.s32 v1, v3  }
0x3e: {  	[hbm4b:s4+s2] =	stream.indirect_vreg.scatter [tilespmem:s15], [sflag:$0x1], $0x80, v4, vm0, $0xb8;
	[tilespmem:$0xC100] =	vst v63  }
0x3f: {  	_ = 	snop  }
0x40: {  	[hbm4b:s5+s2] =	stream.indirect_vreg.scatter [tilespmem:s16], [sflag:$0x1], $0x80, v4, vm0, $0xb8;
	[tilespmem:$0xC100] =	vst v63  }
0x41: {  	_ = 	snop  }
0x42: {  	[hbm4b:s3+s2] =	stream.indirect_vreg.scatter [tilespmem:s17], [sflag:$0x1], $0x80, v3, vm0, $0xb8;
	[tilespmem:$0xC100] =	vst v63  }
0x43: {  	_ = 	snop  }
0x44: {  	[hbm4b:s4+s2] =	stream.indirect_vreg.scatter [tilespmem:s18], [sflag:$0x1], $0x80, v3, vm0, $0xb8;
	[tilespmem:$0xC100] =	vst v63  }
0x45: {  	_ = 	snop  }
0x46: {  	[hbm4b:s5+s2] =	stream.indirect_vreg.scatter [tilespmem:s19], [sflag:$0x1], $0x80, v3, vm0, $0xb8;
	[tilespmem:$0xC100] =	vst v63  }
0x47: {  	v3 =	vld [tilespmem:$0x20];
	_ =	sdelay $0x4  }
0x48: {  	v58 =	vshrl.u32 v3, $0x3  }
0x49: {  	v4 =	vmul.u32 $0x30, v58  }
0x4a: {  	v3 =	vand.u32 $0x7, v3  }
0x4b: {  	v3 =	vor.u32 v3, v4  }
0x4c: {  	v4 =	vperm.xlane v3, v0;
	_ =	sdelay $0x1  }
0x4d: {  	v4 =	vadd.s32 v1, v4;
	_ =	sdelay $0x3  }
0x4e: {  	v3 =	vperm.xlane v3, v2  }
0x4f: {  	[hbm4b:s3+s2] =	stream.indirect_vreg.scatter [tilespmem:s20], [sflag:$0x1], $0x80, v4, vm0, $0xb8;
	[tilespmem:$0xC100] =	vst v63  }
0x50: {  	v3 =	vadd.s32 v1, v3  }
0x51: {  	[hbm4b:s4+s2] =	stream.indirect_vreg.scatter [tilespmem:s21], [sflag:$0x1], $0x80, v4, vm0, $0xb8;
	[tilespmem:$0xC100] =	vst v63  }
0x52: {  	_ = 	snop  }
0x53: {  	[hbm4b:s5+s2] =	stream.indirect_vreg.scatter [tilespmem:s22], [sflag:$0x1], $0x80, v4, vm0, $0xb8;
	[tilespmem:$0xC100] =	vst v63  }
0x54: {  	_ = 	snop  }
0x55: {  	[hbm4b:s3+s2] =	stream.indirect_vreg.scatter [tilespmem:s23], [sflag:$0x1], $0x80, v3, vm0, $0xb8;
	[tilespmem:$0xC100] =	vst v63  }
0x56: {  	_ = 	snop  }
0x57: {  	[hbm4b:s4+s2] =	stream.indirect_vreg.scatter [tilespmem:s24], [sflag:$0x1], $0x80, v3, vm0, $0xb8;
	[tilespmem:$0xC100] =	vst v63  }
0x58: {  	_ = 	snop  }
0x59: {  	[hbm4b:s5+s2] =	stream.indirect_vreg.scatter [tilespmem:s25], [sflag:$0x1], $0x80, v3, vm0, $0xb8;
	[tilespmem:$0xC100] =	vst v63  }
0x5a: {  	v3 =	vld [tilespmem:$0x30];
	_ =	sdelay $0x4  }
0x5b: {  	v59 =	vshrl.u32 v3, $0x3  }
0x5c: {  	v4 =	vmul.u32 $0x30, v59  }
0x5d: {  	v3 =	vand.u32 $0x7, v3  }
0x5e: {  	v3 =	vor.u32 v3, v4  }
0x5f: {  	v4 =	vperm.xlane v3, v0;
	_ =	sdelay $0x1  }
0x60: {  	v4 =	vadd.s32 v1, v4;
	_ =	sdelay $0x3  }
0x61: {  	v3 =	vperm.xlane v3, v2  }
0x62: {  	[hbm4b:s3+s2] =	stream.indirect_vreg.scatter [tilespmem:s26], [sflag:$0x1], $0x80, v4, vm0, $0xb8;
	[tilespmem:$0xC100] =	vst v63  }
0x63: {  	v3 =	vadd.s32 v1, v3  }
0x64: {  	[hbm4b:s4+s2] =	stream.indirect_vreg.scatter [tilespmem:s28], [sflag:$0x1], $0x80, v4, vm0, $0xb8;
	[tilespmem:$0xC100] =	vst v63  }
0x65: {  	_ = 	snop  }
0x66: {  	[hbm4b:s5+s2] =	stream.indirect_vreg.scatter [tilespmem:s29], [sflag:$0x1], $0x80, v4, vm0, $0xb8;
	[tilespmem:$0xC100] =	vst v63  }
0x67: {  	_ = 	snop  }
0x68: {  	[hbm4b:s3+s2] =	stream.indirect_vreg.scatter [tilespmem:s30], [sflag:$0x1], $0x80, v3, vm0, $0xb8;
	[tilespmem:$0xC100] =	vst v63  }
0x69: {  	_ = 	snop  }
0x6a: {  	[hbm4b:s4+s2] =	stream.indirect_vreg.scatter [tilespmem:s31], [sflag:$0x1], $0x80, v3, vm0, $0xb8;
	[tilespmem:$0xC100] =	vst v63  }
0x6b: {  	_ = 	snop  }
0x6c: {  	[hbm4b:s5+s2] =	stream.indirect_vreg.scatter [tilespmem:s0], [sflag:$0x1], $0x80, v3, vm0, $0xb8;
	[tilespmem:$0xC100] =	vst v63  }
0x6d: {  	_ =	swait.ge [sflag:s1], $0xC000  }
0x6e: {  	[sflag:s1] =	ssyncset.done $0x0  }
0x6f: {  	[sflag:s1] =	ssyncadd.s32 $0xFFFF4000  }
0x70: {  	v3 =	vld [tilespmem:$0x80];
	_ =	sdelay $0x4  }
0x71: {  	v60 =	vshrl.u32 v3, $0x3  }
0x72: {  	v4 =	vmul.u32 $0x30, v60  }
0x73: {  	v3 =	vand.u32 $0x7, v3  }
0x74: {  	v3 =	vor.u32 v3, v4  }
0x75: {  	v4 =	vperm.xlane v3, v0;
	_ =	sdelay $0x1  }
0x76: {  	v4 =	vadd.s32 v1, v4;
	_ =	sdelay $0x3  }
0x77: {  	v3 =	vperm.xlane v3, v2  }
0x78: {  	[hbm4b:s3+s2] =	stream.indirect_vreg.scatter [tilespmem:s8], [sflag:$0x1], $0x80, v4, vm0, $0xb8;
	[tilespmem:$0xC100] =	vst v63  }
0x79: {  	v3 =	vadd.s32 v1, v3  }
0x7a: {  	[hbm4b:s4+s2] =	stream.indirect_vreg.scatter [tilespmem:s9], [sflag:$0x1], $0x80, v4, vm0, $0xb8;
	[tilespmem:$0xC100] =	vst v63  }
0x7b: {  	_ = 	snop  }
0x7c: {  	[hbm4b:s5+s2] =	stream.indirect_vreg.scatter [tilespmem:s10], [sflag:$0x1], $0x80, v4, vm0, $0xb8;
	[tilespmem:$0xC100] =	vst v63  }
0x7d: {  	_ = 	snop  }
0x7e: {  	[hbm4b:s3+s2] =	stream.indirect_vreg.scatter [tilespmem:s11], [sflag:$0x1], $0x80, v3, vm0, $0xb8;
	[tilespmem:$0xC100] =	vst v63  }
0x7f: {  	_ = 	snop  }
0x80: {  	[hbm4b:s4+s2] =	stream.indirect_vreg.scatter [tilespmem:s12], [sflag:$0x1], $0x80, v3, vm0, $0xb8;
	[tilespmem:$0xC100] =	vst v63  }
0x81: {  	_ = 	snop  }
0x82: {  	[hbm4b:s5+s2] =	stream.indirect_vreg.scatter [tilespmem:s13], [sflag:$0x1], $0x80, v3, vm0, $0xb8;
	[tilespmem:$0xC100] =	vst v63  }
0x83: {  	v3 =	vld [tilespmem:$0x90];
	_ =	sdelay $0x4  }
0x84: {  	v61 =	vshrl.u32 v3, $0x3  }
0x85: {  	v4 =	vmul.u32 $0x30, v61  }
0x86: {  	v3 =	vand.u32 $0x7, v3  }
0x87: {  	v3 =	vor.u32 v3, v4  }
0x88: {  	v4 =	vperm.xlane v3, v0;
	_ =	sdelay $0x1  }
0x89: {  	v4 =	vadd.s32 v1, v4;
	_ =	sdelay $0x3  }
0x8a: {  	v3 =	vperm.xlane v3, v2  }
0x8b: {  	[hbm4b:s3+s2] =	stream.indirect_vreg.scatter [tilespmem:s14], [sflag:$0x1], $0x80, v4, vm0, $0xb8;
	[tilespmem:$0xC100] =	vst v63  }
0x8c: {  	v3 =	vadd.s32 v1, v3  }
0x8d: {  	[hbm4b:s4+s2] =	stream.indirect_vreg.scatter [tilespmem:s15], [sflag:$0x1], $0x80, v4, vm0, $0xb8;
	[tilespmem:$0xC100] =	vst v63  }
0x8e: {  	_ = 	snop  }
0x8f: {  	[hbm4b:s5+s2] =	stream.indirect_vreg.scatter [tilespmem:s16], [sflag:$0x1], $0x80, v4, vm0, $0xb8;
	[tilespmem:$0xC100] =	vst v63  }
0x90: {  	_ = 	snop  }
0x91: {  	[hbm4b:s3+s2] =	stream.indirect_vreg.scatter [tilespmem:s17], [sflag:$0x1], $0x80, v3, vm0, $0xb8;
	[tilespmem:$0xC100] =	vst v63  }
0x92: {  	_ = 	snop  }
0x93: {  	[hbm4b:s4+s2] =	stream.indirect_vreg.scatter [tilespmem:s18], [sflag:$0x1], $0x80, v3, vm0, $0xb8;
	[tilespmem:$0xC100] =	vst v63  }
0x94: {  	_ = 	snop  }
0x95: {  	[hbm4b:s5+s2] =	stream.indirect_vreg.scatter [tilespmem:s19], [sflag:$0x1], $0x80, v3, vm0, $0xb8;
	[tilespmem:$0xC100] =	vst v63  }
0x96: {  	v3 =	vld [tilespmem:$0xA0];
	_ =	sdelay $0x4  }
0x97: {  	v62 =	vshrl.u32 v3, $0x3  }
0x98: {  	v4 =	vmul.u32 $0x30, v62  }
0x99: {  	v3 =	vand.u32 $0x7, v3  }
0x9a: {  	v3 =	vor.u32 v3, v4  }
0x9b: {  	v4 =	vperm.xlane v3, v0;
	_ =	sdelay $0x1  }
0x9c: {  	v4 =	vadd.s32 v1, v4;
	_ =	sdelay $0x3  }
0x9d: {  	v3 =	vperm.xlane v3, v2  }
0x9e: {  	[hbm4b:s3+s2] =	stream.indirect_vreg.scatter [tilespmem:s20], [sflag:$0x1], $0x80, v4, vm0, $0xb8;
	[tilespmem:$0xC100] =	vst v63  }
0x9f: {  	v3 =	vadd.s32 v1, v3  }
0xa0: {  	[hbm4b:s4+s2] =	stream.indirect_vreg.scatter [tilespmem:s21], [sflag:$0x1], $0x80, v4, vm0, $0xb8;
	[tilespmem:$0xC100] =	vst v63  }
0xa1: {  	_ = 	snop  }
0xa2: {  	[hbm4b:s5+s2] =	stream.indirect_vreg.scatter [tilespmem:s22], [sflag:$0x1], $0x80, v4, vm0, $0xb8;
	[tilespmem:$0xC100] =	vst v63  }
0xa3: {  	_ = 	snop  }
0xa4: {  	[hbm4b:s3+s2] =	stream.indirect_vreg.scatter [tilespmem:s23], [sflag:$0x1], $0x80, v3, vm0, $0xb8;
	[tilespmem:$0xC100] =	vst v63  }
0xa5: {  	_ = 	snop  }
0xa6: {  	[hbm4b:s4+s2] =	stream.indirect_vreg.scatter [tilespmem:s24], [sflag:$0x1], $0x80, v3, vm0, $0xb8;
	[tilespmem:$0xC100] =	vst v63  }
0xa7: {  	_ = 	snop  }
0xa8: {  	[hbm4b:s5+s2] =	stream.indirect_vreg.scatter [tilespmem:s25], [sflag:$0x1], $0x80, v3, vm0, $0xb8;
	[tilespmem:$0xC100] =	vst v63  }
0xa9: {  	v3 =	vld [tilespmem:$0xB0];
	_ =	sdelay $0x4  }
0xaa: {  	v63 =	vshrl.u32 v3, $0x3  }
0xab: {  	v4 =	vmul.u32 $0x30, v63  }
0xac: {  	v3 =	vand.u32 $0x7, v3  }
0xad: {  	v3 =	vor.u32 v3, v4  }
0xae: {  	v4 =	vperm.xlane v3, v0;
	_ =	sdelay $0x1  }
0xaf: {  	v4 =	vadd.s32 v1, v4;
	_ =	sdelay $0x3  }
0xb0: {  	v3 =	vperm.xlane v3, v2  }
0xb1: {  	[hbm4b:s3+s2] =	stream.indirect_vreg.scatter [tilespmem:s26], [sflag:$0x1], $0x80, v4, vm0, $0xb8;
	[tilespmem:$0xC100] =	vst v63  }
0xb2: {  	v3 =	vadd.s32 v1, v3  }
0xb3: {  	[hbm4b:s4+s2] =	stream.indirect_vreg.scatter [tilespmem:s28], [sflag:$0x1], $0x80, v4, vm0, $0xb8;
	[tilespmem:$0xC100] =	vst v63  }
0xb4: {  	_ = 	snop  }
0xb5: {  	[hbm4b:s5+s2] =	stream.indirect_vreg.scatter [tilespmem:s29], [sflag:$0x1], $0x80, v4, vm0, $0xb8;
	[tilespmem:$0xC100] =	vst v63  }
0xb6: {  	_ = 	snop  }
0xb7: {  	[hbm4b:s3+s2] =	stream.indirect_vreg.scatter [tilespmem:s30], [sflag:$0x1], $0x80, v3, vm0, $0xb8;
	[tilespmem:$0xC100] =	vst v63  }
0xb8: {  	p0 =	sne.s32 s6, $0x1  }
0xb9: {  	[hbm4b:s4+s2] =	stream.indirect_vreg.scatter [tilespmem:s31], [sflag:$0x1], $0x80, v3, vm0, $0xb8;
	[tilespmem:$0xC100] =	vst v63  }
.Ltmp0:
0xba: {  	_ = 	snop;
	(pc) =	sbr.rel @p0 .LBB2_1-.Ltmp0, $4  }
0xbb: {  	[hbm4b:s5+s2] =	stream.indirect_vreg.scatter [tilespmem:s0], [sflag:$0x1], $0x80, v3, vm0, $0xb8;
	[tilespmem:$0xC100] =	vst v63  }
0xbc: {  	_ =	swait.ge [sflag:s1], $0xC000  }
0xbd: {  	[sflag:s1] =	ssyncset.done $0x0  }
0xbe: {  	s6 =	sadd.s32 $0xFFFFFFFF, s6;
	[sflag:s1] =	ssyncadd.s32 $0xFFFF4000  }
0xbf: {  	_ =	sfence.sel $0x180000  }
0xc0: {  	[bflag:$0x0] =	sbarrier.arrive $0xFFFF  }
0xc1: {  	_ =	strace $0x90000047  }
0xc2: {  	s0 =	stileid.u32;
	[bflag:$0x2] =	sbarrier.arrive $0xFFFF  }
0xc3: {  	p0 =	sne.s32 s0, $0x0;
	s0 =	rddreg [dreg:$0x2]  }
0xc4: {  	s0 =	sadd.s32 @!p0 $0x100000, s0  }
0xc5: {  	[sflag:s0] =	ssyncadd.tile.s32 @!p0 $0x1;
	_ =	shalt  }
.Lfunc_end2:
_tile_overlayer_lowered:
.L_overlay_start_2:
0xc6: {  	(tag) =	ssettag $0x2  }
0xc7: {  	s0 =	rddreg [dreg:$0x0];
	s2 =	stileid.u32  }
0xc8: {  	s1 =	rddreg [dreg:$0x1];
	p0 =	sne.s32 s2, $0x0  }
0xc9: {  	s3 =	rddreg [dreg:$0x2];
	[bflag:$0x3] =	sbarrier.arrive $0xFFFF;
	s2 =	simm.s32 @!p0 $0x1C02  }
0xca: {  	[timem:s3], [sflag:s2] =	dma.local @!p0 [hbm:s0], s1  }
0xcb: {  	s0 =	simm.s32 @!p0 $0x2  }
0xcc: {  	_ =	swait.ge @!p0 [sflag:s0], s1  }
0xcd: {  	s1 =	ssub.s32 @!p0 $0x0, s1;
	[sflag:s0] =	ssyncset.done @!p0 $0x0  }
0xce: {  	[sflag:s0] =	ssyncadd.s32 @!p0 s1  }
0xcf: {  	[bflag:$0x3] =	sbarrier.arrive $0xFFFF  }
0xd0: {  	_ =	shalt  }

// kernel: kernel.9.cloned.1.call-start
scs
__scs_entry_jumppad:
0x0: {  	(pc) =	sbr.rel $0x88, $3  }
0x1: {  	(tag) =	ssettag $0x0;
	lr =	simm.s32 $0x1  }
0x2: {  	[smem:$0x3F9B] =	sst lr;
	_ =	strace $0xD0000000  }
0x3: {  	_ = 	snop  }
0x4: {  	_ = 	snop  }
0x5: {  	_ = 	snop  }
0x6: {  	_ = 	snop  }
0x7: {  	_ = 	snop  }
__scs_overlays_trampoline_lowered:
0x8: {  	[smem:$0x3FAA] =	sst s0  }
0x9: {  	[smem:$0x3FAB] =	sst s1  }
0xa: {  	[smem:$0x3FAC] =	sst s2  }
0xb: {  	[smem:$0x3FAD] =	sst s3  }
0xc: {  	[smem:$0x3FAE] =	sst s4  }
0xd: {  	[smem:$0x3FAF] =	sst s5  }
0xe: {  	[smem:$0x3FB0] =	sst s6  }
0xf: {  	[smem:$0x3FB1] =	sst s7  }
0x10: {  	[smem:$0x3FB2] =	sst s8  }
0x11: {  	[smem:$0x3FB3] =	sst s9;
	s0 =	simm.s32 @!p0 $0x0  }
0x12: {  	s1 =	sld [smem:$0x3F99];
	s0 =	simm.s32 @p0 $0x1  }
0x13: {  	[smem:$0x3FB4] =	sst s0;
	s0 =	simm.s32 @!p1 $0x0  }
0x14: {  	s2 =	sld [smem:$0x3F98];
	s0 =	simm.s32 @p1 $0x1  }
0x15: {  	[smem:$0x3FB5] =	sst s0;
	s0 =	simm.s32 @!p2 $0x0  }
0x16: {  	s3 =	sld [smem:$0x3FDB];
	s0 =	simm.s32 @p2 $0x1  }
0x17: {  	s4 =	simm.s32 $0x1BF5;
	[smem:$0x3FB7] =	sst s0  }
0x18: {  	s0 =	sld [smem:$0x3F9A];
	_ =	swait.ge [sflag:s4], $0x0  }
0x19: {  	s7 =	sld [smem:$0x3F9B]  }
0x1a: {  	s8 =	sadd.s32 $0xFFFFE003, lr  }
0x1b: {  	s9 =	sadd.s32 $0xFFFFFEF7, lr;
	s5 =	simm.s32 $0xFFFFFFFF;
	p2 =	slt.u32 s8, $0xFFFFF086  }
0x1c: {  	p1 =	slt.u32 s9, $0xF7A;
	s5 =	simm.s32 @!p2 $0x0  }
0x1d: {  	s5 =	simm.s32 @p1 $0x1;
	p0 =	seq.s32 s7, s2  }
0x1e: {  	s7 =	smul.u32 @!p0 $0xF7A, s2;
	p2 =	seq.s32 @!p0 s5, $0x0  }
0x1f: {  	s9 =	smul.u32 $0xF7A, s1;
	s8 =	simm.s32 @!p0 $0x1BF5;
	p2 =	por !p2, p0  }
0x20: {  	[sflag:s8] =	ssyncset.s32 @!p0 $0xFFFFF086;
	s6 =	sadd.s32 @!p0 s3, s7;
	s7 =	simm.s32 @!p0 $0x108  }
0x21: {  	s3 =	sadd.s32 s3, s9;
	s6 =	sadd.s32 @!p0 $0x88, s6;
	s7 =	simm.s32 @p2 $0x1082  }
0x22: {  	[simem:s7], [sflag:s8] =	dma.local @!p0 [hbm:s6], $0xF7A  }
0x23: {  	s9 =	sor.u32 $0xD0000000, s2;
	s6 =	simm.s32 $0x108;
	_ =	swait.ge @!p0 [sflag:s8], $0x0  }
0x24: {  	s3 =	sadd.s32 $0x88, s3;
	s6 =	simm.s32 @!p1 $0x1082;
	[sflag:s4] =	ssyncset.s32 $0xFFFFF086  }
0x25: {  	[simem:s6], [sflag:s4] =	dma.local [hbm:s3], $0xF7A  }
0x26: {  	[smem:$0x3F9B] =	sst s1;
	(tag) =	ssettag s2;
	_ =	strace s9  }
0x27: {  	s1 =	sld [smem:$0x3FAB]  }
0x28: {  	s2 =	sld [smem:$0x3FAC]  }
0x29: {  	s4 =	sld [smem:$0x3FAE]  }
0x2a: {  	p0 =	seq.s32 s5, $0x0;
	s5 =	sld [smem:$0x3FAF]  }
0x2b: {  	s6 =	sld [smem:$0x3FB0]  }
0x2c: {  	s7 =	sld [smem:$0x3FB1]  }
0x2d: {  	s3 =	simm.s32 $0x108;
	s8 =	sld [smem:$0x3FB2]  }
0x2e: {  	s3 =	simm.s32 @!p0 $0x1082;
	s9 =	sld [smem:$0x3FB3]  }
0x2f: {  	lr =	sadd.s32 s0, s3;
	s0 =	sld [smem:$0x3FAA]  }
0x30: {  	s3 =	sld [smem:$0x3FAD]  }
0x31: {  	[smem:$0x3FB6] =	sst s10  }
0x32: {  	s10 =	sld [smem:$0x3FB4];
	_ =	sdelay $0x3  }
0x33: {  	p0 =	seq.s32 s10, $0x1;
	s10 =	sld [smem:$0x3FB6];
	_ =	sdelay $0x3  }
0x34: {  	[smem:$0x3FB6] =	sst s10  }
0x35: {  	s10 =	sld [smem:$0x3FB5];
	_ =	sdelay $0x3  }
0x36: {  	p1 =	seq.s32 s10, $0x1;
	s10 =	sld [smem:$0x3FB6];
	_ =	sdelay $0x3  }
0x37: {  	[smem:$0x3FB6] =	sst s10  }
0x38: {  	s10 =	sld [smem:$0x3FB7]  }
0x39: {  	_ = 	snop;
	(pc) =	sbr.ind lr, $3  }
0x3a: {  	_ = 	snop  }
0x3b: {  	_ = 	snop  }
0x3c: {  	p2 =	seq.s32 s10, $0x1;
	s10 =	sld [smem:$0x3FB6]  }
0x3d: {  	_ =	shalt  }
0x3e: {  	_ =	shalt  }
0x3f: {  	_ =	shalt  }
0x40: {  	_ =	shalt  }
0x41: {  	_ =	shalt  }
0x42: {  	_ =	shalt  }
0x43: {  	_ =	shalt  }
0x44: {  	_ =	shalt  }
0x45: {  	_ =	shalt  }
0x46: {  	_ =	shalt  }
0x47: {  	_ =	shalt  }
0x48: {  	_ =	shalt  }
0x49: {  	_ =	shalt  }
0x4a: {  	_ =	shalt  }
0x4b: {  	_ =	shalt  }
0x4c: {  	_ =	shalt  }
0x4d: {  	_ =	shalt  }
0x4e: {  	_ =	shalt  }
0x4f: {  	_ =	shalt  }
0x50: {  	_ =	shalt  }
0x51: {  	_ =	shalt  }
0x52: {  	_ =	shalt  }
0x53: {  	_ =	shalt  }
0x54: {  	_ =	shalt  }
0x55: {  	_ =	shalt  }
0x56: {  	_ =	shalt  }
0x57: {  	_ =	shalt  }
0x58: {  	_ =	shalt  }
0x59: {  	_ =	shalt  }
0x5a: {  	_ =	shalt  }
0x5b: {  	_ =	shalt  }
0x5c: {  	_ =	shalt  }
0x5d: {  	_ =	shalt  }
0x5e: {  	_ =	shalt  }
0x5f: {  	_ =	shalt  }
0x60: {  	_ =	shalt  }
0x61: {  	_ =	shalt  }
0x62: {  	_ =	shalt  }
0x63: {  	_ =	shalt  }
0x64: {  	_ =	shalt  }
0x65: {  	_ =	shalt  }
0x66: {  	_ =	shalt  }
0x67: {  	_ =	shalt  }
0x68: {  	_ =	shalt  }
0x69: {  	_ =	shalt  }
0x6a: {  	_ =	shalt  }
0x6b: {  	_ =	shalt  }
0x6c: {  	_ =	shalt  }
0x6d: {  	_ =	shalt  }
0x6e: {  	_ =	shalt  }
0x6f: {  	_ =	shalt  }
0x70: {  	_ =	shalt  }
0x71: {  	_ =	shalt  }
0x72: {  	_ =	shalt  }
0x73: {  	_ =	shalt  }
0x74: {  	_ =	shalt  }
0x75: {  	_ =	shalt  }
0x76: {  	_ =	shalt  }
0x77: {  	_ =	shalt  }
0x78: {  	_ =	shalt  }
0x79: {  	_ =	shalt  }
0x7a: {  	_ =	shalt  }
0x7b: {  	_ =	shalt  }
0x7c: {  	_ =	shalt  }
0x7d: {  	_ =	shalt  }
0x7e: {  	_ =	shalt  }
0x7f: {  	_ =	shalt  }
0x80: {  	_ =	shalt  }
0x81: {  	_ =	shalt  }
0x82: {  	_ =	shalt  }
0x83: {  	_ =	shalt  }
0x84: {  	_ =	shalt  }
0x85: {  	_ =	shalt  }
0x86: {  	_ =	shalt  }
0x87: {  	_ =	shalt  }
.Lfunc_end0:
.L_simem_size_0:
called_computation.1_lowered:
.L_overlay_start_0:
0x88: {  	s2 =	sld [smem:$0x3FD9]  }
0x89: {  	s3 =	sld [smem:$0x3FFE];
	_ =	sdelay $0x1  }
0x8a: {  	s1 =	srdreg.scid  }
0x8b: {  	s0 =	sand.u32 $0x1, s1  }
0x8c: {  	s17 =	sshll.u32 s0, $0xA;
	s2 =	sadd.s32 s3, s2  }
0x8d: {  	s2 =	sadd.s32 s2, s17  }
0x8e: {  	[smem:$0x3FC2] =	sst s2  }
0x8f: {  	_ = 	snop  }
0x90: {  	s2 =	sld [smem:$0x3FC9]  }
0x91: {  	s18 =	sld [smem:$0x3FD0];
	(tm) =	ssettm $0x1  }
0x92: {  	s4 =	sld [smem:$0x3FFB];
	_ =	sdelay $0x3  }
0x93: {  	_ =	strace s4  }
0x94: {  	s4 =	sld [smem:$0x3FFC];
	_ =	sdelay $0x3  }
0x95: {  	_ =	strace s4  }
0x96: {  	s4 =	sld [smem:$0x3FFD];
	_ =	sdelay $0x3  }
0x97: {  	_ =	strace s4  }
0x98: {  	_ =	strace $0x8FFFFFFF  }
0x99: {  	s19 =	sld [smem:$0x3FDB];
	_ =	sdelay $0x1  }
0x9a: {  	s5 =	simm.s32 $_scs_section_size  }
0x9b: {  	s6 =	simm.s32 $_size__tile_overlayer_lowered;
	s7 =	simm.s32 $_tile_overlayer_lowered  }
0x9c: {  	s22 =	simm.s32 $0x1BFF;
	s21 =	sshll.u32 s7, $0x1;
	s4 =	sadd.s32 s5, s19  }
0x9d: {  	s8 =	simm.s32 $0x0;
	s20 =	sshll.u32 s6, $0x1;
	s6 =	sadd.s32 s21, s4  }
0x9e: {  	[timem:s8], [sflag:s22] =	dma.local [hbm:s6], s20  }
0x9f: {  	_ =	swait.ge [sflag:s22], s20  }
0xa0: {  	s5 =	ssub.s32 $0x0, s20;
	[sflag:s22] =	ssyncset.done $0x0  }
0xa1: {  	[sflag:s22] =	ssyncadd.s32 s5;
	_ =	sdelay $0x1  }
0xa2: {  	s23 =	simm.s32 $0x1B8B  }
0xa3: {  	_ =	swait.ge [sflag:s23], $0x1  }
0xa4: {  	[sflag:s23] =	ssyncset.done $0x0  }
0xa5: {  	s25 =	simm.s32 $0x1B8E;
	s24 =	sld [smem:$0x3FFE];
	[sflag:s23] =	ssyncadd.s32 $0xFFFFFFFF  }
0xa6: {  	s26 =	simm.s32 $execute0_lowered;
	[smem:$0x3FD2] =	sst s25  }
0xa7: {  	s6 =	sshll.u32 s26, $0x1;
	_ =	strace $0x80000049;
	[dreg:$0x1] =	wrdreg $0xFFFFFFFF  }
0xa8: {  	s28 =	simm.s32 $_size_execute0_lowered;
	s4 =	sadd.s32 s4, s6;
	[dreg:$0x0] =	wrdreg $0x0  }
0xa9: {  	s6 =	sshll.u32 s28, $0x1;
	[dreg:$0x2] =	wrdreg s4  }
0xaa: {  	[dreg:$0x3] =	wrdreg s6  }
0xab: {  	[dreg:$0x4] =	wrdreg $0xC0  }
0xac: {  	_ =	task [dreg:s8], $0x5FFFF  }
0xad: {  	[dreg:$0x1] =	wrdreg $0xFFFFFFFF  }
0xae: {  	[dreg:$0x0] =	wrdreg $0x60  }
0xaf: {  	[dreg:$0x2] =	wrdreg s2  }
0xb0: {  	[dreg:$0x3] =	wrdreg s24  }
0xb1: {  	[dreg:$0x4] =	wrdreg s18  }
0xb2: {  	[dreg:$0x5] =	wrdreg $0x9  }
0xb3: {  	_ =	task.clear_ibuf [dreg:s8], $0x6FFFF;
	_ =	strace $0x90000049  }
0xb4: {  	s29 =	simm.s32 $0x9;
	_ =	strace $0x8000004B  }
0xb5: {  	_ =	swait.ge [sflag:s29], $0x1  }
0xb6: {  	[sflag:s29] =	ssyncadd.s32 $0xFFFFFFFF  }
0xb7: {  	_ =	strace $0x9000004B  }
0xb8: {  	_ =	sfence  }
0xb9: {  	s30 =	sld [smem:$0x0];
	_ =	sdelay $0x2  }
0xba: {  	s31 =	sshll.u32 s1, $0xD;
	s1 =	sshrl.u32 s1, $0x2  }
0xbb: {  	s3 =	sand.u32 $0x4000, s31;
	s1 =	sadd.s32 s1, s30  }
0xbc: {  	s0 =	sor.u32 s3, s0;
	s1 =	sshll.u32 s1, $0x11  }
0xbd: {  	s0 =	sor.u32 s1, s0  }
0xbe: {  	s0 =	sadd.s32 $0x8F2B, s0  }
0xbf: {  	[sflag:s0] =	ssyncadd.remote.s32 $0x1  }
0xc0: {  	_ =	sfence.sel $0xFFFF  }
0xc1: {  	[dreg:$0x0] =	wrdreg $0xFFFFFFFF;
	(pc) =	sbr.abs _section_cstart, $3  }
0xc2: {  	[dreg:$0x1] =	wrdreg $0xFFFFFFFF  }
0xc3: {  	_ =	task.clear_ibuf [dreg:s8], $0x2FFFF;
	_ =	strace $0x9FFFFFFF  }
0xc4: {  	(tm) =	ssettm $0x7FFFFFFF  }
0xc5: {  	_ =	shalt  }
tec
execute0_lowered:
.L_overlay_start_1:
0x0: {  	(tag) =	ssettag $0x1  }
0x1: {  	s0 =	rddreg [dreg:$0x0]  }
0x2: {  	s1 =	rddreg [dreg:$0x1]  }
0x3: {  	s10 =	rddreg [dreg:$0x2]  }
0x4: {  	s2 =	simm.s32 $0x0;
	s3 =	srdreg.scid;
	s5 =	stileid.u32  }
0x5: {  	s13 =	simm.s32 $0x2;
	s22 =	simm.s32 $0xC080;
	s26 =	simm.s32 $0x5880  }
0x6: {  	s28 =	simm.s32 $0x6080;
	s29 =	simm.s32 $0x6880;
	s30 =	simm.s32 $0x7080  }
0x7: {  	s31 =	simm.s32 $0x7880;
	s14 =	simm.s32 $0x9880;
	s15 =	simm.s32 $0xA080  }
0x8: {  	s16 =	simm.s32 $0xA880;
	s17 =	simm.s32 $0xB080;
	s18 =	simm.s32 $0xB880  }
0x9: {  	s19 =	simm.s32 $0x1;
	s20 =	simm.s32 $0x0;
	[smem:$0x7FF] =	sst s2  }
0xa: {  	s4 =	sand.u32 $0x1, s3;
	s5 =	sshll.u32 s5, $0x1;
	s3 =	sadd.s32 $0x1000, s1  }
0xb: {  	_ =	strace $0x8000004A;
	s5 =	sor.u32 s4, s5;
	s4 =	ssub.s32 $0x2, s4  }
0xc: {  	s6 =	sshll.u32 s5, $0x3;
	s7 =	sshll.u32 s5, $0x8;
	s8 =	sshrl.u32 s4, $0x1  }
0xd: {  	v2 =	vlaneseq.u32;
	s11 =	smul.u32 $0x1800, s5;
	s7 =	sadd.s32 s7, s1;
	s9 =	sadd.s32 s6, s1  }
0xe: {  	v0 =	vand.u32 $0x7, v2;
	v1 =	vshrl.u32 v2, $0x3;
	s12 =	ssub.s32 s4, s8;
	s8 =	sadd.s32 $0x1200, s1;
	s4 =	sadd.s32 $0x61200, s7  }
0xf: {  	v63 =	vor.u32 $0x8, v2;
	[tilespmem:$0x1FFD0] =	vst v0;
	v62 =	vmul.u32 $0x8, v1;
	s5 =	sadd.s32 s0, s11;
	s6 =	sadd.s32 $0xE00, s9;
	s7 =	sadd.s32 $0x1100, s1  }
0x10: {  	[tilespmem:$0x1FFF0] =	vst v63;
	s9 =	sadd.s32 $0xC00, s9;
	s10 =	sadd.s32 s10, s11;
	s11 =	smax.u32 s12, $0x1  }
0x11: {  	vm0 =	vmmov $0xffff;
	[tilespmem:$0x1FFE0] =	vst v62;
	s0 =	simm.s32 $0x8080;
	s1 =	simm.s32 $0x8880;
	s12 =	simm.s32 $0x9080  }
.LBB2_1:
0x12: {  	s21 =	simm.s32 $0x18080  }
0x13: {  	[tilespmem:s21], [sflag:$0x2] =	stream.linear.gather [hbm4b:s4+s2], $0x800, $0x38;
	[tilespmem:$0x18880] =	vst v63  }
0x14: {  	_ =	swait.ge [sflag:s13], $0x800  }
0x15: {  	[sflag:s13] =	ssyncset.done $0x0  }
0x16: {  	[sflag:s13] =	ssyncadd.s32 $0xFFFFF800  }
0x17: {  	[tilespmem:s22], [sflag:$0x2] =	stream.linear.gather [hbm4b:s5+s2], $0xC000, $0x38;
	[tilespmem:$0x18880] =	vst v63  }
0x18: {  	_ =	swait.ge [sflag:s13], $0xC000  }
0x19: {  	[sflag:s13] =	ssyncset.done $0x0  }
0x1a: {  	[sflag:s13] =	ssyncadd.s32 $0xFFFF4000  }
0x1b: {  	[tilespmem:s2], [sflag:$0x2] =	stream.linear.gather [hbm4b:s6+s2], $0x40, $0x38;
	[tilespmem:$0x18880] =	vst v63  }
0x1c: {  	_ =	swait.ge [sflag:s13], $0x40  }
0x1d: {  	[sflag:s13] =	ssyncset.done $0x0  }
0x1e: {  	[sflag:s13] =	ssyncadd.s32 $0xFFFFFFC0  }
0x1f: {  	v3 =	vld [tilespmem:$0x0];
	_ =	sdelay $0x3  }
0x20: {  	v0 =	vld [tilespmem:$0x1FFD0]  }
0x21: {  	v4 =	vshrl.u32 v3, $0x3  }
0x22: {  	v1 =	vld [tilespmem:$0x1FFE0];
	v4 =	vmul.u32 $0x30, v4  }
0x23: {  	v3 =	vand.u32 $0x7, v3  }
0x24: {  	v3 =	vor.u32 v3, v4  }
0x25: {  	v4 =	vperm.xlane v3, v0  }
0x26: {  	v2 =	vld [tilespmem:$0x1FFF0]  }
0x27: {  	v4 =	vadd.s32 v1, v4;
	_ =	sdelay $0x3  }
0x28: {  	s25 =	simm.s32 $0x80;
	v3 =	vperm.xlane v3, v2  }
0x29: {  	[tilespmem:s25], [sflag:$0x1] =	stream.indirect_vreg.gather [hbm4b:s3+s2], $0x80, v4, vm0, $0xb8;
	[tilespmem:$0x18880] =	vst v63  }
0x2a: {  	s22 =	simm.s32 $0x880;
	v3 =	vadd.s32 v1, v3  }
0x2b: {  	[tilespmem:s22], [sflag:$0x1] =	stream.indirect_vreg.gather [hbm4b:s7+s2], $0x80, v4, vm0, $0xb8;
	[tilespmem:$0x18880] =	vst v63  }
0x2c: {  	s23 =	simm.s32 $0x1080  }
0x2d: {  	[tilespmem:s23], [sflag:$0x1] =	stream.indirect_vreg.gather [hbm4b:s8+s2], $0x80, v4, vm0, $0xb8;
	[tilespmem:$0x18880] =	vst v63  }
0x2e: {  	s24 =	simm.s32 $0x1880  }
0x2f: {  	[tilespmem:s24], [sflag:$0x1] =	stream.indirect_vreg.gather [hbm4b:s3+s2], $0x80, v3, vm0, $0xb8;
	[tilespmem:$0x18880] =	vst v63  }
0x30: {  	s25 =	simm.s32 $0x2080  }
0x31: {  	[tilespmem:s25], [sflag:$0x1] =	stream.indirect_vreg.gather [hbm4b:s7+s2], $0x80, v3, vm0, $0xb8;
	[tilespmem:$0x18880] =	vst v63  }
0x32: {  	s22 =	simm.s32 $0x2880  }
0x33: {  	[tilespmem:s22], [sflag:$0x1] =	stream.indirect_vreg.gather [hbm4b:s8+s2], $0x80, v3, vm0, $0xb8;
	[tilespmem:$0x18880] =	vst v63  }
0x34: {  	v3 =	vld [tilespmem:$0x10];
	_ =	sdelay $0x4  }
0x35: {  	v47 =	vshrl.u32 v3, $0x3  }
0x36: {  	v4 =	vmul.u32 $0x30, v47  }
0x37: {  	v3 =	vand.u32 $0x7, v3  }
0x38: {  	v3 =	vor.u32 v3, v4  }
0x39: {  	v4 =	vperm.xlane v3, v0;
	_ =	sdelay $0x1  }
0x3a: {  	v4 =	vadd.s32 v1, v4;
	_ =	sdelay $0x3  }
0x3b: {  	s23 =	simm.s32 $0x3080;
	v3 =	vperm.xlane v3, v2  }
0x3c: {  	[tilespmem:s23], [sflag:$0x1] =	stream.indirect_vreg.gather [hbm4b:s3+s2], $0x80, v4, vm0, $0xb8;
	[tilespmem:$0x18880] =	vst v63  }
0x3d: {  	s24 =	simm.s32 $0x3880;
	v3 =	vadd.s32 v1, v3  }
0x3e: {  	[tilespmem:s24], [sflag:$0x1] =	stream.indirect_vreg.gather [hbm4b:s7+s2], $0x80, v4, vm0, $0xb8;
	[tilespmem:$0x18880] =	vst v63  }
0x3f: {  	s25 =	simm.s32 $0x4080  }
0x40: {  	[tilespmem:s25], [sflag:$0x1] =	stream.indirect_vreg.gather [hbm4b:s8+s2], $0x80, v4, vm0, $0xb8;
	[tilespmem:$0x18880] =	vst v63  }
0x41: {  	s22 =	simm.s32 $0x4880  }
0x42: {  	[tilespmem:s22], [sflag:$0x1] =	stream.indirect_vreg.gather [hbm4b:s3+s2], $0x80, v3, vm0, $0xb8;
	[tilespmem:$0x18880] =	vst v63  }
0x43: {  	s23 =	simm.s32 $0x5080  }
0x44: {  	[tilespmem:s23], [sflag:$0x1] =	stream.indirect_vreg.gather [hbm4b:s7+s2], $0x80, v3, vm0, $0xb8;
	[tilespmem:$0x18880] =	vst v63  }
0x45: {  	_ = 	snop  }
0x46: {  	[tilespmem:s26], [sflag:$0x1] =	stream.indirect_vreg.gather [hbm4b:s8+s2], $0x80, v3, vm0, $0xb8;
	[tilespmem:$0x18880] =	vst v63  }
0x47: {  	v3 =	vld [tilespmem:$0x20];
	_ =	sdelay $0x4  }
0x48: {  	v48 =	vshrl.u32 v3, $0x3  }
0x49: {  	v4 =	vmul.u32 $0x30, v48  }
0x4a: {  	v3 =	vand.u32 $0x7, v3  }
0x4b: {  	v3 =	vor.u32 v3, v4  }
0x4c: {  	v4 =	vperm.xlane v3, v0;
	_ =	sdelay $0x1  }
0x4d: {  	v4 =	vadd.s32 v1, v4;
	_ =	sdelay $0x3  }
0x4e: {  	v3 =	vperm.xlane v3, v2  }
0x4f: {  	[tilespmem:s28], [sflag:$0x1] =	stream.indirect_vreg.gather [hbm4b:s3+s2], $0x80, v4, vm0, $0xb8;
	[tilespmem:$0x18880] =	vst v63  }
0x50: {  	v3 =	vadd.s32 v1, v3  }
0x51: {  	[tilespmem:s29], [sflag:$0x1] =	stream.indirect_vreg.gather [hbm4b:s7+s2], $0x80, v4, vm0, $0xb8;
	[tilespmem:$0x18880] =	vst v63  }
0x52: {  	_ = 	snop  }
0x53: {  	[tilespmem:s30], [sflag:$0x1] =	stream.indirect_vreg.gather [hbm4b:s8+s2], $0x80, v4, vm0, $0xb8;
	[tilespmem:$0x18880] =	vst v63  }
0x54: {  	_ = 	snop  }
0x55: {  	[tilespmem:s31], [sflag:$0x1] =	stream.indirect_vreg.gather [hbm4b:s3+s2], $0x80, v3, vm0, $0xb8;
	[tilespmem:$0x18880] =	vst v63  }
0x56: {  	_ = 	snop  }
0x57: {  	[tilespmem:s0], [sflag:$0x1] =	stream.indirect_vreg.gather [hbm4b:s7+s2], $0x80, v3, vm0, $0xb8;
	[tilespmem:$0x18880] =	vst v63  }
0x58: {  	_ = 	snop  }
0x59: {  	[tilespmem:s1], [sflag:$0x1] =	stream.indirect_vreg.gather [hbm4b:s8+s2], $0x80, v3, vm0, $0xb8;
	[tilespmem:$0x18880] =	vst v63  }
0x5a: {  	v3 =	vld [tilespmem:$0x30];
	_ =	sdelay $0x4  }
0x5b: {  	v49 =	vshrl.u32 v3, $0x3  }
0x5c: {  	v4 =	vmul.u32 $0x30, v49  }
0x5d: {  	v3 =	vand.u32 $0x7, v3  }
0x5e: {  	v3 =	vor.u32 v3, v4  }
0x5f: {  	v4 =	vperm.xlane v3, v0;
	_ =	sdelay $0x1  }
0x60: {  	v4 =	vadd.s32 v1, v4;
	_ =	sdelay $0x3  }
0x61: {  	v3 =	vperm.xlane v3, v2  }
0x62: {  	[tilespmem:s12], [sflag:$0x1] =	stream.indirect_vreg.gather [hbm4b:s3+s2], $0x80, v4, vm0, $0xb8;
	[tilespmem:$0x18880] =	vst v63  }
0x63: {  	v3 =	vadd.s32 v1, v3  }
0x64: {  	[tilespmem:s14], [sflag:$0x1] =	stream.indirect_vreg.gather [hbm4b:s7+s2], $0x80, v4, vm0, $0xb8;
	[tilespmem:$0x18880] =	vst v63  }
0x65: {  	_ = 	snop  }
0x66: {  	[tilespmem:s15], [sflag:$0x1] =	stream.indirect_vreg.gather [hbm4b:s8+s2], $0x80, v4, vm0, $0xb8;
	[tilespmem:$0x18880] =	vst v63  }
0x67: {  	_ = 	snop  }
0x68: {  	[tilespmem:s16], [sflag:$0x1] =	stream.indirect_vreg.gather [hbm4b:s3+s2], $0x80, v3, vm0, $0xb8;
	[tilespmem:$0x18880] =	vst v63  }
0x69: {  	_ = 	snop  }
0x6a: {  	[tilespmem:s17], [sflag:$0x1] =	stream.indirect_vreg.gather [hbm4b:s7+s2], $0x80, v3, vm0, $0xb8;
	[tilespmem:$0x18880] =	vst v63  }
0x6b: {  	s24 =	simm.s32 $0x0  }
0x6c: {  	[tilespmem:s18], [sflag:$0x1] =	stream.indirect_vreg.gather [hbm4b:s8+s2], $0x80, v3, vm0, $0xb8;
	[tilespmem:$0x18880] =	vst v63  }
0x6d: {  	s21 =	smul.u32 $0x1800, s24;
	_ =	swait.ge [sflag:s19], $0xC000  }
0x6e: {  	s25 =	sand.u32 $0x380, s2;
	[sflag:s19] =	ssyncset.done $0x0  }
0x6f: {  	s21 =	sor.u32 s25, s21;
	[sflag:s19] =	ssyncadd.s32 $0xFFFF4000  }
0x70: {  	v54 =	vld [tilespmem:s21+$0x80]  }
0x71: {  	v55 =	vld [tilespmem:s21+$0x90]  }
0x72: {  	v57 =	vld [tilespmem:s21+$0xA0]  }
0x73: {  	v58 =	vld [tilespmem:s21+$0xB0]  }
0x74: {  	v56 =	vld [tilespmem:s21+$0xC0]  }
0x75: {  	v53 =	vld [tilespmem:s21+$0xD0]  }
0x76: {  	v52 =	vld [tilespmem:s21+$0xE0]  }
0x77: {  	v51 =	vld [tilespmem:s21+$0xF0]  }
0x78: {  	v49 =	vld [tilespmem:s21+$0x480]  }
0x79: {  	v48 =	vld [tilespmem:s21+$0x490]  }
0x7a: {  	v47 =	vld [tilespmem:s21+$0x4A0]  }
0x7b: {  	v45 =	vld [tilespmem:s21+$0x4B0]  }
0x7c: {  	v43 =	vld [tilespmem:s21+$0x4C0]  }
0x7d: {  	v44 =	vld [tilespmem:s21+$0x4D0]  }
0x7e: {  	v42 =	vld [tilespmem:s21+$0x4E0]  }
0x7f: {  	v41 =	vld [tilespmem:s21+$0x4F0]  }
0x80: {  	v40 =	vld [tilespmem:s21+$0x880]  }
0x81: {  	v39 =	vld [tilespmem:s21+$0x890]  }
0x82: {  	v37 =	vld [tilespmem:s21+$0x8A0]  }
0x83: {  	v38 =	vld [tilespmem:s21+$0x8B0]  }
0x84: {  	v34 =	vld [tilespmem:s21+$0x8C0]  }
0x85: {  	v35 =	vld [tilespmem:s21+$0x8D0]  }
0x86: {  	v33 =	vld [tilespmem:s21+$0x8E0]  }
0x87: {  	v31 =	vld [tilespmem:s21+$0x8F0]  }
0x88: {  	v30 =	vld [tilespmem:s21+$0xC80]  }
0x89: {  	v29 =	vld [tilespmem:s21+$0xC90]  }
0x8a: {  	v27 =	vld [tilespmem:s21+$0xCA0]  }
0x8b: {  	v28 =	vld [tilespmem:s21+$0xCB0]  }
0x8c: {  	v26 =	vld [tilespmem:s21+$0xCC0]  }
0x8d: {  	v25 =	vld [tilespmem:s21+$0xCD0]  }
0x8e: {  	v23 =	vld [tilespmem:s21+$0xCE0]  }
0x8f: {  	v24 =	vld [tilespmem:s21+$0xCF0]  }
0x90: {  	v21 =	vld [tilespmem:s21+$0x1080]  }
0x91: {  	v20 =	vld [tilespmem:s21+$0x1090]  }
0x92: {  	v19 =	vld [tilespmem:s21+$0x10A0]  }
0x93: {  	v17 =	vld [tilespmem:s21+$0x10B0]  }
0x94: {  	v15 =	vld [tilespmem:s21+$0x10C0]  }
0x95: {  	v16 =	vld [tilespmem:s21+$0x10D0]  }
0x96: {  	v14 =	vld [tilespmem:s21+$0x10E0]  }
0x97: {  	v13 =	vld [tilespmem:s21+$0x10F0]  }
0x98: {  	v12 =	vld [tilespmem:s21+$0x1480]  }
0x99: {  	v11 =	vld [tilespmem:s21+$0x1490]  }
0x9a: {  	v9 =	vld [tilespmem:s21+$0x14A0]  }
0x9b: {  	v10 =	vld [tilespmem:s21+$0x14B0]  }
0x9c: {  	v50 =	vld [tilespmem:s21+$0x14C0]  }
0x9d: {  	v59 =	vld [tilespmem:s21+$0x14D0]  }
0x9e: {  	v60 =	vld [tilespmem:s21+$0x14E0]  }
0x9f: {  	v61 =	vld [tilespmem:s21+$0x14F0]  }
0xa0: {  	v62 =	vld [tilespmem:s21+$0xD4D0]  }
0xa1: {  	v63 =	vld [tilespmem:s21+$0xD4B0]  }
0xa2: {  	v18 =	vld [tilespmem:s21+$0xD0F0]  }
0xa3: {  	v22 =	vld [tilespmem:s21+$0xD0D0]  }
0xa4: {  	v32 =	vld [tilespmem:s21+$0xD090]  }
0xa5: {  	v36 =	vld [tilespmem:s21+$0xCCF0]  }
0xa6: {  	v46 =	vld [tilespmem:s21+$0xCCB0];
	[tilespmem:$0x1FF70] =	vst v50  }
0xa7: {  	[tilespmem:$0x1FF80] =	vst v59;
	v50 =	vld [tilespmem:s21+$0xCC90]  }
0xa8: {  	[tilespmem:$0x1FF90] =	vst v60;
	v59 =	vld [tilespmem:s21+$0xC8D0]  }
0xa9: {  	[tilespmem:$0x1FFA0] =	vst v61;
	v60 =	vld [tilespmem:s21+$0xC8B0]  }
0xaa: {  	[tilespmem:$0x1FFB0] =	vst v62;
	v62 =	vld [tilespmem:s21+$0xC4F0]  }
0xab: {  	s22 =	simm.s32 $0x0;
	s23 =	simm.s32 $0x1;
	[tilespmem:$0x1FFC0] =	vst v63;
	v63 =	vld [tilespmem:s21+$0xC4D0]  }
.LBB2_2:
0xac: {  	s24 =	sshra.s32 s22, $0x2  }
0xad: {  	v61 =	vld [tilespmem:s24+$0x18080];
	_ =	sdelay $0x1  }
0xae: {  	v4 =	vld [tilespmem:s21+$0xC080]  }
0xaf: {  	v3 =	vld [tilespmem:s21+$0xC090]  }
0xb0: {  	v5 =	vld [tilespmem:s21+$0xC0A0]  }
0xb1: {  	v1 =	vld [tilespmem:s21+$0xC0B0];
	v54 =	vmul.f32 v54, v61  }
0xb2: {  	v2 =	vld [tilespmem:s21+$0xC0F0];
	v55 =	vmul.f32 v55, v61  }
0xb3: {  	v0 =	vld [tilespmem:s21+$0xC490];
	v57 =	vmul.f32 v57, v61;
	v4 =	vadd.f32 v54, v4  }
0xb4: {  	v58 =	vmul.f32 v58, v61;
	v3 =	vadd.f32 v55, v3  }
0xb5: {  	v6 =	vld [tilespmem:s21+$0xC0C0];
	v51 =	vmul.f32 v51, v61;
	v5 =	vadd.f32 v57, v5;
	[tilespmem:s21+$0xC080] =	vst v4  }
0xb6: {  	v7 =	vld [tilespmem:s21+$0xC0D0];
	v48 =	vmul.f32 v48, v61;
	v1 =	vadd.f32 v58, v1;
	[tilespmem:s21+$0xC090] =	vst v3  }
0xb7: {  	v8 =	vld [tilespmem:s21+$0xC0E0];
	v41 =	vmul.f32 v41, v61;
	v2 =	vadd.f32 v51, v2;
	[tilespmem:s21+$0xC0A0] =	vst v5  }
0xb8: {  	v54 =	vmul.f32 v56, v61;
	v0 =	vadd.f32 v48, v0;
	[tilespmem:s21+$0xC0B0] =	vst v1  }
0xb9: {  	v53 =	vmul.f32 v53, v61;
	v62 =	vadd.f32 v41, v62;
	[tilespmem:s21+$0xC0F0] =	vst v2  }
0xba: {  	v55 =	vld [tilespmem:s21+$0xC480];
	v58 =	vmul.f32 v52, v61;
	v4 =	vadd.f32 v54, v6;
	[tilespmem:s21+$0xC490] =	vst v0  }
0xbb: {  	v56 =	vld [tilespmem:s21+$0xC4A0];
	v3 =	vadd.f32 v53, v7;
	v53 =	vmul.f32 v44, v61;
	[tilespmem:s21+$0xC4F0] =	vst v62  }
0xbc: {  	v38 =	vmul.f32 v38, v61;
	v52 =	vld [tilespmem:s21+$0xC4B0];
	v5 =	vadd.f32 v58, v8;
	[tilespmem:s21+$0xC0C0] =	vst v4  }
0xbd: {  	v48 =	vld [tilespmem:s21+$0xC880];
	v54 =	vmul.f32 v49, v61;
	[tilespmem:s21+$0xC0D0] =	vst v3;
	v6 =	vadd.f32 v53, v63  }
0xbe: {  	v57 =	vmul.f32 v47, v61;
	v49 =	vld [tilespmem:s21+$0xC4C0];
	[tilespmem:s21+$0xC0E0] =	vst v5;
	v53 =	vadd.f32 v38, v60  }
0xbf: {  	v8 =	vld [tilespmem:s21+$0xC4E0];
	v58 =	vmul.f32 v45, v61;
	v1 =	vadd.f32 v54, v55;
	[tilespmem:s21+$0xC4D0] =	vst v6  }
0xc0: {  	v40 =	vmul.f32 v40, v61;
	v63 =	vld [tilespmem:s21+$0xC8E0];
	v4 =	vadd.f32 v57, v56;
	[tilespmem:s21+$0xC8B0] =	vst v53  }
0xc1: {  	v51 =	vmul.f32 v43, v61;
	v54 =	vld [tilespmem:s21+$0xC890];
	v3 =	vadd.f32 v58, v52;
	[tilespmem:s21+$0xC480] =	vst v1  }
0xc2: {  	v55 =	vmul.f32 v42, v61;
	v56 =	vld [tilespmem:s21+$0xC8A0];
	v45 =	vadd.f32 v40, v48;
	[tilespmem:s21+$0xC4A0] =	vst v4  }
0xc3: {  	v33 =	vmul.f32 v33, v61;
	v13 =	vmul.f32 v13, v61;
	v58 =	vld [tilespmem:s21+$0xC8C0];
	v57 =	vadd.f32 v51, v49;
	[tilespmem:s21+$0xC4B0] =	vst v3  }
0xc4: {  	v47 =	vld [tilespmem:s21+$0xC8F0];
	v2 =	vadd.f32 v55, v8;
	v8 =	vmul.f32 v39, v61;
	[tilespmem:s21+$0xC880] =	vst v45  }
0xc5: {  	v37 =	vmul.f32 v37, v61;
	v13 =	vadd.f32 v13, v18;
	v18 =	vld [tilespmem:$0x1FF70];
	[tilespmem:s21+$0xC4C0] =	vst v57;
	v57 =	vadd.f32 v33, v63  }
0xc6: {  	v51 =	vld [tilespmem:s21+$0xCC80];
	[tilespmem:s21+$0xC4E0] =	vst v2;
	v48 =	vadd.f32 v8, v54;
	v8 =	vmul.f32 v34, v61  }
0xc7: {  	v49 =	vmul.f32 v35, v61;
	v52 =	vadd.f32 v37, v56;
	v54 =	vld [tilespmem:s21+$0xCCA0];
	[tilespmem:s21+$0xC8E0] =	vst v57  }
0xc8: {  	v31 =	vmul.f32 v31, v61;
	v56 =	vld [tilespmem:s21+$0xCCC0];
	v55 =	vadd.f32 v8, v58;
	[tilespmem:s21+$0xC890] =	vst v48  }
0xc9: {  	v30 =	vmul.f32 v30, v61;
	v29 =	vmul.f32 v29, v61;
	v8 =	vadd.f32 v49, v59;
	v58 =	vld [tilespmem:s21+$0xCCD0];
	[tilespmem:s21+$0xC8A0] =	vst v52  }
0xca: {  	s25 =	sshrl.u32 s23, $0x3;
	v27 =	vmul.f32 v27, v61;
	v28 =	vmul.f32 v28, v61;
	v59 =	vadd.f32 v31, v47;
	v31 =	vld [tilespmem:s21+$0xCCE0];
	[tilespmem:s21+$0xC8C0] =	vst v55  }
0xcb: {  	s22 =	sadd.s32 $0x80, s22;
	s24 =	smul.u32 $0x1800, s25;
	v26 =	vmul.f32 v26, v61;
	v29 =	vadd.f32 v29, v50;
	v60 =	vadd.f32 v30, v51;
	v30 =	vld [tilespmem:s21+$0xD080];
	[tilespmem:s21+$0xC8D0] =	vst v8  }
0xcc: {  	s25 =	sand.u32 $0x380, s22;
	[tilespmem:s21+$0xC8F0] =	vst v59;
	v62 =	vadd.f32 v27, v54;
	v27 =	vadd.f32 v28, v46;
	v28 =	vld [tilespmem:s21+$0xD0A0]  }
0xcd: {  	s24 =	sor.u32 s25, s24;
	[tilespmem:s21+$0xCC80] =	vst v60;
	v63 =	vadd.f32 v26, v56;
	v26 =	vld [tilespmem:s21+$0xD0B0]  }
0xce: {  	v25 =	vmul.f32 v25, v61;
	v54 =	vld [tilespmem:s24+$0x80];
	[tilespmem:s21+$0xCC90] =	vst v29  }
0xcf: {  	v23 =	vmul.f32 v23, v61;
	v24 =	vmul.f32 v24, v61;
	v55 =	vld [tilespmem:s24+$0x90]  }
0xd0: {  	v21 =	vmul.f32 v21, v61;
	v33 =	vadd.f32 v25, v58;
	v25 =	vld [tilespmem:s21+$0xD0C0]  }
0xd1: {  	v34 =	vadd.f32 v23, v31;
	v23 =	vadd.f32 v24, v36;
	v24 =	vld [tilespmem:s21+$0xD0E0]  }
0xd2: {  	v21 =	vadd.f32 v21, v30;
	v30 =	vld [tilespmem:s21+$0xD480];
	[tilespmem:s21+$0xCCA0] =	vst v62  }
0xd3: {  	v19 =	vmul.f32 v19, v61;
	v57 =	vld [tilespmem:s24+$0xA0];
	[tilespmem:s21+$0xCCB0] =	vst v27  }
0xd4: {  	v17 =	vmul.f32 v17, v61;
	v58 =	vld [tilespmem:s24+$0xB0]  }
0xd5: {  	v35 =	vadd.f32 v19, v28;
	v19 =	vld [tilespmem:s21+$0xD490]  }
0xd6: {  	[tilespmem:s21+$0xCCC0] =	vst v63;
	v8 =	vadd.f32 v17, v26;
	v17 =	vld [tilespmem:s21+$0xD4A0]  }
0xd7: {  	v15 =	vmul.f32 v15, v61;
	v16 =	vmul.f32 v16, v61;
	v56 =	vld [tilespmem:s24+$0xC0];
	[tilespmem:s21+$0xCCD0] =	vst v33  }
0xd8: {  	v14 =	vmul.f32 v14, v61;
	v53 =	vld [tilespmem:s24+$0xD0]  }
0xd9: {  	v12 =	vmul.f32 v12, v61;
	v36 =	vadd.f32 v15, v25;
	v15 =	vadd.f32 v16, v22;
	v16 =	vld [tilespmem:s21+$0xD4C0]  }
0xda: {  	v37 =	vadd.f32 v14, v24;
	v14 =	vld [tilespmem:s21+$0xD4E0]  }
0xdb: {  	[tilespmem:s21+$0xCCE0] =	vst v34;
	v38 =	vadd.f32 v12, v30;
	v12 =	vld [tilespmem:s21+$0xD4F0]  }
0xdc: {  	v52 =	vld [tilespmem:s24+$0xE0];
	[tilespmem:s21+$0xCCF0] =	vst v23  }
0xdd: {  	v20 =	vmul.f32 v20, v61;
	v11 =	vmul.f32 v11, v61;
	v51 =	vld [tilespmem:s24+$0xF0];
	[tilespmem:s21+$0xD080] =	vst v21  }
0xde: {  	v9 =	vmul.f32 v9, v61;
	v49 =	vld [tilespmem:s24+$0x480]  }
0xdf: {  	v20 =	vadd.f32 v20, v32;
	v11 =	vadd.f32 v11, v19;
	v19 =	vld [tilespmem:$0x1FF80]  }
0xe0: {  	v60 =	vadd.f32 v9, v17;
	v9 =	vld [tilespmem:$0x1FFC0]  }
0xe1: {  	[tilespmem:s21+$0xD090] =	vst v20;
	v17 =	vld [tilespmem:$0x1FFB0]  }
0xe2: {  	v18 =	vmul.f32 v18, v61;
	v48 =	vld [tilespmem:s24+$0x490];
	[tilespmem:s21+$0xD0A0] =	vst v35  }
0xe3: {  	v47 =	vld [tilespmem:s24+$0x4A0]  }
0xe4: {  	[tilespmem:s21+$0xD0B0] =	vst v8;
	v16 =	vadd.f32 v18, v16;
	v18 =	vld [tilespmem:$0x1FFA0]  }
0xe5: {  	v10 =	vmul.f32 v10, v61;
	v45 =	vld [tilespmem:s24+$0x4B0];
	[tilespmem:s21+$0xD0C0] =	vst v36  }
0xe6: {  	v43 =	vld [tilespmem:s24+$0x4C0]  }
0xe7: {  	[tilespmem:s21+$0xD0D0] =	vst v15;
	v9 =	vadd.f32 v10, v9;
	v10 =	vld [tilespmem:$0x1FF90]  }
0xe8: {  	v44 =	vld [tilespmem:s24+$0x4D0];
	[tilespmem:s21+$0xD0E0] =	vst v37  }
0xe9: {  	v42 =	vld [tilespmem:s24+$0x4E0];
	[tilespmem:s21+$0xD0F0] =	vst v13  }
0xea: {  	v41 =	vld [tilespmem:s24+$0x4F0];
	[tilespmem:s21+$0xD480] =	vst v38  }
0xeb: {  	v19 =	vmul.f32 v19, v61;
	v40 =	vld [tilespmem:s24+$0x880];
	[tilespmem:s21+$0xD490] =	vst v11  }
0xec: {  	v39 =	vld [tilespmem:s24+$0x890];
	[tilespmem:s21+$0xD4A0] =	vst v60;
	v10 =	vmul.f32 v10, v61  }
0xed: {  	v17 =	vadd.f32 v19, v17;
	v18 =	vmul.f32 v18, v61;
	v37 =	vld [tilespmem:s24+$0x8A0];
	[tilespmem:s21+$0xD4B0] =	vst v9  }
0xee: {  	v38 =	vld [tilespmem:s24+$0x8B0];
	[tilespmem:s21+$0xD4C0] =	vst v16;
	v62 =	vadd.f32 v10, v14  }
0xef: {  	v63 =	vadd.f32 v18, v12;
	v34 =	vld [tilespmem:s24+$0x8C0];
	[tilespmem:s21+$0xD4D0] =	vst v17  }
0xf0: {  	v35 =	vld [tilespmem:s24+$0x8D0];
	[tilespmem:s21+$0xD4E0] =	vst v62  }
0xf1: {  	v33 =	vld [tilespmem:s24+$0x8E0];
	[tilespmem:s21+$0xD4F0] =	vst v63;
	s21 =	smov.u32 s24  }
0xf2: {  	v31 =	vld [tilespmem:s21+$0x8F0]  }
0xf3: {  	v30 =	vld [tilespmem:s21+$0xC80]  }
0xf4: {  	v29 =	vld [tilespmem:s21+$0xC90]  }
0xf5: {  	v27 =	vld [tilespmem:s21+$0xCA0]  }
0xf6: {  	v28 =	vld [tilespmem:s21+$0xCB0]  }
0xf7: {  	v26 =	vld [tilespmem:s21+$0xCC0]  }
0xf8: {  	v25 =	vld [tilespmem:s21+$0xCD0]  }
0xf9: {  	v23 =	vld [tilespmem:s21+$0xCE0]  }
0xfa: {  	v24 =	vld [tilespmem:s21+$0xCF0]  }
0xfb: {  	v21 =	vld [tilespmem:s21+$0x1080]  }
0xfc: {  	v20 =	vld [tilespmem:s21+$0x1090]  }
0xfd: {  	v19 =	vld [tilespmem:s21+$0x10A0]  }
0xfe: {  	v17 =	vld [tilespmem:s21+$0x10B0]  }
0xff: {  	v15 =	vld [tilespmem:s21+$0x10C0]  }
0x100: {  	v16 =	vld [tilespmem:s21+$0x10D0]  }
0x101: {  	v14 =	vld [tilespmem:s21+$0x10E0]  }
0x102: {  	v13 =	vld [tilespmem:s21+$0x10F0]  }
0x103: {  	v12 =	vld [tilespmem:s21+$0x1480]  }
0x104: {  	v11 =	vld [tilespmem:s21+$0x1490]  }
0x105: {  	v9 =	vld [tilespmem:s21+$0x14A0]  }
0x106: {  	v10 =	vld [tilespmem:s21+$0x14B0]  }
0x107: {  	v0 =	vld [tilespmem:s21+$0x14C0]  }
0x108: {  	v59 =	vld [tilespmem:s21+$0x14D0]  }
0x109: {  	v60 =	vld [tilespmem:s21+$0x14E0]  }
0x10a: {  	v61 =	vld [tilespmem:s21+$0x14F0]  }
0x10b: {  	v62 =	vld [tilespmem:s21+$0xD4D0]  }
0x10c: {  	v63 =	vld [tilespmem:s21+$0xD4B0]  }
0x10d: {  	v18 =	vld [tilespmem:s21+$0xD0F0]  }
0x10e: {  	v22 =	vld [tilespmem:s21+$0xD0D0]  }
0x10f: {  	v32 =	vld [tilespmem:s21+$0xD090]  }
0x110: {  	v36 =	vld [tilespmem:s21+$0xCCF0]  }
0x111: {  	p0 =	sne.s32 s23, $0x3F;
	v46 =	vld [tilespmem:s21+$0xCCB0];
	[tilespmem:$0x1FF70] =	vst v0  }
.Ltmp0:
0x112: {  	v50 =	vld [tilespmem:s21+$0xCC90];
	[tilespmem:$0x1FF80] =	vst v59;
	(pc) =	sbr.rel @p0 .LBB2_2-.Ltmp0, $4  }
0x113: {  	[tilespmem:$0x1FF90] =	vst v60;
	v59 =	vld [tilespmem:s21+$0xC8D0]  }
0x114: {  	[tilespmem:$0x1FFA0] =	vst v61;
	v60 =	vld [tilespmem:s21+$0xC8B0]  }
0x115: {  	[tilespmem:$0x1FFB0] =	vst v62;
	v62 =	vld [tilespmem:s21+$0xC4F0]  }
0x116: {  	s23 =	sadd.s32 $0x1, s23;
	[tilespmem:$0x1FFC0] =	vst v63;
	v63 =	vld [tilespmem:s21+$0xC4D0]  }
0x117: {  	s22 =	sshra.s32 s22, $0x2  }
0x118: {  	v61 =	vld [tilespmem:s22+$0x18080];
	_ =	sdelay $0x1  }
0x119: {  	v0 =	vld [tilespmem:s21+$0xC080]  }
0x11a: {  	v1 =	vld [tilespmem:s21+$0xC090]  }
0x11b: {  	v2 =	vld [tilespmem:s21+$0xC0A0]  }
0x11c: {  	v4 =	vld [tilespmem:s21+$0xC0B0];
	v3 =	vmul.f32 v54, v61  }
0x11d: {  	v5 =	vmul.f32 v55, v61  }
0x11e: {  	v55 =	vmul.f32 v57, v61;
	v0 =	vadd.f32 v3, v0  }
0x11f: {  	v6 =	vld [tilespmem:s21+$0xC0C0];
	v57 =	vmul.f32 v58, v61;
	v1 =	vadd.f32 v5, v1  }
0x120: {  	v7 =	vld [tilespmem:s21+$0xC0D0];
	v44 =	vmul.f32 v44, v61;
	v2 =	vadd.f32 v55, v2;
	[tilespmem:s21+$0xC080] =	vst v0  }
0x121: {  	v8 =	vld [tilespmem:s21+$0xC0E0];
	v41 =	vmul.f32 v41, v61;
	v4 =	vadd.f32 v57, v4;
	[tilespmem:s21+$0xC090] =	vst v1  }
0x122: {  	v58 =	vmul.f32 v56, v61;
	v54 =	vld [tilespmem:s21+$0xC0F0];
	v44 =	vadd.f32 v44, v63;
	[tilespmem:s21+$0xC0A0] =	vst v2  }
0x123: {  	v56 =	vld [tilespmem:s21+$0xC480];
	v55 =	vmul.f32 v53, v61;
	v41 =	vadd.f32 v41, v62;
	[tilespmem:s21+$0xC0B0] =	vst v4  }
0x124: {  	v3 =	vld [tilespmem:s21+$0xC490];
	v57 =	vmul.f32 v52, v61;
	v0 =	vadd.f32 v58, v6;
	[tilespmem:s21+$0xC4D0] =	vst v44  }
0x125: {  	v51 =	vmul.f32 v51, v61;
	v52 =	vld [tilespmem:s21+$0xC8C0];
	v5 =	vadd.f32 v55, v7;
	[tilespmem:s21+$0xC4F0] =	vst v41  }
0x126: {  	v53 =	vld [tilespmem:s21+$0xC8E0];
	v6 =	vadd.f32 v57, v8;
	v8 =	vmul.f32 v49, v61;
	[tilespmem:s21+$0xC0C0] =	vst v0  }
0x127: {  	v48 =	vmul.f32 v48, v61;
	v62 =	vld [tilespmem:s21+$0xD0A0];
	v1 =	vadd.f32 v51, v54;
	[tilespmem:s21+$0xC0D0] =	vst v5  }
0x128: {  	v34 =	vmul.f32 v34, v61;
	v58 =	vld [tilespmem:s21+$0xC4A0];
	[tilespmem:s21+$0xC0E0] =	vst v6;
	v2 =	vadd.f32 v8, v56  }
0x129: {  	v33 =	vmul.f32 v33, v61;
	v57 =	vld [tilespmem:s21+$0xC4E0];
	[tilespmem:s21+$0xC0F0] =	vst v1;
	v3 =	vadd.f32 v48, v3  }
0x12a: {  	v19 =	vmul.f32 v19, v61;
	v7 =	vld [tilespmem:s21+$0xC8A0];
	v6 =	vadd.f32 v34, v52;
	[tilespmem:s21+$0xC480] =	vst v2  }
0x12b: {  	v47 =	vmul.f32 v47, v61;
	v54 =	vld [tilespmem:s21+$0xC4C0];
	v1 =	vadd.f32 v33, v53;
	[tilespmem:s21+$0xC490] =	vst v3  }
0x12c: {  	v42 =	vmul.f32 v42, v61;
	v51 =	vld [tilespmem:s21+$0xD490];
	v62 =	vadd.f32 v19, v62;
	[tilespmem:s21+$0xC8C0] =	vst v6  }
0x12d: {  	v37 =	vmul.f32 v37, v61;
	v8 =	vld [tilespmem:s21+$0xC4B0];
	v4 =	vadd.f32 v47, v58;
	[tilespmem:s21+$0xC8E0] =	vst v1  }
0x12e: {  	v43 =	vmul.f32 v43, v61;
	v0 =	vld [tilespmem:s21+$0xC880];
	v42 =	vadd.f32 v42, v57;
	[tilespmem:s21+$0xD0A0] =	vst v62  }
0x12f: {  	v5 =	vld [tilespmem:s21+$0xC890];
	v33 =	vmul.f32 v11, v61;
	v7 =	vadd.f32 v37, v7;
	[tilespmem:s21+$0xC4A0] =	vst v4  }
0x130: {  	v45 =	vmul.f32 v45, v61;
	v56 =	vld [tilespmem:s21+$0xCC80];
	v43 =	vadd.f32 v43, v54;
	[tilespmem:s21+$0xC4E0] =	vst v42  }
0x131: {  	v40 =	vmul.f32 v40, v61;
	v53 =	vld [tilespmem:s21+$0xD4A0];
	v6 =	vadd.f32 v33, v51;
	[tilespmem:s21+$0xC8A0] =	vst v7  }
0x132: {  	v39 =	vmul.f32 v39, v61;
	v8 =	vadd.f32 v45, v8;
	[tilespmem:s21+$0xC4C0] =	vst v43  }
0x133: {  	v55 =	vld [tilespmem:s21+$0xC8F0];
	v52 =	vmul.f32 v30, v61;
	v0 =	vadd.f32 v40, v0;
	[tilespmem:s21+$0xD490] =	vst v6  }
0x134: {  	v9 =	vmul.f32 v9, v61;
	v47 =	vld [tilespmem:s21+$0xD0C0];
	v5 =	vadd.f32 v39, v5;
	[tilespmem:s21+$0xC4B0] =	vst v8  }
0x135: {  	v63 =	vmul.f32 v38, v61;
	v37 =	vld [tilespmem:$0x1FF90];
	v3 =	vadd.f32 v52, v56;
	[tilespmem:s21+$0xC880] =	vst v0  }
0x136: {  	v42 =	vld [tilespmem:s21+$0xD080];
	v45 =	vmul.f32 v35, v61;
	v2 =	vadd.f32 v9, v53;
	[tilespmem:s21+$0xC890] =	vst v5  }
0x137: {  	v29 =	vmul.f32 v29, v61;
	v15 =	vmul.f32 v15, v61;
	v8 =	vld [tilespmem:s21+$0xCCC0];
	v0 =	vadd.f32 v63, v60;
	[tilespmem:s21+$0xCC80] =	vst v3  }
0x138: {  	v21 =	vmul.f32 v21, v61;
	v49 =	vmul.f32 v31, v61;
	v56 =	vld [tilespmem:s21+$0xD4E0];
	v5 =	vadd.f32 v45, v59;
	[tilespmem:s21+$0xD4A0] =	vst v2  }
0x139: {  	v44 =	vld [tilespmem:s21+$0xCCE0];
	v57 =	vmul.f32 v26, v61;
	v63 =	vmul.f32 v14, v61;
	v14 =	vadd.f32 v15, v47;
	[tilespmem:s21+$0xC8B0] =	vst v0  }
0x13a: {  	v58 =	vld [tilespmem:s21+$0xCCA0];
	v60 =	vmul.f32 v20, v61;
	v6 =	vmul.f32 v37, v61;
	[tilespmem:s21+$0xC8D0] =	vst v5;
	v0 =	vadd.f32 v49, v55  }
0x13b: {  	v55 =	vmul.f32 v27, v61;
	v27 =	vmul.f32 v28, v61;
	v28 =	vadd.f32 v29, v50;
	[tilespmem:s21+$0xD0C0] =	vst v14  }
0x13c: {  	v20 =	vadd.f32 v21, v42;
	[tilespmem:s21+$0xC8F0] =	vst v0;
	v3 =	vadd.f32 v57, v8;
	v8 =	vmul.f32 v23, v61  }
0x13d: {  	v41 =	vld [tilespmem:s21+$0xD0B0];
	v40 =	vadd.f32 v6, v56;
	[tilespmem:s21+$0xCC90] =	vst v28  }
0x13e: {  	v43 =	vld [tilespmem:s21+$0xCCD0];
	[tilespmem:s21+$0xD080] =	vst v20;
	v8 =	vadd.f32 v8, v44  }
0x13f: {  	v0 =	vadd.f32 v55, v58;
	[tilespmem:s21+$0xD4E0] =	vst v40  }
0x140: {  	v31 =	vld [tilespmem:s21+$0xD480];
	v26 =	vadd.f32 v27, v46;
	[tilespmem:s21+$0xCCE0] =	vst v8;
	v8 =	vmul.f32 v17, v61  }
0x141: {  	v25 =	vmul.f32 v25, v61;
	v48 =	vld [tilespmem:s21+$0xD0E0];
	[tilespmem:s21+$0xCCA0] =	vst v0  }
0x142: {  	v35 =	vld [tilespmem:$0x1FF70];
	v59 =	vmul.f32 v24, v61;
	[tilespmem:s21+$0xCCB0] =	vst v26;
	v8 =	vadd.f32 v8, v41  }
0x143: {  	v39 =	vld [tilespmem:$0x1FFA0];
	v23 =	vadd.f32 v25, v43;
	[tilespmem:s21+$0xCCC0] =	vst v3  }
0x144: {  	v58 =	vld [tilespmem:s21+$0xD4F0];
	v0 =	vadd.f32 v59, v36;
	[tilespmem:s21+$0xD0B0] =	vst v8;
	v8 =	vmul.f32 v12, v61  }
0x145: {  	v36 =	vld [tilespmem:$0x1FF80];
	[tilespmem:s21+$0xCCD0] =	vst v23;
	v3 =	vadd.f32 v60, v32;
	v32 =	vmul.f32 v13, v61  }
0x146: {  	v16 =	vmul.f32 v16, v61;
	v54 =	vld [tilespmem:s21+$0xD4C0];
	[tilespmem:s21+$0xCCF0] =	vst v0;
	v8 =	vadd.f32 v8, v31  }
0x147: {  	v38 =	vld [tilespmem:$0x1FFB0];
	[tilespmem:s21+$0xD090] =	vst v3;
	v0 =	vadd.f32 v32, v18  }
0x148: {  	v2 =	vmul.f32 v39, v61;
	v13 =	vadd.f32 v16, v22;
	[tilespmem:s21+$0xD480] =	vst v8;
	v8 =	vld [tilespmem:$0x1FFC0]  }
0x149: {  	v3 =	vadd.f32 v63, v48;
	[tilespmem:s21+$0xD0F0] =	vst v0;
	v0 =	vmul.f32 v35, v61  }
0x14a: {  	[tilespmem:s21+$0xD0D0] =	vst v13;
	v7 =	vmul.f32 v36, v61;
	v41 =	vadd.f32 v2, v58  }
0x14b: {  	v34 =	vmul.f32 v10, v61;
	[tilespmem:s21+$0xD0E0] =	vst v3;
	v0 =	vadd.f32 v0, v54  }
0x14c: {  	v1 =	vadd.f32 v7, v38;
	[tilespmem:s21+$0xD4F0] =	vst v41  }
0x14d: {  	[tilespmem:s21+$0xD4C0] =	vst v0;
	v3 =	vadd.f32 v34, v8  }
0x14e: {  	[tilespmem:s21+$0xD4D0] =	vst v1  }
0x14f: {  	s22 =	simm.s32 $0x0;
	[tilespmem:s21+$0xD4B0] =	vst v3  }
0x150: {  	[tilespmem:s22], [sflag:$0x2] =	stream.linear.gather [hbm4b:s9+s22], $0x40, $0x38;
	[tilespmem:$0x18880] =	vst v63  }
0x151: {  	_ =	swait.ge [sflag:s13], $0x40  }
0x152: {  	[sflag:s13] =	ssyncset.done $0x0  }
0x153: {  	[sflag:s13] =	ssyncadd.s32 $0xFFFFFFC0  }
0x154: {  	v42 =	vld [tilespmem:$0x0];
	_ =	sdelay $0x3  }
0x155: {  	v44 =	vld [tilespmem:$0x1FFD0]  }
0x156: {  	v43 =	vshrl.u32 v42, $0x3  }
0x157: {  	v45 =	vld [tilespmem:$0x1FFE0];
	v1 =	vmul.u32 $0x30, v43  }
0x158: {  	v0 =	vand.u32 $0x7, v42  }
0x159: {  	v0 =	vor.u32 v0, v1  }
0x15a: {  	v1 =	vperm.xlane v0, v44  }
0x15b: {  	v46 =	vld [tilespmem:$0x1FFF0]  }
0x15c: {  	v1 =	vadd.s32 v45, v1;
	_ =	sdelay $0x3  }
0x15d: {  	s23 =	simm.s32 $0x80;
	v0 =	vperm.xlane v0, v46  }
0x15e: {  	[tilespmem:s23], [sflag:$0x1] =	stream.indirect_vreg.gather [hbm4b:s3+s22], $0x80, v1, vm0, $0xb8;
	[tilespmem:$0x18880] =	vst v63  }
0x15f: {  	s24 =	simm.s32 $0x880;
	v0 =	vadd.s32 v45, v0  }
0x160: {  	[tilespmem:s24], [sflag:$0x1] =	stream.indirect_vreg.gather [hbm4b:s7+s22], $0x80, v1, vm0, $0xb8;
	[tilespmem:$0x18880] =	vst v63  }
0x161: {  	s25 =	simm.s32 $0x1080  }
0x162: {  	[tilespmem:s25], [sflag:$0x1] =	stream.indirect_vreg.gather [hbm4b:s8+s22], $0x80, v1, vm0, $0xb8;
	[tilespmem:$0x18880] =	vst v63  }
0x163: {  	s23 =	simm.s32 $0x1880  }
0x164: {  	[tilespmem:s23], [sflag:$0x1] =	stream.indirect_vreg.gather [hbm4b:s3+s22], $0x80, v0, vm0, $0xb8;
	[tilespmem:$0x18880] =	vst v63  }
0x165: {  	s24 =	simm.s32 $0x2080  }
0x166: {  	[tilespmem:s24], [sflag:$0x1] =	stream.indirect_vreg.gather [hbm4b:s7+s22], $0x80, v0, vm0, $0xb8;
	[tilespmem:$0x18880] =	vst v63  }
0x167: {  	s25 =	simm.s32 $0x2880  }
0x168: {  	[tilespmem:s25], [sflag:$0x1] =	stream.indirect_vreg.gather [hbm4b:s8+s22], $0x80, v0, vm0, $0xb8;
	[tilespmem:$0x18880] =	vst v63  }
0x169: {  	v0 =	vld [tilespmem:$0x10];
	_ =	sdelay $0x4  }
0x16a: {  	v47 =	vshrl.u32 v0, $0x3  }
0x16b: {  	v1 =	vmul.u32 $0x30, v47  }
0x16c: {  	v0 =	vand.u32 $0x7, v0  }
0x16d: {  	v0 =	vor.u32 v0, v1  }
0x16e: {  	v1 =	vperm.xlane v0, v44;
	_ =	sdelay $0x1  }
0x16f: {  	v1 =	vadd.s32 v45, v1;
	_ =	sdelay $0x3  }
0x170: {  	s23 =	simm.s32 $0x3080;
	v0 =	vperm.xlane v0, v46  }
0x171: {  	[tilespmem:s23], [sflag:$0x1] =	stream.indirect_vreg.gather [hbm4b:s3+s22], $0x80, v1, vm0, $0xb8;
	[tilespmem:$0x18880] =	vst v63  }
0x172: {  	s24 =	simm.s32 $0x3880;
	v0 =	vadd.s32 v45, v0  }
0x173: {  	[tilespmem:s24], [sflag:$0x1] =	stream.indirect_vreg.gather [hbm4b:s7+s22], $0x80, v1, vm0, $0xb8;
	[tilespmem:$0x18880] =	vst v63  }
0x174: {  	s25 =	simm.s32 $0x4080  }
0x175: {  	[tilespmem:s25], [sflag:$0x1] =	stream.indirect_vreg.gather [hbm4b:s8+s22], $0x80, v1, vm0, $0xb8;
	[tilespmem:$0x18880] =	vst v63  }
0x176: {  	s23 =	simm.s32 $0x4880  }
0x177: {  	[tilespmem:s23], [sflag:$0x1] =	stream.indirect_vreg.gather [hbm4b:s3+s22], $0x80, v0, vm0, $0xb8;
	[tilespmem:$0x18880] =	vst v63  }
0x178: {  	s24 =	simm.s32 $0x5080  }
0x179: {  	[tilespmem:s24], [sflag:$0x1] =	stream.indirect_vreg.gather [hbm4b:s7+s22], $0x80, v0, vm0, $0xb8;
	[tilespmem:$0x18880] =	vst v63  }
0x17a: {  	_ = 	snop  }
0x17b: {  	[tilespmem:s26], [sflag:$0x1] =	stream.indirect_vreg.gather [hbm4b:s8+s22], $0x80, v0, vm0, $0xb8;
	[tilespmem:$0x18880] =	vst v63  }
0x17c: {  	v0 =	vld [tilespmem:$0x20];
	_ =	sdelay $0x4  }
0x17d: {  	v48 =	vshrl.u32 v0, $0x3  }
0x17e: {  	v1 =	vmul.u32 $0x30, v48  }
0x17f: {  	v0 =	vand.u32 $0x7, v0  }
0x180: {  	v0 =	vor.u32 v0, v1  }
0x181: {  	v1 =	vperm.xlane v0, v44;
	_ =	sdelay $0x1  }
0x182: {  	v1 =	vadd.s32 v45, v1;
	_ =	sdelay $0x3  }
0x183: {  	v0 =	vperm.xlane v0, v46  }
0x184: {  	[tilespmem:s28], [sflag:$0x1] =	stream.indirect_vreg.gather [hbm4b:s3+s22], $0x80, v1, vm0, $0xb8;
	[tilespmem:$0x18880] =	vst v63  }
0x185: {  	v0 =	vadd.s32 v45, v0  }
0x186: {  	[tilespmem:s29], [sflag:$0x1] =	stream.indirect_vreg.gather [hbm4b:s7+s22], $0x80, v1, vm0, $0xb8;
	[tilespmem:$0x18880] =	vst v63  }
0x187: {  	_ = 	snop  }
0x188: {  	[tilespmem:s30], [sflag:$0x1] =	stream.indirect_vreg.gather [hbm4b:s8+s22], $0x80, v1, vm0, $0xb8;
	[tilespmem:$0x18880] =	vst v63  }
0x189: {  	_ = 	snop  }
0x18a: {  	[tilespmem:s31], [sflag:$0x1] =	stream.indirect_vreg.gather [hbm4b:s3+s22], $0x80, v0, vm0, $0xb8;
	[tilespmem:$0x18880] =	vst v63  }
0x18b: {  	_ = 	snop  }
0x18c: {  	[tilespmem:s0], [sflag:$0x1] =	stream.indirect_vreg.gather [hbm4b:s7+s22], $0x80, v0, vm0, $0xb8;
	[tilespmem:$0x18880] =	vst v63  }
0x18d: {  	_ = 	snop  }
0x18e: {  	[tilespmem:s1], [sflag:$0x1] =	stream.indirect_vreg.gather [hbm4b:s8+s22], $0x80, v0, vm0, $0xb8;
	[tilespmem:$0x18880] =	vst v63  }
0x18f: {  	v0 =	vld [tilespmem:$0x30];
	_ =	sdelay $0x4  }
0x190: {  	v49 =	vshrl.u32 v0, $0x3  }
0x191: {  	v1 =	vmul.u32 $0x30, v49  }
0x192: {  	v0 =	vand.u32 $0x7, v0  }
0x193: {  	v0 =	vor.u32 v0, v1  }
0x194: {  	v1 =	vperm.xlane v0, v44;
	_ =	sdelay $0x1  }
0x195: {  	v1 =	vadd.s32 v45, v1;
	_ =	sdelay $0x3  }
0x196: {  	v0 =	vperm.xlane v0, v46  }
0x197: {  	[tilespmem:s12], [sflag:$0x1] =	stream.indirect_vreg.gather [hbm4b:s3+s22], $0x80, v1, vm0, $0xb8;
	[tilespmem:$0x18880] =	vst v63  }
0x198: {  	v0 =	vadd.s32 v45, v0  }
0x199: {  	[tilespmem:s14], [sflag:$0x1] =	stream.indirect_vreg.gather [hbm4b:s7+s22], $0x80, v1, vm0, $0xb8;
	[tilespmem:$0x18880] =	vst v63  }
0x19a: {  	_ = 	snop  }
0x19b: {  	[tilespmem:s15], [sflag:$0x1] =	stream.indirect_vreg.gather [hbm4b:s8+s22], $0x80, v1, vm0, $0xb8;
	[tilespmem:$0x18880] =	vst v63  }
0x19c: {  	_ = 	snop  }
0x19d: {  	[tilespmem:s16], [sflag:$0x1] =	stream.indirect_vreg.gather [hbm4b:s3+s22], $0x80, v0, vm0, $0xb8;
	[tilespmem:$0x18880] =	vst v63  }
0x19e: {  	_ = 	snop  }
0x19f: {  	[tilespmem:s17], [sflag:$0x1] =	stream.indirect_vreg.gather [hbm4b:s7+s22], $0x80, v0, vm0, $0xb8;
	[tilespmem:$0x18880] =	vst v63  }
0x1a0: {  	s25 =	simm.s32 $0x0  }
0x1a1: {  	[tilespmem:s18], [sflag:$0x1] =	stream.indirect_vreg.gather [hbm4b:s8+s22], $0x80, v0, vm0, $0xb8;
	[tilespmem:$0x18880] =	vst v63  }
0x1a2: {  	s21 =	smul.u32 $0x1800, s25;
	_ =	swait.ge [sflag:s19], $0xC000  }
0x1a3: {  	s23 =	sand.u32 $0x380, s22;
	[sflag:s19] =	ssyncset.done $0x0  }
0x1a4: {  	s21 =	sor.u32 s23, s21;
	[sflag:s19] =	ssyncadd.s32 $0xFFFF4000  }
0x1a5: {  	v54 =	vld [tilespmem:s21+$0x80]  }
0x1a6: {  	v55 =	vld [tilespmem:s21+$0x90]  }
0x1a7: {  	v57 =	vld [tilespmem:s21+$0xA0]  }
0x1a8: {  	v58 =	vld [tilespmem:s21+$0xB0]  }
0x1a9: {  	v56 =	vld [tilespmem:s21+$0xC0]  }
0x1aa: {  	v53 =	vld [tilespmem:s21+$0xD0]  }
0x1ab: {  	v52 =	vld [tilespmem:s21+$0xE0]  }
0x1ac: {  	v51 =	vld [tilespmem:s21+$0xF0]  }
0x1ad: {  	v49 =	vld [tilespmem:s21+$0x480]  }
0x1ae: {  	v48 =	vld [tilespmem:s21+$0x490]  }
0x1af: {  	v47 =	vld [tilespmem:s21+$0x4A0]  }
0x1b0: {  	v45 =	vld [tilespmem:s21+$0x4B0]  }
0x1b1: {  	v44 =	vld [tilespmem:s21+$0x4C0]  }
0x1b2: {  	v43 =	vld [tilespmem:s21+$0x4D0]  }
0x1b3: {  	v42 =	vld [tilespmem:s21+$0x4E0]  }
0x1b4: {  	v41 =	vld [tilespmem:s21+$0x4F0]  }
0x1b5: {  	v40 =	vld [tilespmem:s21+$0x880]  }
0x1b6: {  	v39 =	vld [tilespmem:s21+$0x890]  }
0x1b7: {  	v36 =	vld [tilespmem:s21+$0x8A0]  }
0x1b8: {  	v37 =	vld [tilespmem:s21+$0x8B0]  }
0x1b9: {  	v34 =	vld [tilespmem:s21+$0x8C0]  }
0x1ba: {  	v35 =	vld [tilespmem:s21+$0x8D0]  }
0x1bb: {  	v33 =	vld [tilespmem:s21+$0x8E0]  }
0x1bc: {  	v31 =	vld [tilespmem:s21+$0x8F0]  }
0x1bd: {  	v30 =	vld [tilespmem:s21+$0xC80]  }
0x1be: {  	v29 =	vld [tilespmem:s21+$0xC90]  }
0x1bf: {  	v28 =	vld [tilespmem:s21+$0xCA0]  }
0x1c0: {  	v27 =	vld [tilespmem:s21+$0xCB0]  }
0x1c1: {  	v26 =	vld [tilespmem:s21+$0xCC0]  }
0x1c2: {  	v25 =	vld [tilespmem:s21+$0xCD0]  }
0x1c3: {  	v23 =	vld [tilespmem:s21+$0xCE0]  }
0x1c4: {  	v22 =	vld [tilespmem:s21+$0xCF0]  }
0x1c5: {  	v21 =	vld [tilespmem:s21+$0x1080]  }
0x1c6: {  	v20 =	vld [tilespmem:s21+$0x1090]  }
0x1c7: {  	v19 =	vld [tilespmem:s21+$0x10A0]  }
0x1c8: {  	v17 =	vld [tilespmem:s21+$0x10B0]  }
0x1c9: {  	v16 =	vld [tilespmem:s21+$0x10C0]  }
0x1ca: {  	v15 =	vld [tilespmem:s21+$0x10D0]  }
0x1cb: {  	v14 =	vld [tilespmem:s21+$0x10E0]  }
0x1cc: {  	v13 =	vld [tilespmem:s21+$0x10F0]  }
0x1cd: {  	v12 =	vld [tilespmem:s21+$0x1480]  }
0x1ce: {  	v11 =	vld [tilespmem:s21+$0x1490]  }
0x1cf: {  	v9 =	vld [tilespmem:s21+$0x14A0]  }
0x1d0: {  	v50 =	vld [tilespmem:s21+$0x14B0]  }
0x1d1: {  	v59 =	vld [tilespmem:s21+$0x14C0]  }
0x1d2: {  	v60 =	vld [tilespmem:s21+$0x14D0]  }
0x1d3: {  	v61 =	vld [tilespmem:s21+$0x14E0]  }
0x1d4: {  	v62 =	vld [tilespmem:s21+$0x14F0]  }
0x1d5: {  	v63 =	vld [tilespmem:s21+$0xD4D0]  }
0x1d6: {  	v10 =	vld [tilespmem:s21+$0xD4B0]  }
0x1d7: {  	v18 =	vld [tilespmem:s21+$0xD0F0]  }
0x1d8: {  	v24 =	vld [tilespmem:s21+$0xD0D0]  }
0x1d9: {  	v32 =	vld [tilespmem:s21+$0xD090]  }
0x1da: {  	v38 =	vld [tilespmem:s21+$0xCCF0]  }
0x1db: {  	v46 =	vld [tilespmem:s21+$0xCCB0];
	[tilespmem:$0x1FF10] =	vst v50  }
0x1dc: {  	[tilespmem:$0x1FF20] =	vst v59;
	v50 =	vld [tilespmem:s21+$0xCC90]  }
0x1dd: {  	[tilespmem:$0x1FF30] =	vst v60;
	v59 =	vld [tilespmem:s21+$0xC8D0]  }
0x1de: {  	[tilespmem:$0x1FF40] =	vst v61;
	v60 =	vld [tilespmem:s21+$0xC8B0]  }
0x1df: {  	[tilespmem:$0x1FF50] =	vst v62;
	v62 =	vld [tilespmem:s21+$0xC4F0]  }
0x1e0: {  	s23 =	simm.s32 $0x1;
	[tilespmem:$0x1FF60] =	vst v63;
	v63 =	vld [tilespmem:s21+$0xC4D0]  }
.LBB2_4:
0x1e1: {  	s24 =	sshra.s32 s22, $0x2  }
0x1e2: {  	v61 =	vld [tilespmem:s24+$0x18090];
	_ =	sdelay $0x1  }
0x1e3: {  	v4 =	vld [tilespmem:s21+$0xC080]  }
0x1e4: {  	v3 =	vld [tilespmem:s21+$0xC090]  }
0x1e5: {  	v5 =	vld [tilespmem:s21+$0xC0A0]  }
0x1e6: {  	v2 =	vld [tilespmem:s21+$0xC0B0];
	v54 =	vmul.f32 v54, v61  }
0x1e7: {  	v1 =	vld [tilespmem:s21+$0xC0F0];
	v55 =	vmul.f32 v55, v61  }
0x1e8: {  	v0 =	vld [tilespmem:s21+$0xC490];
	v57 =	vmul.f32 v57, v61;
	v4 =	vadd.f32 v54, v4  }
0x1e9: {  	v58 =	vmul.f32 v58, v61;
	v3 =	vadd.f32 v55, v3  }
0x1ea: {  	v6 =	vld [tilespmem:s21+$0xC0C0];
	v51 =	vmul.f32 v51, v61;
	v5 =	vadd.f32 v57, v5;
	[tilespmem:s21+$0xC080] =	vst v4  }
0x1eb: {  	v7 =	vld [tilespmem:s21+$0xC0D0];
	v48 =	vmul.f32 v48, v61;
	v2 =	vadd.f32 v58, v2;
	[tilespmem:s21+$0xC090] =	vst v3  }
0x1ec: {  	v8 =	vld [tilespmem:s21+$0xC0E0];
	v41 =	vmul.f32 v41, v61;
	v1 =	vadd.f32 v51, v1;
	[tilespmem:s21+$0xC0A0] =	vst v5  }
0x1ed: {  	v54 =	vmul.f32 v56, v61;
	v0 =	vadd.f32 v48, v0;
	[tilespmem:s21+$0xC0B0] =	vst v2  }
0x1ee: {  	v53 =	vmul.f32 v53, v61;
	v55 =	vld [tilespmem:s21+$0xC480];
	v62 =	vadd.f32 v41, v62;
	[tilespmem:s21+$0xC0F0] =	vst v1  }
0x1ef: {  	v56 =	vld [tilespmem:s21+$0xC4A0];
	v58 =	vmul.f32 v52, v61;
	v4 =	vadd.f32 v54, v6;
	[tilespmem:s21+$0xC490] =	vst v0  }
0x1f0: {  	v43 =	vmul.f32 v43, v61;
	v52 =	vld [tilespmem:s21+$0xC4B0];
	v3 =	vadd.f32 v53, v7;
	[tilespmem:s21+$0xC4F0] =	vst v62  }
0x1f1: {  	v51 =	vld [tilespmem:s21+$0xC880];
	v54 =	vmul.f32 v49, v61;
	v57 =	vadd.f32 v58, v8;
	[tilespmem:s21+$0xC0C0] =	vst v4  }
0x1f2: {  	v13 =	vmul.f32 v13, v61;
	v49 =	vld [tilespmem:s21+$0xC4C0];
	v58 =	vmul.f32 v47, v61;
	v6 =	vadd.f32 v43, v63;
	[tilespmem:s21+$0xC0D0] =	vst v3  }
0x1f3: {  	v48 =	vmul.f32 v45, v61;
	v8 =	vld [tilespmem:s21+$0xC4E0];
	[tilespmem:s21+$0xC0E0] =	vst v57;
	v2 =	vadd.f32 v54, v55  }
0x1f4: {  	v40 =	vmul.f32 v40, v61;
	v13 =	vadd.f32 v13, v18;
	v18 =	vld [tilespmem:s21+$0xD4F0];
	[tilespmem:s21+$0xC4D0] =	vst v6;
	v4 =	vadd.f32 v58, v56  }
0x1f5: {  	v53 =	vmul.f32 v44, v61;
	v63 =	vld [tilespmem:s21+$0xC8E0];
	v3 =	vadd.f32 v48, v52;
	[tilespmem:s21+$0xC480] =	vst v2  }
0x1f6: {  	v54 =	vld [tilespmem:s21+$0xC890];
	v55 =	vmul.f32 v42, v61;
	v45 =	vadd.f32 v40, v51;
	[tilespmem:s21+$0xC4A0] =	vst v4  }
0x1f7: {  	v37 =	vmul.f32 v37, v61;
	v56 =	vld [tilespmem:s21+$0xC8A0];
	v57 =	vadd.f32 v53, v49;
	[tilespmem:s21+$0xC4B0] =	vst v3  }
0x1f8: {  	v33 =	vmul.f32 v33, v61;
	v51 =	vld [tilespmem:s21+$0xCC80];
	v1 =	vadd.f32 v55, v8;
	[tilespmem:s21+$0xC880] =	vst v45  }
0x1f9: {  	v58 =	vld [tilespmem:s21+$0xC8C0];
	v8 =	vmul.f32 v39, v61;
	v53 =	vadd.f32 v37, v60;
	[tilespmem:s21+$0xC4C0] =	vst v57  }
0x1fa: {  	v36 =	vmul.f32 v36, v61;
	v47 =	vld [tilespmem:s21+$0xC8F0];
	v57 =	vadd.f32 v33, v63;
	[tilespmem:s21+$0xC4E0] =	vst v1  }
0x1fb: {  	v30 =	vmul.f32 v30, v61;
	[tilespmem:s21+$0xC8B0] =	vst v53;
	v48 =	vadd.f32 v8, v54;
	v54 =	vld [tilespmem:s21+$0xCCA0]  }
0x1fc: {  	v8 =	vmul.f32 v34, v61;
	v52 =	vadd.f32 v36, v56;
	v56 =	vld [tilespmem:s21+$0xCCC0];
	[tilespmem:s21+$0xC8E0] =	vst v57  }
0x1fd: {  	v31 =	vmul.f32 v31, v61;
	v49 =	vmul.f32 v35, v61;
	v60 =	vadd.f32 v30, v51;
	v30 =	vld [tilespmem:s21+$0xD080];
	[tilespmem:s21+$0xC890] =	vst v48  }
0x1fe: {  	v29 =	vmul.f32 v29, v61;
	v28 =	vmul.f32 v28, v61;
	v55 =	vadd.f32 v8, v58;
	v58 =	vld [tilespmem:s21+$0xCCD0];
	[tilespmem:s21+$0xC8A0] =	vst v52  }
0x1ff: {  	s25 =	sshrl.u32 s23, $0x3;
	v26 =	vmul.f32 v26, v61;
	v8 =	vadd.f32 v49, v59;
	v59 =	vadd.f32 v31, v47;
	v31 =	vld [tilespmem:s21+$0xCCE0];
	[tilespmem:s21+$0xCC80] =	vst v60  }
0x200: {  	s22 =	sadd.s32 $0x80, s22;
	s24 =	smul.u32 $0x1800, s25;
	v21 =	vmul.f32 v21, v61;
	[tilespmem:s21+$0xC8C0] =	vst v55;
	v62 =	vadd.f32 v28, v54;
	v28 =	vld [tilespmem:s21+$0xD0A0]  }
0x201: {  	s25 =	sand.u32 $0x380, s22;
	v29 =	vadd.f32 v29, v50;
	[tilespmem:s21+$0xC8D0] =	vst v8;
	v63 =	vadd.f32 v26, v56;
	v26 =	vld [tilespmem:s21+$0xD0B0]  }
0x202: {  	s24 =	sor.u32 s25, s24;
	[tilespmem:s21+$0xC8F0] =	vst v59;
	v21 =	vadd.f32 v21, v30;
	v30 =	vld [tilespmem:s21+$0xD480]  }
0x203: {  	v27 =	vmul.f32 v27, v61;
	v25 =	vmul.f32 v25, v61;
	v54 =	vld [tilespmem:s24+$0x80];
	[tilespmem:s21+$0xCC90] =	vst v29  }
0x204: {  	v23 =	vmul.f32 v23, v61;
	v55 =	vld [tilespmem:s24+$0x90]  }
0x205: {  	v27 =	vadd.f32 v27, v46;
	v33 =	vadd.f32 v25, v58;
	v25 =	vld [tilespmem:s21+$0xD0C0]  }
0x206: {  	v34 =	vadd.f32 v23, v31;
	v23 =	vld [tilespmem:s21+$0xD0E0];
	[tilespmem:s21+$0xCCA0] =	vst v62  }
0x207: {  	v19 =	vmul.f32 v19, v61;
	v57 =	vld [tilespmem:s24+$0xA0];
	[tilespmem:s21+$0xCCB0] =	vst v27  }
0x208: {  	v17 =	vmul.f32 v17, v61;
	v58 =	vld [tilespmem:s24+$0xB0]  }
0x209: {  	v22 =	vmul.f32 v22, v61;
	v12 =	vmul.f32 v12, v61;
	v35 =	vadd.f32 v19, v28;
	v19 =	vld [tilespmem:s21+$0xD490]  }
0x20a: {  	v8 =	vadd.f32 v17, v26;
	v17 =	vld [tilespmem:s21+$0xD4A0]  }
0x20b: {  	v22 =	vadd.f32 v22, v38;
	[tilespmem:s21+$0xCCC0] =	vst v63;
	v38 =	vadd.f32 v12, v30;
	v12 =	vld [tilespmem:$0x1FF10]  }
0x20c: {  	v16 =	vmul.f32 v16, v61;
	v56 =	vld [tilespmem:s24+$0xC0];
	[tilespmem:s21+$0xCCD0] =	vst v33  }
0x20d: {  	v14 =	vmul.f32 v14, v61;
	v53 =	vld [tilespmem:s24+$0xD0]  }
0x20e: {  	v36 =	vadd.f32 v16, v25;
	v16 =	vld [tilespmem:s21+$0xD4C0]  }
0x20f: {  	v37 =	vadd.f32 v14, v23;
	v14 =	vld [tilespmem:s21+$0xD4E0]  }
0x210: {  	[tilespmem:s21+$0xCCE0] =	vst v34;
	v23 =	vld [tilespmem:$0x1FF30]  }
0x211: {  	v20 =	vmul.f32 v20, v61;
	v52 =	vld [tilespmem:s24+$0xE0];
	[tilespmem:s21+$0xCCF0] =	vst v22  }
0x212: {  	v11 =	vmul.f32 v11, v61;
	v51 =	vld [tilespmem:s24+$0xF0];
	[tilespmem:s21+$0xD080] =	vst v21  }
0x213: {  	v9 =	vmul.f32 v9, v61;
	v20 =	vadd.f32 v20, v32;
	v49 =	vld [tilespmem:s24+$0x480]  }
0x214: {  	v11 =	vadd.f32 v11, v19;
	v19 =	vld [tilespmem:$0x1FF20]  }
0x215: {  	[tilespmem:s21+$0xD090] =	vst v20;
	v60 =	vadd.f32 v9, v17;
	v17 =	vld [tilespmem:$0x1FF50]  }
0x216: {  	v15 =	vmul.f32 v15, v61;
	v12 =	vmul.f32 v12, v61;
	v48 =	vld [tilespmem:s24+$0x490];
	[tilespmem:s21+$0xD0A0] =	vst v35  }
0x217: {  	v47 =	vld [tilespmem:s24+$0x4A0]  }
0x218: {  	v15 =	vadd.f32 v15, v24;
	[tilespmem:s21+$0xD0B0] =	vst v8;
	v9 =	vadd.f32 v12, v10;
	v10 =	vld [tilespmem:$0x1FF40]  }
0x219: {  	v45 =	vld [tilespmem:s24+$0x4B0];
	[tilespmem:s21+$0xD0C0] =	vst v36  }
0x21a: {  	v44 =	vld [tilespmem:s24+$0x4C0];
	[tilespmem:s21+$0xD0D0] =	vst v15;
	v19 =	vmul.f32 v19, v61  }
0x21b: {  	v43 =	vld [tilespmem:s24+$0x4D0]  }
0x21c: {  	[tilespmem:s21+$0xD0E0] =	vst v37;
	v12 =	vadd.f32 v19, v16;
	v16 =	vld [tilespmem:$0x1FF60]  }
0x21d: {  	v42 =	vld [tilespmem:s24+$0x4E0];
	[tilespmem:s21+$0xD0F0] =	vst v13  }
0x21e: {  	v41 =	vld [tilespmem:s24+$0x4F0];
	[tilespmem:s21+$0xD480] =	vst v38  }
0x21f: {  	v23 =	vmul.f32 v23, v61;
	v40 =	vld [tilespmem:s24+$0x880];
	[tilespmem:s21+$0xD490] =	vst v11  }
0x220: {  	v10 =	vmul.f32 v10, v61;
	v39 =	vld [tilespmem:s24+$0x890];
	[tilespmem:s21+$0xD4A0] =	vst v60  }
0x221: {  	v17 =	vmul.f32 v17, v61;
	v36 =	vld [tilespmem:s24+$0x8A0];
	[tilespmem:s21+$0xD4B0] =	vst v9;
	v16 =	vadd.f32 v23, v16  }
0x222: {  	v62 =	vadd.f32 v10, v14;
	v37 =	vld [tilespmem:s24+$0x8B0];
	[tilespmem:s21+$0xD4C0] =	vst v12  }
0x223: {  	v63 =	vadd.f32 v17, v18;
	v34 =	vld [tilespmem:s24+$0x8C0];
	[tilespmem:s21+$0xD4D0] =	vst v16  }
0x224: {  	v35 =	vld [tilespmem:s24+$0x8D0];
	[tilespmem:s21+$0xD4E0] =	vst v62  }
0x225: {  	v33 =	vld [tilespmem:s24+$0x8E0];
	[tilespmem:s21+$0xD4F0] =	vst v63;
	s21 =	smov.u32 s24  }
0x226: {  	v31 =	vld [tilespmem:s21+$0x8F0]  }
0x227: {  	v30 =	vld [tilespmem:s21+$0xC80]  }
0x228: {  	v29 =	vld [tilespmem:s21+$0xC90]  }
0x229: {  	v28 =	vld [tilespmem:s21+$0xCA0]  }
0x22a: {  	v27 =	vld [tilespmem:s21+$0xCB0]  }
0x22b: {  	v26 =	vld [tilespmem:s21+$0xCC0]  }
0x22c: {  	v25 =	vld [tilespmem:s21+$0xCD0]  }
0x22d: {  	v23 =	vld [tilespmem:s21+$0xCE0]  }
0x22e: {  	v22 =	vld [tilespmem:s21+$0xCF0]  }
0x22f: {  	v21 =	vld [tilespmem:s21+$0x1080]  }
0x230: {  	v20 =	vld [tilespmem:s21+$0x1090]  }
0x231: {  	v19 =	vld [tilespmem:s21+$0x10A0]  }
0x232: {  	v17 =	vld [tilespmem:s21+$0x10B0]  }
0x233: {  	v16 =	vld [tilespmem:s21+$0x10C0]  }
0x234: {  	v15 =	vld [tilespmem:s21+$0x10D0]  }
0x235: {  	v14 =	vld [tilespmem:s21+$0x10E0]  }
0x236: {  	v13 =	vld [tilespmem:s21+$0x10F0]  }
0x237: {  	v12 =	vld [tilespmem:s21+$0x1480]  }
0x238: {  	v11 =	vld [tilespmem:s21+$0x1490]  }
0x239: {  	v9 =	vld [tilespmem:s21+$0x14A0]  }
0x23a: {  	v0 =	vld [tilespmem:s21+$0x14B0]  }
0x23b: {  	v59 =	vld [tilespmem:s21+$0x14C0]  }
0x23c: {  	v60 =	vld [tilespmem:s21+$0x14D0]  }
0x23d: {  	v61 =	vld [tilespmem:s21+$0x14E0]  }
0x23e: {  	v62 =	vld [tilespmem:s21+$0x14F0]  }
0x23f: {  	v63 =	vld [tilespmem:s21+$0xD4D0]  }
0x240: {  	v10 =	vld [tilespmem:s21+$0xD4B0]  }
0x241: {  	v18 =	vld [tilespmem:s21+$0xD0F0]  }
0x242: {  	v24 =	vld [tilespmem:s21+$0xD0D0]  }
0x243: {  	v32 =	vld [tilespmem:s21+$0xD090]  }
0x244: {  	v38 =	vld [tilespmem:s21+$0xCCF0]  }
0x245: {  	p0 =	sne.s32 s23, $0x3F;
	v46 =	vld [tilespmem:s21+$0xCCB0];
	[tilespmem:$0x1FF10] =	vst v0  }
.Ltmp1:
0x246: {  	v50 =	vld [tilespmem:s21+$0xCC90];
	[tilespmem:$0x1FF20] =	vst v59;
	(pc) =	sbr.rel @p0 .LBB2_4-.Ltmp1, $4  }
0x247: {  	[tilespmem:$0x1FF30] =	vst v60;
	v59 =	vld [tilespmem:s21+$0xC8D0]  }
0x248: {  	[tilespmem:$0x1FF40] =	vst v61;
	v60 =	vld [tilespmem:s21+$0xC8B0]  }
0x249: {  	[tilespmem:$0x1FF50] =	vst v62;
	v62 =	vld [tilespmem:s21+$0xC4F0]  }
0x24a: {  	s23 =	sadd.s32 $0x1, s23;
	[tilespmem:$0x1FF60] =	vst v63;
	v63 =	vld [tilespmem:s21+$0xC4D0]  }
0x24b: {  	s22 =	sshra.s32 s22, $0x2  }
0x24c: {  	v61 =	vld [tilespmem:s22+$0x18090];
	_ =	sdelay $0x1  }
0x24d: {  	v0 =	vld [tilespmem:s21+$0xC080]  }
0x24e: {  	v1 =	vld [tilespmem:s21+$0xC090]  }
0x24f: {  	v2 =	vld [tilespmem:s21+$0xC0A0]  }
0x250: {  	v4 =	vld [tilespmem:s21+$0xC0B0];
	v3 =	vmul.f32 v54, v61  }
0x251: {  	v5 =	vmul.f32 v55, v61  }
0x252: {  	v55 =	vmul.f32 v57, v61;
	v0 =	vadd.f32 v3, v0  }
0x253: {  	v57 =	vmul.f32 v58, v61;
	v1 =	vadd.f32 v5, v1  }
0x254: {  	v6 =	vld [tilespmem:s21+$0xC0C0];
	v43 =	vmul.f32 v43, v61;
	v2 =	vadd.f32 v55, v2;
	[tilespmem:s21+$0xC080] =	vst v0  }
0x255: {  	v7 =	vld [tilespmem:s21+$0xC0D0];
	v41 =	vmul.f32 v41, v61;
	v4 =	vadd.f32 v57, v4;
	[tilespmem:s21+$0xC090] =	vst v1  }
0x256: {  	v8 =	vld [tilespmem:s21+$0xC0E0];
	v29 =	vmul.f32 v29, v61;
	v43 =	vadd.f32 v43, v63;
	[tilespmem:s21+$0xC0A0] =	vst v2  }
0x257: {  	v58 =	vmul.f32 v56, v61;
	v54 =	vld [tilespmem:s21+$0xC0F0];
	v41 =	vadd.f32 v41, v62;
	[tilespmem:s21+$0xC0B0] =	vst v4  }
0x258: {  	v56 =	vld [tilespmem:s21+$0xC480];
	v55 =	vmul.f32 v53, v61;
	v29 =	vadd.f32 v29, v50;
	[tilespmem:s21+$0xC4D0] =	vst v43  }
0x259: {  	v3 =	vld [tilespmem:s21+$0xC490];
	v57 =	vmul.f32 v52, v61;
	v0 =	vadd.f32 v58, v6;
	[tilespmem:s21+$0xC4F0] =	vst v41  }
0x25a: {  	v51 =	vmul.f32 v51, v61;
	v53 =	vld [tilespmem:s21+$0xC8A0];
	v5 =	vadd.f32 v55, v7;
	[tilespmem:s21+$0xCC90] =	vst v29  }
0x25b: {  	v52 =	vmul.f32 v49, v61;
	v58 =	vld [tilespmem:s21+$0xC4A0];
	v6 =	vadd.f32 v57, v8;
	[tilespmem:s21+$0xC0C0] =	vst v0  }
0x25c: {  	v48 =	vmul.f32 v48, v61;
	v55 =	vld [tilespmem:s21+$0xC4B0];
	v1 =	vadd.f32 v51, v54;
	[tilespmem:s21+$0xC0D0] =	vst v5  }
0x25d: {  	v36 =	vmul.f32 v36, v61;
	v57 =	vld [tilespmem:s21+$0xC4C0];
	v2 =	vadd.f32 v52, v56;
	[tilespmem:s21+$0xC0E0] =	vst v6  }
0x25e: {  	v47 =	vmul.f32 v47, v61;
	[tilespmem:s21+$0xC0F0] =	vst v1;
	v3 =	vadd.f32 v48, v3  }
0x25f: {  	v45 =	vmul.f32 v45, v61;
	[tilespmem:s21+$0xC480] =	vst v2;
	v7 =	vadd.f32 v36, v53  }
0x260: {  	v44 =	vmul.f32 v44, v61;
	v56 =	vld [tilespmem:s21+$0xC8E0];
	v4 =	vadd.f32 v47, v58;
	[tilespmem:s21+$0xC490] =	vst v3  }
0x261: {  	v51 =	vmul.f32 v35, v61;
	v0 =	vld [tilespmem:s21+$0xC880];
	v8 =	vadd.f32 v45, v55;
	[tilespmem:s21+$0xC8A0] =	vst v7  }
0x262: {  	v15 =	vmul.f32 v15, v61;
	v5 =	vld [tilespmem:s21+$0xC890];
	v44 =	vadd.f32 v44, v57;
	[tilespmem:s21+$0xC4A0] =	vst v4  }
0x263: {  	v2 =	vld [tilespmem:s21+$0xC8F0];
	v53 =	vmul.f32 v33, v61;
	v55 =	vadd.f32 v51, v59;
	[tilespmem:s21+$0xC4B0] =	vst v8  }
0x264: {  	v40 =	vmul.f32 v40, v61;
	v51 =	vadd.f32 v15, v24;
	[tilespmem:s21+$0xC4C0] =	vst v44  }
0x265: {  	v39 =	vmul.f32 v39, v61;
	v54 =	vld [tilespmem:s21+$0xC8C0];
	v56 =	vadd.f32 v53, v56;
	[tilespmem:s21+$0xC8D0] =	vst v55  }
0x266: {  	v58 =	vld [tilespmem:s21+$0xC4E0];
	v57 =	vmul.f32 v31, v61;
	v0 =	vadd.f32 v40, v0;
	[tilespmem:s21+$0xD0D0] =	vst v51  }
0x267: {  	v48 =	vmul.f32 v37, v61;
	v3 =	vld [tilespmem:s21+$0xCC80];
	v5 =	vadd.f32 v39, v5;
	[tilespmem:s21+$0xC8E0] =	vst v56  }
0x268: {  	v49 =	vmul.f32 v34, v61;
	v4 =	vld [tilespmem:s21+$0xCCA0];
	v1 =	vadd.f32 v57, v2;
	[tilespmem:s21+$0xC880] =	vst v0  }
0x269: {  	v42 =	vmul.f32 v42, v61;
	v62 =	vld [tilespmem:s21+$0xD4C0];
	[tilespmem:s21+$0xC890] =	vst v5;
	v0 =	vadd.f32 v48, v60  }
0x26a: {  	v30 =	vmul.f32 v30, v61;
	v8 =	vld [tilespmem:s21+$0xCCC0];
	v5 =	vadd.f32 v49, v54;
	[tilespmem:s21+$0xC8F0] =	vst v1  }
0x26b: {  	v63 =	vmul.f32 v28, v61;
	v44 =	vld [tilespmem:s21+$0xCCD0];
	v42 =	vadd.f32 v42, v58;
	[tilespmem:s21+$0xC8B0] =	vst v0  }
0x26c: {  	v34 =	vmul.f32 v27, v61;
	v45 =	vld [tilespmem:s21+$0xCCE0];
	v3 =	vadd.f32 v30, v3;
	[tilespmem:s21+$0xC8C0] =	vst v5  }
0x26d: {  	v26 =	vmul.f32 v26, v61;
	v57 =	vld [tilespmem:$0x1FF20];
	[tilespmem:s21+$0xC4E0] =	vst v42;
	v1 =	vadd.f32 v63, v4  }
0x26e: {  	v25 =	vmul.f32 v25, v61;
	v58 =	vld [tilespmem:s21+$0xD480];
	[tilespmem:s21+$0xCC80] =	vst v3;
	v3 =	vadd.f32 v34, v46  }
0x26f: {  	v37 =	vld [tilespmem:s21+$0xD0B0];
	v39 =	vmul.f32 v23, v61;
	v8 =	vadd.f32 v26, v8;
	[tilespmem:s21+$0xCCA0] =	vst v1  }
0x270: {  	v40 =	vld [tilespmem:s21+$0xD0A0];
	v41 =	vadd.f32 v25, v44;
	v44 =	vmul.f32 v22, v61;
	[tilespmem:s21+$0xCCB0] =	vst v3  }
0x271: {  	v47 =	vld [tilespmem:s21+$0xD080];
	v53 =	vmul.f32 v12, v61;
	v1 =	vadd.f32 v39, v45;
	[tilespmem:s21+$0xCCC0] =	vst v8  }
0x272: {  	v54 =	vld [tilespmem:s21+$0xD0E0];
	v2 =	vmul.f32 v57, v61;
	v3 =	vadd.f32 v44, v38;
	[tilespmem:s21+$0xCCD0] =	vst v41  }
0x273: {  	v52 =	vld [tilespmem:s21+$0xD0C0];
	v46 =	vmul.f32 v19, v61;
	v5 =	vadd.f32 v53, v58;
	[tilespmem:s21+$0xCCE0] =	vst v1  }
0x274: {  	v59 =	vld [tilespmem:s21+$0xD490];
	v45 =	vmul.f32 v21, v61;
	v0 =	vadd.f32 v2, v62;
	[tilespmem:s21+$0xCCF0] =	vst v3  }
0x275: {  	v50 =	vmul.f32 v14, v61;
	v60 =	vld [tilespmem:s21+$0xD4A0];
	v48 =	vmul.f32 v17, v61;
	v1 =	vadd.f32 v46, v40;
	[tilespmem:s21+$0xD480] =	vst v5  }
0x276: {  	v20 =	vmul.f32 v20, v61;
	v56 =	vld [tilespmem:$0x1FF10];
	v49 =	vmul.f32 v16, v61;
	v8 =	vadd.f32 v45, v47;
	[tilespmem:s21+$0xD4C0] =	vst v0  }
0x277: {  	v58 =	vld [tilespmem:$0x1FF30];
	v3 =	vadd.f32 v48, v37;
	[tilespmem:s21+$0xD0A0] =	vst v1;
	v1 =	vadd.f32 v50, v54;
	v54 =	vmul.f32 v11, v61  }
0x278: {  	v55 =	vmul.f32 v9, v61;
	v62 =	vld [tilespmem:$0x1FF50];
	[tilespmem:s21+$0xD080] =	vst v8;
	v8 =	vadd.f32 v49, v52;
	v52 =	vmul.f32 v13, v61  }
0x279: {  	v47 =	vadd.f32 v20, v32;
	[tilespmem:s21+$0xD0B0] =	vst v3;
	v6 =	vadd.f32 v54, v59;
	v59 =	vld [tilespmem:$0x1FF40]  }
0x27a: {  	v3 =	vadd.f32 v52, v18;
	[tilespmem:s21+$0xD0E0] =	vst v1;
	v1 =	vadd.f32 v55, v60;
	v60 =	vld [tilespmem:$0x1FF60]  }
0x27b: {  	v33 =	vld [tilespmem:s21+$0xD4E0];
	[tilespmem:s21+$0xD090] =	vst v47  }
0x27c: {  	v36 =	vld [tilespmem:s21+$0xD4F0];
	[tilespmem:s21+$0xD0F0] =	vst v3;
	v3 =	vmul.f32 v56, v61  }
0x27d: {  	[tilespmem:s21+$0xD0C0] =	vst v8;
	v5 =	vmul.f32 v58, v61  }
0x27e: {  	[tilespmem:s21+$0xD4A0] =	vst v1;
	v3 =	vadd.f32 v3, v10;
	v1 =	vmul.f32 v59, v61  }
0x27f: {  	[tilespmem:s21+$0xD490] =	vst v6;
	v2 =	vadd.f32 v5, v60;
	v5 =	vmul.f32 v62, v61  }
0x280: {  	[tilespmem:s21+$0xD4B0] =	vst v3;
	v1 =	vadd.f32 v1, v33  }
0x281: {  	s20 =	sadd.s32 $0x1, s20;
	v63 =	vadd.f32 v5, v36;
	[tilespmem:s21+$0xD4D0] =	vst v2  }
0x282: {  	p0 =	sne.s32 s20, s11;
	[tilespmem:s21+$0xD4E0] =	vst v1  }
.Ltmp2:
0x283: {  	s22 =	simm.s32 $0xC080;
	[tilespmem:s21+$0xD4F0] =	vst v63;
	(pc) =	sbr.rel @p0 .LBB2_1-.Ltmp2, $4  }
0x284: {  	[hbm4b:s10+s2] =	stream.linear.scatter [tilespmem:s22], [sflag:$0x2], $0xC000, $0x38;
	[tilespmem:$0x18880] =	vst v63  }
0x285: {  	_ =	swait.ge [sflag:s13], $0xC000  }
0x286: {  	[sflag:s13] =	ssyncset.done $0x0  }
0x287: {  	[sflag:s13] =	ssyncadd.s32 $0xFFFF4000  }
0x288: {  	_ =	sfence.sel $0x180000  }
0x289: {  	[bflag:$0x0] =	sbarrier.arrive $0xFFFF  }
0x28a: {  	_ =	strace $0x9000004A  }
0x28b: {  	s0 =	stileid.u32;
	[bflag:$0x2] =	sbarrier.arrive $0xFFFF  }
0x28c: {  	p0 =	sne.s32 s0, $0x0;
	s0 =	rddreg [dreg:$0x3]  }
0x28d: {  	s0 =	sadd.s32 @!p0 $0x100000, s0  }
0x28e: {  	[sflag:s0] =	ssyncadd.tile.s32 @!p0 $0x1;
	_ =	shalt  }
.Lfunc_end2:
_tile_overlayer_lowered:
.L_overlay_start_2:
0x28f: {  	(tag) =	ssettag $0x2  }
0x290: {  	s0 =	rddreg [dreg:$0x0];
	s2 =	stileid.u32  }
0x291: {  	s1 =	rddreg [dreg:$0x1];
	p0 =	sne.s32 s2, $0x0  }
0x292: {  	s3 =	rddreg [dreg:$0x2];
	[bflag:$0x3] =	sbarrier.arrive $0xFFFF;
	s2 =	simm.s32 @!p0 $0x1C02  }
0x293: {  	[timem:s3], [sflag:s2] =	dma.local @!p0 [hbm:s0], s1  }
0x294: {  	s0 =	simm.s32 @!p0 $0x2  }
0x295: {  	_ =	swait.ge @!p0 [sflag:s0], s1  }
0x296: {  	s1 =	ssub.s32 @!p0 $0x0, s1;
	[sflag:s0] =	ssyncset.done @!p0 $0x0  }
0x297: {  	[sflag:s0] =	ssyncadd.s32 @!p0 s1  }
0x298: {  	[bflag:$0x3] =	sbarrier.arrive $0xFFFF  }
0x299: {  	_ =	shalt  }

</sc_bundles>
